<compile_context>
chip_gen: v7x
topology: tpu7x:2x2x1
jax: 0.10.2.dev20260603
libtpu: 0.0.44.dev20260713+nightly
codegen_flags: <defaults>
</compile_context>

<pallas_src>
import jax
import jax.numpy as jnp
from jax import lax
from jax.experimental import pallas as pl
from jax.experimental.pallas import tpu as pltpu
from jax.experimental.pallas import tpu_sc as plsc

B = 4
S = 8192
C = 768
K = 8
L = 16
CBW = 128
NCB = C // CBW
NSQ = 4
SQ = S // NSQ
GPT = CBW // L
CH = 256
NCH = SQ // CH
TPS = 2 * NCB * NSQ
MPS = 2 * NCB * GPT

_SORT8 = ((0, 1), (2, 3), (4, 5), (6, 7),
          (0, 2), (1, 3), (4, 6), (5, 7),
          (1, 2), (5, 6),
          (0, 4), (1, 5), (2, 6), (3, 7),
          (2, 4), (3, 5),
          (1, 2), (3, 4), (5, 6))

_BITONIC = ((4, (0, 1, 2, 3)), (2, (0, 1, 4, 5)), (1, (0, 2, 4, 6)))


def _sort8(vs):
    vs = list(vs)
    for a, b in _SORT8:
        lo = jnp.minimum(vs[a], vs[b])
        hi = jnp.maximum(vs[a], vs[b])
        vs[a], vs[b] = lo, hi
    return vs


def _bitonic(c, desc):
    c = list(c)
    for d, idxs in _BITONIC:
        for i in idxs:
            lo = jnp.minimum(c[i], c[i + d])
            hi = jnp.maximum(c[i], c[i + d])
            c[i], c[i + d] = (hi, lo) if desc else (lo, hi)
    return c


def _merge_top(lst, other_rev, desc):
    op = jnp.maximum if desc else jnp.minimum
    c = [op(lst[i], other_rev[i]) for i in range(K)]
    return _bitonic(c, desc=desc)


def _consume_chunk(buf, g, carry):
    def batch_body(bi, st):
        base = bi * 8
        s = _sort8([buf[base + i, pl.ds(g * L, L)] for i in range(8)])
        maxs = _merge_top(list(st[:K]), s, desc=True)
        mins = _merge_top(list(st[K:]), s[::-1], desc=False)
        return tuple(maxs) + tuple(mins)

    return lax.fori_loop(0, CH // 8, batch_body, carry)


def _kmink_body(x_hbm, out_hbm, buf0, buf1, state, mbuf, obuf, shared,
                sem0, sem1):
    cid = lax.axis_index("c")
    sid = lax.axis_index("s")
    lane = jnp.arange(L, dtype=jnp.int32)
    bufs = (buf0, buf1)
    sems = (sem0, sem1)

    neg_inf = jnp.full((L,), -jnp.inf, jnp.float32)
    pos_inf = jnp.full((L,), jnp.inf, jnp.float32)

    def do_task(k, _):
        t = sid + 16 * k
        b_local = t // (NCB * NSQ)
        rem = t % (NCB * NSQ)
        cb = rem // NSQ
        sq = rem % NSQ
        b = 2 * cid + b_local
        row0 = sq * SQ

        def src(ci):
            return x_hbm.at[b, pl.ds(row0 + ci * CH, CH),
                            pl.ds(cb * CBW, CBW)]

        def init_state(g, _):
            for i in range(K):
                state[i, pl.ds(g * L, L)] = neg_inf
                state[K + i, pl.ds(g * L, L)] = pos_inf
            return 0

        lax.fori_loop(0, GPT, init_state, 0)

        pltpu.async_copy(src(0), bufs[0], sems[0]).wait()

        def do_chunk_pair(ci, _):
            for bb in range(2):
                ce = ci * 2 + bb
                nxt = 1 - bb
                have_next = ce + 1 < NCH

                @pl.when(have_next)
                def _():
                    pltpu.async_copy(src(ce + 1), bufs[nxt], sems[nxt])

                def do_group(g, _):
                    carry = tuple(state[i, pl.ds(g * L, L)]
                                  for i in range(2 * K))
                    carry = _consume_chunk(bufs[bb], g, carry)
                    for i in range(2 * K):
                        state[i, pl.ds(g * L, L)] = carry[i]
                    return 0

                lax.fori_loop(0, GPT, do_group, 0)

                @pl.when(have_next)
                def _():
                    pltpu.make_async_copy(src(ce + 1), bufs[nxt],
                                          sems[nxt]).wait()
            return 0

        lax.fori_loop(0, NCH // 2, do_chunk_pair, 0)
        pltpu.sync_copy(state, shared.at[t])
        return 0

    lax.fori_loop(0, TPS // 16, do_task, 0)
    plsc.subcore_barrier()

    def do_merge(k, _):
        u = sid + 16 * k
        b_local = u // (NCB * GPT)
        rem = u % (NCB * GPT)
        cb = rem // GPT
        g = rem % GPT
        b = 2 * cid + b_local

        for sq in range(NSQ):
            t = b_local * (NCB * NSQ) + cb * NSQ + sq
            pltpu.sync_copy(shared.at[t], mbuf.at[sq])

        maxs = [mbuf[0, i, pl.ds(g * L, L)] for i in range(K)]
        mins = [mbuf[0, K + i, pl.ds(g * L, L)] for i in range(K)]
        for sq in range(1, NSQ):
            pmax = [mbuf[sq, i, pl.ds(g * L, L)] for i in range(K)]
            pmin = [mbuf[sq, K + i, pl.ds(g * L, L)] for i in range(K)]
            maxs = _merge_top(maxs, pmax[::-1], desc=True)
            mins = _merge_top(mins, pmin[::-1], desc=False)

        for i in range(K):
            plsc.store_scatter(obuf, [lane, jnp.full((L,), i, jnp.int32)],
                               mins[i])
            plsc.store_scatter(obuf, [lane, jnp.full((L,), K + i, jnp.int32)],
                               maxs[i])
        pltpu.sync_copy(obuf, out_hbm.at[b, pl.ds(cb * CBW + g * L, L), :])
        return 0

    lax.fori_loop(0, MPS // 16, do_merge, 0)


@jax.jit
def kernel(input):
    mesh = plsc.VectorSubcoreMesh(core_axis_name="c", subcore_axis_name="s")
    run = pl.kernel(
        _kmink_body,
        out_type=jax.ShapeDtypeStruct((B, C, 2 * K), jnp.float32),
        mesh=mesh,
        scratch_types=[
            pltpu.VMEM((CH, CBW), jnp.float32),
            pltpu.VMEM((CH, CBW), jnp.float32),
            pltpu.VMEM((2 * K, CBW), jnp.float32),
            pltpu.VMEM((NSQ, 2 * K, CBW), jnp.float32),
            pltpu.VMEM((L, 2 * K), jnp.float32),
            pltpu.VMEM_SHARED((TPS, 2 * K, CBW), jnp.float32),
            pltpu.SemaphoreType.DMA,
            pltpu.SemaphoreType.DMA,
        ],
        compiler_params=pltpu.CompilerParams(
            use_tc_tiling_on_sc=True, needs_layout_passes=False
        ),
    )
    return run(input)

# --- scband reference (transcript-rebuilt; emitter-appended) ---
"""Pipeline reference for scband-k-mink-max-pooling1-d-53970559041791 (READ-ONLY COPY).

The authoritative reference and input builder live on the scoring server;
editing this copy changes nothing except your own understanding.
"""

import jax, jax.numpy as jnp
import numpy as np

TOPK_MIN = 8
TOPK_MAX = 8


def setup_inputs(seed: int = 0) -> dict:
    key = jax.random.key(seed)
    x = jax.random.normal(key, (4, 8192, 768), dtype=jnp.float32)
    return {"input": x}


def reference(input):
    # transpose [B, S, C] -> [B, C, S]
    xt = jnp.transpose(input, (0, 2, 1))
    # k smallest values (sorted ascending), via top_k on negated input
    kmin = -jax.lax.top_k(-xt, TOPK_MIN)[0]
    # k largest values (sorted descending)
    kmax = jax.lax.top_k(xt, TOPK_MAX)[0]
    # concatenate along last axis -> [B, C, topk_min + topk_max]
    return jnp.concatenate([kmin, kmax], axis=-1)

if __name__ == "__main__":
    import jax
    _d = setup_inputs()
    print(jax.jit(kernel)(*tuple(_d.values())))

</pallas_src>

<mosaic_0001>
#map = affine_map<(d0, d1) -> (0, 0, 0)>
module attributes {stable_mosaic.version = 14 : i64} {
  func.func @_kmink_body(%arg0: i32, %arg1: i32, %arg2: memref<4x8192x768xf32, #tpu.memory_space<hbm>>, %arg3: memref<4x768x16xf32, #tpu.memory_space<hbm>>, %arg4: memref<256x128xf32, #tpu.memory_space<vmem>>, %arg5: memref<256x128xf32, #tpu.memory_space<vmem>>, %arg6: memref<16x128xf32, #tpu.memory_space<vmem>>, %arg7: memref<4x16x128xf32, #tpu.memory_space<vmem>>, %arg8: memref<16x16xf32, #tpu.memory_space<vmem>>, %arg9: memref<48x16x128xf32, #tpu.memory_space<vmem_shared>>, %arg10: memref<!tpu.dma_semaphore, #tpu.memory_space<semaphore_mem>>, %arg11: memref<!tpu.dma_semaphore, #tpu.memory_space<semaphore_mem>>) attributes {dimension_semantics = [#tpu.dimension_semantics<core_parallel>, #tpu.dimension_semantics<subcore_parallel>], iteration_bounds = array<i64: 2, 16>, scalar_prefetch = 0 : i64, scratch_operands = 8 : i64, tpu.core_type = #tpu.core_type<sc_vector_subcore>, window_params = [{transform_indices = #map}, {transform_indices = #map}]} {
    %iota3A = tpu.iota {dimensions = array<i32: 0>} : vector<16xi32>
    %broadcast_in_dim3A = arith.constant 0xFF800000 : f32
    %broadcast_in_dim3A_0 = vector.broadcast %broadcast_in_dim3A : f32 to vector<16xf32>
    %broadcast_in_dim3A_1 = arith.constant 0x7F800000 : f32
    %broadcast_in_dim3A_2 = vector.broadcast %broadcast_in_dim3A_1 : f32 to vector<16xf32>
    %scan3A = arith.constant 0 : i32
    %scan3A_3 = arith.constant 0 : i32
    %scan3A_4 = arith.constant 3 : i32
    %scan3A_5 = arith.addi %scan3A_3, %scan3A_4 : i32
    %scan3A_6 = arith.constant 1 : i32
    %scan3A_7 = scf.for %scan3A_16 = %scan3A_3 to %scan3A_5 step %scan3A_6 iter_args(%scan3A_17 = %scan3A) -> (i32)  : i32 {
      %mul3A = arith.constant 16 : i32
      %mul3A_18 = arith.muli %mul3A, %scan3A_16 : i32
      %add3A = arith.addi %arg1, %mul3A_18 : i32
      %jit3A = arith.constant 24 : i32
      %div3A = arith.divsi %add3A, %jit3A : i32
      %sign3A = arith.constant 0 : i32
      %sign3A_19 = arith.cmpi sgt, %add3A, %sign3A : i32
      %sign3A_20 = arith.extui %sign3A_19 : i1 to i32
      %sign3A_21 = arith.constant 0 : i32
      %sign3A_22 = arith.cmpi slt, %add3A, %sign3A_21 : i32
      %sign3A_23 = arith.extui %sign3A_22 : i1 to i32
      %sign3A_24 = arith.subi %sign3A_20, %sign3A_23 : i32
      %sign3A_25 = arith.constant 0 : i32
      %sign3A_26 = arith.cmpi sgt, %jit3A, %sign3A_25 : i32
      %sign3A_27 = arith.extui %sign3A_26 : i1 to i32
      %sign3A_28 = arith.constant 0 : i32
      %sign3A_29 = arith.cmpi slt, %jit3A, %sign3A_28 : i32
      %sign3A_30 = arith.extui %sign3A_29 : i1 to i32
      %sign3A_31 = arith.subi %sign3A_27, %sign3A_30 : i32
      %ne3A = arith.cmpi ne, %sign3A_24, %sign3A_31 : i32
      %rem3A = arith.remsi %add3A, %jit3A : i32
      %ne3A_32 = arith.constant 0 : i32
      %ne3A_33 = arith.cmpi ne, %rem3A, %ne3A_32 : i32
      %and3A = arith.andi %ne3A, %ne3A_33 : i1
      %sub3A = arith.constant 1 : i32
      %sub3A_34 = arith.subi %div3A, %sub3A : i32
      %select_n3A = arith.select %and3A, %sub3A_34, %div3A : i32
      %jit3A_35 = arith.constant 24 : i32
      %eq3A = arith.constant 0 : i32
      %eq3A_36 = arith.cmpi eq, %jit3A_35, %eq3A : i32
      %jit3A_37 = arith.constant 1 : i32
      %select_n3A_38 = arith.select %eq3A_36, %jit3A_37, %jit3A_35 : i32
      %rem3A_39 = arith.remsi %add3A, %select_n3A_38 : i32
      %ne3A_40 = arith.constant 0 : i32
      %ne3A_41 = arith.cmpi ne, %rem3A_39, %ne3A_40 : i32
      %lt3A = arith.constant 0 : i32
      %lt3A_42 = arith.cmpi slt, %rem3A_39, %lt3A : i32
      %lt3A_43 = arith.constant 0 : i32
      %lt3A_44 = arith.cmpi slt, %select_n3A_38, %lt3A_43 : i32
      %ne3A_45 = arith.xori %lt3A_42, %lt3A_44 : i1
      %and3A_46 = arith.andi %ne3A_45, %ne3A_41 : i1
      %add3A_47 = arith.addi %rem3A_39, %select_n3A_38 : i32
      %select_n3A_48 = arith.select %and3A_46, %add3A_47, %rem3A_39 : i32
      %jit3A_49 = arith.constant 4 : i32
      %div3A_50 = arith.divsi %select_n3A_48, %jit3A_49 : i32
      %sign3A_51 = arith.constant 0 : i32
      %sign3A_52 = arith.cmpi sgt, %select_n3A_48, %sign3A_51 : i32
      %sign3A_53 = arith.extui %sign3A_52 : i1 to i32
      %sign3A_54 = arith.constant 0 : i32
      %sign3A_55 = arith.cmpi slt, %select_n3A_48, %sign3A_54 : i32
      %sign3A_56 = arith.extui %sign3A_55 : i1 to i32
      %sign3A_57 = arith.subi %sign3A_53, %sign3A_56 : i32
      %sign3A_58 = arith.constant 0 : i32
      %sign3A_59 = arith.cmpi sgt, %jit3A_49, %sign3A_58 : i32
      %sign3A_60 = arith.extui %sign3A_59 : i1 to i32
      %sign3A_61 = arith.constant 0 : i32
      %sign3A_62 = arith.cmpi slt, %jit3A_49, %sign3A_61 : i32
      %sign3A_63 = arith.extui %sign3A_62 : i1 to i32
      %sign3A_64 = arith.subi %sign3A_60, %sign3A_63 : i32
      %ne3A_65 = arith.cmpi ne, %sign3A_57, %sign3A_64 : i32
      %rem3A_66 = arith.remsi %select_n3A_48, %jit3A_49 : i32
      %ne3A_67 = arith.constant 0 : i32
      %ne3A_68 = arith.cmpi ne, %rem3A_66, %ne3A_67 : i32
      %and3A_69 = arith.andi %ne3A_65, %ne3A_68 : i1
      %sub3A_70 = arith.constant 1 : i32
      %sub3A_71 = arith.subi %div3A_50, %sub3A_70 : i32
      %select_n3A_72 = arith.select %and3A_69, %sub3A_71, %div3A_50 : i32
      %jit3A_73 = arith.constant 4 : i32
      %eq3A_74 = arith.constant 0 : i32
      %eq3A_75 = arith.cmpi eq, %jit3A_73, %eq3A_74 : i32
      %jit3A_76 = arith.constant 1 : i32
      %select_n3A_77 = arith.select %eq3A_75, %jit3A_76, %jit3A_73 : i32
      %rem3A_78 = arith.remsi %select_n3A_48, %select_n3A_77 : i32
      %ne3A_79 = arith.constant 0 : i32
      %ne3A_80 = arith.cmpi ne, %rem3A_78, %ne3A_79 : i32
      %lt3A_81 = arith.constant 0 : i32
      %lt3A_82 = arith.cmpi slt, %rem3A_78, %lt3A_81 : i32
      %lt3A_83 = arith.constant 0 : i32
      %lt3A_84 = arith.cmpi slt, %select_n3A_77, %lt3A_83 : i32
      %ne3A_85 = arith.xori %lt3A_82, %lt3A_84 : i1
      %and3A_86 = arith.andi %ne3A_85, %ne3A_80 : i1
      %add3A_87 = arith.addi %rem3A_78, %select_n3A_77 : i32
      %select_n3A_88 = arith.select %and3A_86, %add3A_87, %rem3A_78 : i32
      %mul3A_89 = arith.constant 2 : i32
      %mul3A_90 = arith.muli %mul3A_89, %arg0 : i32
      %add3A_91 = arith.addi %mul3A_90, %select_n3A : i32
      %mul3A_92 = arith.constant 2048 : i32
      %mul3A_93 = arith.muli %select_n3A_88, %mul3A_92 : i32
      %scan3A_94 = arith.constant 0 : i32
      %scan3A_95 = arith.constant 0 : i32
      %scan3A_96 = arith.constant 8 : i32
      %scan3A_97 = arith.addi %scan3A_95, %scan3A_96 : i32
      %scan3A_98 = arith.constant 1 : i32
      %scan3A_99 = scf.for %scan3A_119 = %scan3A_95 to %scan3A_97 step %scan3A_98 iter_args(%scan3A_120 = %scan3A_94) -> (i32)  : i32 {
        %mul3A_121 = arith.constant 16 : i32
        %mul3A_122 = arith.muli %scan3A_119, %mul3A_121 : i32
        %swap3A = arith.constant 0 : i32
        %swap3A_123 = arith.index_cast %swap3A : i32 to index
        %swap3A_124 = arith.index_cast %mul3A_122 : i32 to index
        %swap3A_125 = tpu.vector_load %arg6[%swap3A_123, %swap3A_124] {strides = array<i32>} : memref<16x128xf32, #tpu.memory_space<vmem>>, vector<16xf32>,
        tpu.vector_store %arg6[%swap3A_123, %swap3A_124], %broadcast_in_dim3A_0 {strides = array<i32>} : memref<16x128xf32, #tpu.memory_space<vmem>>, vector<16xf32>,
        %mul3A_126 = arith.constant 16 : i32
        %mul3A_127 = arith.muli %scan3A_119, %mul3A_126 : i32
        %swap3A_128 = arith.constant 8 : i32
        %swap3A_129 = arith.index_cast %swap3A_128 : i32 to index
        %swap3A_130 = arith.index_cast %mul3A_127 : i32 to index
        %swap3A_131 = tpu.vector_load %arg6[%swap3A_129, %swap3A_130] {strides = array<i32>} : memref<16x128xf32, #tpu.memory_space<vmem>>, vector<16xf32>,
        tpu.vector_store %arg6[%swap3A_129, %swap3A_130], %broadcast_in_dim3A_2 {strides = array<i32>} : memref<16x128xf32, #tpu.memory_space<vmem>>, vector<16xf32>,
        %mul3A_132 = arith.constant 16 : i32
        %mul3A_133 = arith.muli %scan3A_119, %mul3A_132 : i32
        %swap3A_134 = arith.constant 1 : i32
        %swap3A_135 = arith.index_cast %swap3A_134 : i32 to index
        %swap3A_136 = arith.index_cast %mul3A_133 : i32 to index
        %swap3A_137 = tpu.vector_load %arg6[%swap3A_135, %swap3A_136] {strides = array<i32>} : memref<16x128xf32, #tpu.memory_space<vmem>>, vector<16xf32>,
        tpu.vector_store %arg6[%swap3A_135, %swap3A_136], %broadcast_in_dim3A_0 {strides = array<i32>} : memref<16x128xf32, #tpu.memory_space<vmem>>, vector<16xf32>,
        %mul3A_138 = arith.constant 16 : i32
        %mul3A_139 = arith.muli %scan3A_119, %mul3A_138 : i32
        %swap3A_140 = arith.constant 9 : i32
        %swap3A_141 = arith.index_cast %swap3A_140 : i32 to index
        %swap3A_142 = arith.index_cast %mul3A_139 : i32 to index
        %swap3A_143 = tpu.vector_load %arg6[%swap3A_141, %swap3A_142] {strides = array<i32>} : memref<16x128xf32, #tpu.memory_space<vmem>>, vector<16xf32>,
        tpu.vector_store %arg6[%swap3A_141, %swap3A_142], %broadcast_in_dim3A_2 {strides = array<i32>} : memref<16x128xf32, #tpu.memory_space<vmem>>, vector<16xf32>,
        %mul3A_144 = arith.constant 16 : i32
        %mul3A_145 = arith.muli %scan3A_119, %mul3A_144 : i32
        %swap3A_146 = arith.constant 2 : i32
        %swap3A_147 = arith.index_cast %swap3A_146 : i32 to index
        %swap3A_148 = arith.index_cast %mul3A_145 : i32 to index
        %swap3A_149 = tpu.vector_load %arg6[%swap3A_147, %swap3A_148] {strides = array<i32>} : memref<16x128xf32, #tpu.memory_space<vmem>>, vector<16xf32>,
        tpu.vector_store %arg6[%swap3A_147, %swap3A_148], %broadcast_in_dim3A_0 {strides = array<i32>} : memref<16x128xf32, #tpu.memory_space<vmem>>, vector<16xf32>,
        %mul3A_150 = arith.constant 16 : i32
        %mul3A_151 = arith.muli %scan3A_119, %mul3A_150 : i32
        %swap3A_152 = arith.constant 10 : i32
        %swap3A_153 = arith.index_cast %swap3A_152 : i32 to index
        %swap3A_154 = arith.index_cast %mul3A_151 : i32 to index
        %swap3A_155 = tpu.vector_load %arg6[%swap3A_153, %swap3A_154] {strides = array<i32>} : memref<16x128xf32, #tpu.memory_space<vmem>>, vector<16xf32>,
        tpu.vector_store %arg6[%swap3A_153, %swap3A_154], %broadcast_in_dim3A_2 {strides = array<i32>} : memref<16x128xf32, #tpu.memory_space<vmem>>, vector<16xf32>,
        %mul3A_156 = arith.constant 16 : i32
        %mul3A_157 = arith.muli %scan3A_119, %mul3A_156 : i32
        %swap3A_158 = arith.constant 3 : i32
        %swap3A_159 = arith.index_cast %swap3A_158 : i32 to index
        %swap3A_160 = arith.index_cast %mul3A_157 : i32 to index
        %swap3A_161 = tpu.vector_load %arg6[%swap3A_159, %swap3A_160] {strides = array<i32>} : memref<16x128xf32, #tpu.memory_space<vmem>>, vector<16xf32>,
        tpu.vector_store %arg6[%swap3A_159, %swap3A_160], %broadcast_in_dim3A_0 {strides = array<i32>} : memref<16x128xf32, #tpu.memory_space<vmem>>, vector<16xf32>,
        %mul3A_162 = arith.constant 16 : i32
        %mul3A_163 = arith.muli %scan3A_119, %mul3A_162 : i32
        %swap3A_164 = arith.constant 11 : i32
        %swap3A_165 = arith.index_cast %swap3A_164 : i32 to index
        %swap3A_166 = arith.index_cast %mul3A_163 : i32 to index
        %swap3A_167 = tpu.vector_load %arg6[%swap3A_165, %swap3A_166] {strides = array<i32>} : memref<16x128xf32, #tpu.memory_space<vmem>>, vector<16xf32>,
        tpu.vector_store %arg6[%swap3A_165, %swap3A_166], %broadcast_in_dim3A_2 {strides = array<i32>} : memref<16x128xf32, #tpu.memory_space<vmem>>, vector<16xf32>,
        %mul3A_168 = arith.constant 16 : i32
        %mul3A_169 = arith.muli %scan3A_119, %mul3A_168 : i32
        %swap3A_170 = arith.constant 4 : i32
        %swap3A_171 = arith.index_cast %swap3A_170 : i32 to index
        %swap3A_172 = arith.index_cast %mul3A_169 : i32 to index
        %swap3A_173 = tpu.vector_load %arg6[%swap3A_171, %swap3A_172] {strides = array<i32>} : memref<16x128xf32, #tpu.memory_space<vmem>>, vector<16xf32>,
        tpu.vector_store %arg6[%swap3A_171, %swap3A_172], %broadcast_in_dim3A_0 {strides = array<i32>} : memref<16x128xf32, #tpu.memory_space<vmem>>, vector<16xf32>,
        %mul3A_174 = arith.constant 16 : i32
        %mul3A_175 = arith.muli %scan3A_119, %mul3A_174 : i32
        %swap3A_176 = arith.constant 12 : i32
        %swap3A_177 = arith.index_cast %swap3A_176 : i32 to index
        %swap3A_178 = arith.index_cast %mul3A_175 : i32 to index
        %swap3A_179 = tpu.vector_load %arg6[%swap3A_177, %swap3A_178] {strides = array<i32>} : memref<16x128xf32, #tpu.memory_space<vmem>>, vector<16xf32>,
        tpu.vector_store %arg6[%swap3A_177, %swap3A_178], %broadcast_in_dim3A_2 {strides = array<i32>} : memref<16x128xf32, #tpu.memory_space<vmem>>, vector<16xf32>,
        %mul3A_180 = arith.constant 16 : i32
        %mul3A_181 = arith.muli %scan3A_119, %mul3A_180 : i32
        %swap3A_182 = arith.constant 5 : i32
        %swap3A_183 = arith.index_cast %swap3A_182 : i32 to index
        %swap3A_184 = arith.index_cast %mul3A_181 : i32 to index
        %swap3A_185 = tpu.vector_load %arg6[%swap3A_183, %swap3A_184] {strides = array<i32>} : memref<16x128xf32, #tpu.memory_space<vmem>>, vector<16xf32>,
        tpu.vector_store %arg6[%swap3A_183, %swap3A_184], %broadcast_in_dim3A_0 {strides = array<i32>} : memref<16x128xf32, #tpu.memory_space<vmem>>, vector<16xf32>,
        %mul3A_186 = arith.constant 16 : i32
        %mul3A_187 = arith.muli %scan3A_119, %mul3A_186 : i32
        %swap3A_188 = arith.constant 13 : i32
        %swap3A_189 = arith.index_cast %swap3A_188 : i32 to index
        %swap3A_190 = arith.index_cast %mul3A_187 : i32 to index
        %swap3A_191 = tpu.vector_load %arg6[%swap3A_189, %swap3A_190] {strides = array<i32>} : memref<16x128xf32, #tpu.memory_space<vmem>>, vector<16xf32>,
        tpu.vector_store %arg6[%swap3A_189, %swap3A_190], %broadcast_in_dim3A_2 {strides = array<i32>} : memref<16x128xf32, #tpu.memory_space<vmem>>, vector<16xf32>,
        %mul3A_192 = arith.constant 16 : i32
        %mul3A_193 = arith.muli %scan3A_119, %mul3A_192 : i32
        %swap3A_194 = arith.constant 6 : i32
        %swap3A_195 = arith.index_cast %swap3A_194 : i32 to index
        %swap3A_196 = arith.index_cast %mul3A_193 : i32 to index
        %swap3A_197 = tpu.vector_load %arg6[%swap3A_195, %swap3A_196] {strides = array<i32>} : memref<16x128xf32, #tpu.memory_space<vmem>>, vector<16xf32>,
        tpu.vector_store %arg6[%swap3A_195, %swap3A_196], %broadcast_in_dim3A_0 {strides = array<i32>} : memref<16x128xf32, #tpu.memory_space<vmem>>, vector<16xf32>,
        %mul3A_198 = arith.constant 16 : i32
        %mul3A_199 = arith.muli %scan3A_119, %mul3A_198 : i32
        %swap3A_200 = arith.constant 14 : i32
        %swap3A_201 = arith.index_cast %swap3A_200 : i32 to index
        %swap3A_202 = arith.index_cast %mul3A_199 : i32 to index
        %swap3A_203 = tpu.vector_load %arg6[%swap3A_201, %swap3A_202] {strides = array<i32>} : memref<16x128xf32, #tpu.memory_space<vmem>>, vector<16xf32>,
        tpu.vector_store %arg6[%swap3A_201, %swap3A_202], %broadcast_in_dim3A_2 {strides = array<i32>} : memref<16x128xf32, #tpu.memory_space<vmem>>, vector<16xf32>,
        %mul3A_204 = arith.constant 16 : i32
        %mul3A_205 = arith.muli %scan3A_119, %mul3A_204 : i32
        %swap3A_206 = arith.constant 7 : i32
        %swap3A_207 = arith.index_cast %swap3A_206 : i32 to index
        %swap3A_208 = arith.index_cast %mul3A_205 : i32 to index
        %swap3A_209 = tpu.vector_load %arg6[%swap3A_207, %swap3A_208] {strides = array<i32>} : memref<16x128xf32, #tpu.memory_space<vmem>>, vector<16xf32>,
        tpu.vector_store %arg6[%swap3A_207, %swap3A_208], %broadcast_in_dim3A_0 {strides = array<i32>} : memref<16x128xf32, #tpu.memory_space<vmem>>, vector<16xf32>,
        %mul3A_210 = arith.constant 16 : i32
        %mul3A_211 = arith.muli %scan3A_119, %mul3A_210 : i32
        %swap3A_212 = arith.constant 15 : i32
        %swap3A_213 = arith.index_cast %swap3A_212 : i32 to index
        %swap3A_214 = arith.index_cast %mul3A_211 : i32 to index
        %swap3A_215 = tpu.vector_load %arg6[%swap3A_213, %swap3A_214] {strides = array<i32>} : memref<16x128xf32, #tpu.memory_space<vmem>>, vector<16xf32>,
        tpu.vector_store %arg6[%swap3A_213, %swap3A_214], %broadcast_in_dim3A_2 {strides = array<i32>} : memref<16x128xf32, #tpu.memory_space<vmem>>, vector<16xf32>,
        %scan3A_216 = arith.constant 0 : i32
        scf.yield %scan3A_216 : i32
      }
      %scan3A_100 = arith.constant 8 : i32
      %add3A_101 = arith.constant 0 : i32
      %add3A_102 = arith.addi %mul3A_93, %add3A_101 : i32
      %mul3A_103 = arith.constant 128 : i32
      %mul3A_104 = arith.muli %select_n3A_72, %mul3A_103 : i32
      %dma_start3A = tpu.memref_slice %arg2[%add3A_91, %add3A_102, %mul3A_104] : memref<4x8192x768xf32, #tpu.memory_space<hbm>> -> memref<1x256x128xf32, #tpu.memory_space<hbm>>
      %dma_start3A_105 = tpu.memref_squeeze %dma_start3A : memref<1x256x128xf32, #tpu.memory_space<hbm>> -> memref<256x128xf32, #tpu.memory_space<hbm>>
      %dma_start3A_106 = tpu.memref_slice %arg2[%add3A_91, %add3A_102, %mul3A_104] : memref<4x8192x768xf32, #tpu.memory_space<hbm>> -> memref<1x256x128xf32, #tpu.memory_space<hbm>>
      %dma_start3A_107 = tpu.memref_squeeze %dma_start3A_106 : memref<1x256x128xf32, #tpu.memory_space<hbm>> -> memref<256x128xf32, #tpu.memory_space<hbm>>
      tpu.enqueue_dma source(%dma_start3A_107 : memref<256x128xf32, #tpu.memory_space<hbm>>) target(%arg4 : memref<256x128xf32, #tpu.memory_space<vmem>>) target_semaphore(%arg10 : memref<!tpu.dma_semaphore, #tpu.memory_space<semaphore_mem>>)
      %dma_wait3A = tpu.memref_slice %arg2[%add3A_91, %add3A_102, %mul3A_104] : memref<4x8192x768xf32, #tpu.memory_space<hbm>> -> memref<1x256x128xf32, #tpu.memory_space<hbm>>
      %dma_wait3A_108 = tpu.memref_squeeze %dma_wait3A : memref<1x256x128xf32, #tpu.memory_space<hbm>> -> memref<256x128xf32, #tpu.memory_space<hbm>>
      %dma_wait3A_109 = tpu.memref_slice %arg2[%add3A_91, %add3A_102, %mul3A_104] : memref<4x8192x768xf32, #tpu.memory_space<hbm>> -> memref<1x256x128xf32, #tpu.memory_space<hbm>>
      %dma_wait3A_110 = tpu.memref_squeeze %dma_wait3A_109 : memref<1x256x128xf32, #tpu.memory_space<hbm>> -> memref<256x128xf32, #tpu.memory_space<hbm>>
      tpu.wait_dma2 semaphore(%arg10 : memref<!tpu.dma_semaphore, #tpu.memory_space<semaphore_mem>>) src(%dma_wait3A_110 : memref<256x128xf32, #tpu.memory_space<hbm>>) dst(%arg4 : memref<256x128xf32, #tpu.memory_space<vmem>>)
      %scan3A_111 = arith.constant 0 : i32
      %scan3A_112 = arith.constant 0 : i32
      %scan3A_113 = arith.constant 4 : i32
      %scan3A_114 = arith.addi %scan3A_112, %scan3A_113 : i32
      %scan3A_115 = arith.constant 1 : i32
      %scan3A_116 = scf.for %scan3A_119 = %scan3A_112 to %scan3A_114 step %scan3A_115 iter_args(%scan3A_120 = %scan3A_111) -> (i32)  : i32 {
        %mul3A_121 = arith.constant 2 : i32
        %mul3A_122 = arith.muli %scan3A_119, %mul3A_121 : i32
        %add3A_123 = arith.constant 0 : i32
        %add3A_124 = arith.addi %mul3A_122, %add3A_123 : i32
        %add3A_125 = arith.constant 1 : i32
        %add3A_126 = arith.addi %add3A_124, %add3A_125 : i32
        %lt3A_127 = arith.constant 8 : i32
        %lt3A_128 = arith.cmpi slt, %add3A_126, %lt3A_127 : i32
        %convert_element_type3A = arith.extui %lt3A_128 : i1 to i32
        %cond3A = arith.constant 0 : i32
        %cond3A_129 = arith.cmpi ne, %convert_element_type3A, %cond3A : i32
        scf.if %cond3A_129 {
          %add3A_162 = arith.constant 1 : i32
          %add3A_163 = arith.addi %add3A_124, %add3A_162 : i32
          %mul3A_164 = arith.constant 256 : i32
          %mul3A_165 = arith.muli %add3A_163, %mul3A_164 : i32
          %add3A_166 = arith.addi %mul3A_93, %mul3A_165 : i32
          %mul3A_167 = arith.constant 128 : i32
          %mul3A_168 = arith.muli %select_n3A_72, %mul3A_167 : i32
          %dma_start3A_169 = tpu.memref_slice %arg2[%add3A_91, %add3A_166, %mul3A_168] : memref<4x8192x768xf32, #tpu.memory_space<hbm>> -> memref<1x256x128xf32, #tpu.memory_space<hbm>>
          %dma_start3A_170 = tpu.memref_squeeze %dma_start3A_169 : memref<1x256x128xf32, #tpu.memory_space<hbm>> -> memref<256x128xf32, #tpu.memory_space<hbm>>
          %dma_start3A_171 = tpu.memref_slice %arg2[%add3A_91, %add3A_166, %mul3A_168] : memref<4x8192x768xf32, #tpu.memory_space<hbm>> -> memref<1x256x128xf32, #tpu.memory_space<hbm>>
          %dma_start3A_172 = tpu.memref_squeeze %dma_start3A_171 : memref<1x256x128xf32, #tpu.memory_space<hbm>> -> memref<256x128xf32, #tpu.memory_space<hbm>>
          tpu.enqueue_dma source(%dma_start3A_172 : memref<256x128xf32, #tpu.memory_space<hbm>>) target(%arg5 : memref<256x128xf32, #tpu.memory_space<vmem>>) target_semaphore(%arg11 : memref<!tpu.dma_semaphore, #tpu.memory_space<semaphore_mem>>)
        } else {
        }
        %scan3A_130 = arith.constant 0 : i32
        %scan3A_131 = arith.constant 0 : i32
        %scan3A_132 = arith.constant 8 : i32
        %scan3A_133 = arith.addi %scan3A_131, %scan3A_132 : i32
        %scan3A_134 = arith.constant 1 : i32
        %scan3A_135 = scf.for %scan3A_162 = %scan3A_131 to %scan3A_133 step %scan3A_134 iter_args(%scan3A_163 = %scan3A_130) -> (i32)  : i32 {
          %mul3A_164 = arith.constant 16 : i32
          %mul3A_165 = arith.muli %scan3A_162, %mul3A_164 : i32
          %get3A = arith.constant 0 : i32
          %get3A_166 = arith.index_cast %get3A : i32 to index
          %get3A_167 = arith.index_cast %mul3A_165 : i32 to index
          %get3A_168 = tpu.vector_load %arg6[%get3A_166, %get3A_167] {strides = array<i32>} : memref<16x128xf32, #tpu.memory_space<vmem>>, vector<16xf32>,
          %mul3A_169 = arith.constant 16 : i32
          %mul3A_170 = arith.muli %scan3A_162, %mul3A_169 : i32
          %get3A_171 = arith.constant 1 : i32
          %get3A_172 = arith.index_cast %get3A_171 : i32 to index
          %get3A_173 = arith.index_cast %mul3A_170 : i32 to index
          %get3A_174 = tpu.vector_load %arg6[%get3A_172, %get3A_173] {strides = array<i32>} : memref<16x128xf32, #tpu.memory_space<vmem>>, vector<16xf32>,
          %mul3A_175 = arith.constant 16 : i32
          %mul3A_176 = arith.muli %scan3A_162, %mul3A_175 : i32
          %get3A_177 = arith.constant 2 : i32
          %get3A_178 = arith.index_cast %get3A_177 : i32 to index
          %get3A_179 = arith.index_cast %mul3A_176 : i32 to index
          %get3A_180 = tpu.vector_load %arg6[%get3A_178, %get3A_179] {strides = array<i32>} : memref<16x128xf32, #tpu.memory_space<vmem>>, vector<16xf32>,
          %mul3A_181 = arith.constant 16 : i32
          %mul3A_182 = arith.muli %scan3A_162, %mul3A_181 : i32
          %get3A_183 = arith.constant 3 : i32
          %get3A_184 = arith.index_cast %get3A_183 : i32 to index
          %get3A_185 = arith.index_cast %mul3A_182 : i32 to index
          %get3A_186 = tpu.vector_load %arg6[%get3A_184, %get3A_185] {strides = array<i32>} : memref<16x128xf32, #tpu.memory_space<vmem>>, vector<16xf32>,
          %mul3A_187 = arith.constant 16 : i32
          %mul3A_188 = arith.muli %scan3A_162, %mul3A_187 : i32
          %get3A_189 = arith.constant 4 : i32
          %get3A_190 = arith.index_cast %get3A_189 : i32 to index
          %get3A_191 = arith.index_cast %mul3A_188 : i32 to index
          %get3A_192 = tpu.vector_load %arg6[%get3A_190, %get3A_191] {strides = array<i32>} : memref<16x128xf32, #tpu.memory_space<vmem>>, vector<16xf32>,
          %mul3A_193 = arith.constant 16 : i32
          %mul3A_194 = arith.muli %scan3A_162, %mul3A_193 : i32
          %get3A_195 = arith.constant 5 : i32
          %get3A_196 = arith.index_cast %get3A_195 : i32 to index
          %get3A_197 = arith.index_cast %mul3A_194 : i32 to index
          %get3A_198 = tpu.vector_load %arg6[%get3A_196, %get3A_197] {strides = array<i32>} : memref<16x128xf32, #tpu.memory_space<vmem>>, vector<16xf32>,
          %mul3A_199 = arith.constant 16 : i32
          %mul3A_200 = arith.muli %scan3A_162, %mul3A_199 : i32
          %get3A_201 = arith.constant 6 : i32
          %get3A_202 = arith.index_cast %get3A_201 : i32 to index
          %get3A_203 = arith.index_cast %mul3A_200 : i32 to index
          %get3A_204 = tpu.vector_load %arg6[%get3A_202, %get3A_203] {strides = array<i32>} : memref<16x128xf32, #tpu.memory_space<vmem>>, vector<16xf32>,
          %mul3A_205 = arith.constant 16 : i32
          %mul3A_206 = arith.muli %scan3A_162, %mul3A_205 : i32
          %get3A_207 = arith.constant 7 : i32
          %get3A_208 = arith.index_cast %get3A_207 : i32 to index
          %get3A_209 = arith.index_cast %mul3A_206 : i32 to index
          %get3A_210 = tpu.vector_load %arg6[%get3A_208, %get3A_209] {strides = array<i32>} : memref<16x128xf32, #tpu.memory_space<vmem>>, vector<16xf32>,
          %mul3A_211 = arith.constant 16 : i32
          %mul3A_212 = arith.muli %scan3A_162, %mul3A_211 : i32
          %get3A_213 = arith.constant 8 : i32
          %get3A_214 = arith.index_cast %get3A_213 : i32 to index
          %get3A_215 = arith.index_cast %mul3A_212 : i32 to index
          %get3A_216 = tpu.vector_load %arg6[%get3A_214, %get3A_215] {strides = array<i32>} : memref<16x128xf32, #tpu.memory_space<vmem>>, vector<16xf32>,
          %mul3A_217 = arith.constant 16 : i32
          %mul3A_218 = arith.muli %scan3A_162, %mul3A_217 : i32
          %get3A_219 = arith.constant 9 : i32
          %get3A_220 = arith.index_cast %get3A_219 : i32 to index
          %get3A_221 = arith.index_cast %mul3A_218 : i32 to index
          %get3A_222 = tpu.vector_load %arg6[%get3A_220, %get3A_221] {strides = array<i32>} : memref<16x128xf32, #tpu.memory_space<vmem>>, vector<16xf32>,
          %mul3A_223 = arith.constant 16 : i32
          %mul3A_224 = arith.muli %scan3A_162, %mul3A_223 : i32
          %get3A_225 = arith.constant 10 : i32
          %get3A_226 = arith.index_cast %get3A_225 : i32 to index
          %get3A_227 = arith.index_cast %mul3A_224 : i32 to index
          %get3A_228 = tpu.vector_load %arg6[%get3A_226, %get3A_227] {strides = array<i32>} : memref<16x128xf32, #tpu.memory_space<vmem>>, vector<16xf32>,
          %mul3A_229 = arith.constant 16 : i32
          %mul3A_230 = arith.muli %scan3A_162, %mul3A_229 : i32
          %get3A_231 = arith.constant 11 : i32
          %get3A_232 = arith.index_cast %get3A_231 : i32 to index
          %get3A_233 = arith.index_cast %mul3A_230 : i32 to index
          %get3A_234 = tpu.vector_load %arg6[%get3A_232, %get3A_233] {strides = array<i32>} : memref<16x128xf32, #tpu.memory_space<vmem>>, vector<16xf32>,
          %mul3A_235 = arith.constant 16 : i32
          %mul3A_236 = arith.muli %scan3A_162, %mul3A_235 : i32
          %get3A_237 = arith.constant 12 : i32
          %get3A_238 = arith.index_cast %get3A_237 : i32 to index
          %get3A_239 = arith.index_cast %mul3A_236 : i32 to index
          %get3A_240 = tpu.vector_load %arg6[%get3A_238, %get3A_239] {strides = array<i32>} : memref<16x128xf32, #tpu.memory_space<vmem>>, vector<16xf32>,
          %mul3A_241 = arith.constant 16 : i32
          %mul3A_242 = arith.muli %scan3A_162, %mul3A_241 : i32
          %get3A_243 = arith.constant 13 : i32
          %get3A_244 = arith.index_cast %get3A_243 : i32 to index
          %get3A_245 = arith.index_cast %mul3A_242 : i32 to index
          %get3A_246 = tpu.vector_load %arg6[%get3A_244, %get3A_245] {strides = array<i32>} : memref<16x128xf32, #tpu.memory_space<vmem>>, vector<16xf32>,
          %mul3A_247 = arith.constant 16 : i32
          %mul3A_248 = arith.muli %scan3A_162, %mul3A_247 : i32
          %get3A_249 = arith.constant 14 : i32
          %get3A_250 = arith.index_cast %get3A_249 : i32 to index
          %get3A_251 = arith.index_cast %mul3A_248 : i32 to index
          %get3A_252 = tpu.vector_load %arg6[%get3A_250, %get3A_251] {strides = array<i32>} : memref<16x128xf32, #tpu.memory_space<vmem>>, vector<16xf32>,
          %mul3A_253 = arith.constant 16 : i32
          %mul3A_254 = arith.muli %scan3A_162, %mul3A_253 : i32
          %get3A_255 = arith.constant 15 : i32
          %get3A_256 = arith.index_cast %get3A_255 : i32 to index
          %get3A_257 = arith.index_cast %mul3A_254 : i32 to index
          %get3A_258 = tpu.vector_load %arg6[%get3A_256, %get3A_257] {strides = array<i32>} : memref<16x128xf32, #tpu.memory_space<vmem>>, vector<16xf32>,
          %scan3A_259 = arith.constant 0 : i32
          %scan3A_260 = arith.constant 32 : i32
          %scan3A_261 = arith.addi %scan3A_259, %scan3A_260 : i32
          %scan3A_262 = arith.constant 1 : i32
          %scan3A_263:16 = scf.for %scan3A_361 = %scan3A_259 to %scan3A_261 step %scan3A_262 iter_args(%scan3A_362 = %get3A_168, %scan3A_363 = %get3A_174, %scan3A_364 = %get3A_180, %scan3A_365 = %get3A_186, %scan3A_366 = %get3A_192, %scan3A_367 = %get3A_198, %scan3A_368 = %get3A_204, %scan3A_369 = %get3A_210, %scan3A_370 = %get3A_216, %scan3A_371 = %get3A_222, %scan3A_372 = %get3A_228, %scan3A_373 = %get3A_234, %scan3A_374 = %get3A_240, %scan3A_375 = %get3A_246, %scan3A_376 = %get3A_252, %scan3A_377 = %get3A_258) -> (vector<16xf32>, vector<16xf32>, vector<16xf32>, vector<16xf32>, vector<16xf32>, vector<16xf32>, vector<16xf32>, vector<16xf32>, vector<16xf32>, vector<16xf32>, vector<16xf32>, vector<16xf32>, vector<16xf32>, vector<16xf32>, vector<16xf32>, vector<16xf32>)  : i32 {
            %mul3A_378 = arith.constant 8 : i32
            %mul3A_379 = arith.muli %scan3A_361, %mul3A_378 : i32
            %add3A_380 = arith.constant 0 : i32
            %add3A_381 = arith.addi %mul3A_379, %add3A_380 : i32
            %mul3A_382 = arith.constant 16 : i32
            %mul3A_383 = arith.muli %scan3A_162, %mul3A_382 : i32
            %get3A_384 = arith.index_cast %add3A_381 : i32 to index
            %get3A_385 = arith.index_cast %mul3A_383 : i32 to index
            %get3A_386 = tpu.vector_load %arg4[%get3A_384, %get3A_385] {strides = array<i32>} : memref<256x128xf32, #tpu.memory_space<vmem>>, vector<16xf32>,
            %add3A_387 = arith.constant 1 : i32
            %add3A_388 = arith.addi %mul3A_379, %add3A_387 : i32
            %mul3A_389 = arith.constant 16 : i32
            %mul3A_390 = arith.muli %scan3A_162, %mul3A_389 : i32
            %get3A_391 = arith.index_cast %add3A_388 : i32 to index
            %get3A_392 = arith.index_cast %mul3A_390 : i32 to index
            %get3A_393 = tpu.vector_load %arg4[%get3A_391, %get3A_392] {strides = array<i32>} : memref<256x128xf32, #tpu.memory_space<vmem>>, vector<16xf32>,
            %add3A_394 = arith.constant 2 : i32
            %add3A_395 = arith.addi %mul3A_379, %add3A_394 : i32
            %mul3A_396 = arith.constant 16 : i32
            %mul3A_397 = arith.muli %scan3A_162, %mul3A_396 : i32
            %get3A_398 = arith.index_cast %add3A_395 : i32 to index
            %get3A_399 = arith.index_cast %mul3A_397 : i32 to index
            %get3A_400 = tpu.vector_load %arg4[%get3A_398, %get3A_399] {strides = array<i32>} : memref<256x128xf32, #tpu.memory_space<vmem>>, vector<16xf32>,
            %add3A_401 = arith.constant 3 : i32
            %add3A_402 = arith.addi %mul3A_379, %add3A_401 : i32
            %mul3A_403 = arith.constant 16 : i32
            %mul3A_404 = arith.muli %scan3A_162, %mul3A_403 : i32
            %get3A_405 = arith.index_cast %add3A_402 : i32 to index
            %get3A_406 = arith.index_cast %mul3A_404 : i32 to index
            %get3A_407 = tpu.vector_load %arg4[%get3A_405, %get3A_406] {strides = array<i32>} : memref<256x128xf32, #tpu.memory_space<vmem>>, vector<16xf32>,
            %add3A_408 = arith.constant 4 : i32
            %add3A_409 = arith.addi %mul3A_379, %add3A_408 : i32
            %mul3A_410 = arith.constant 16 : i32
            %mul3A_411 = arith.muli %scan3A_162, %mul3A_410 : i32
            %get3A_412 = arith.index_cast %add3A_409 : i32 to index
            %get3A_413 = arith.index_cast %mul3A_411 : i32 to index
            %get3A_414 = tpu.vector_load %arg4[%get3A_412, %get3A_413] {strides = array<i32>} : memref<256x128xf32, #tpu.memory_space<vmem>>, vector<16xf32>,
            %add3A_415 = arith.constant 5 : i32
            %add3A_416 = arith.addi %mul3A_379, %add3A_415 : i32
            %mul3A_417 = arith.constant 16 : i32
            %mul3A_418 = arith.muli %scan3A_162, %mul3A_417 : i32
            %get3A_419 = arith.index_cast %add3A_416 : i32 to index
            %get3A_420 = arith.index_cast %mul3A_418 : i32 to index
            %get3A_421 = tpu.vector_load %arg4[%get3A_419, %get3A_420] {strides = array<i32>} : memref<256x128xf32, #tpu.memory_space<vmem>>, vector<16xf32>,
            %add3A_422 = arith.constant 6 : i32
            %add3A_423 = arith.addi %mul3A_379, %add3A_422 : i32
            %mul3A_424 = arith.constant 16 : i32
            %mul3A_425 = arith.muli %scan3A_162, %mul3A_424 : i32
            %get3A_426 = arith.index_cast %add3A_423 : i32 to index
            %get3A_427 = arith.index_cast %mul3A_425 : i32 to index
            %get3A_428 = tpu.vector_load %arg4[%get3A_426, %get3A_427] {strides = array<i32>} : memref<256x128xf32, #tpu.memory_space<vmem>>, vector<16xf32>,
            %add3A_429 = arith.constant 7 : i32
            %add3A_430 = arith.addi %mul3A_379, %add3A_429 : i32
            %mul3A_431 = arith.constant 16 : i32
            %mul3A_432 = arith.muli %scan3A_162, %mul3A_431 : i32
            %get3A_433 = arith.index_cast %add3A_430 : i32 to index
            %get3A_434 = arith.index_cast %mul3A_432 : i32 to index
            %get3A_435 = tpu.vector_load %arg4[%get3A_433, %get3A_434] {strides = array<i32>} : memref<256x128xf32, #tpu.memory_space<vmem>>, vector<16xf32>,
            %min3A = arith.minimumf %get3A_386, %get3A_393 : vector<16xf32>
            %max3A = arith.maximumf %get3A_386, %get3A_393 : vector<16xf32>
            %min3A_436 = arith.minimumf %get3A_400, %get3A_407 : vector<16xf32>
            %max3A_437 = arith.maximumf %get3A_400, %get3A_407 : vector<16xf32>
            %min3A_438 = arith.minimumf %get3A_414, %get3A_421 : vector<16xf32>
            %max3A_439 = arith.maximumf %get3A_414, %get3A_421 : vector<16xf32>
            %min3A_440 = arith.minimumf %get3A_428, %get3A_435 : vector<16xf32>
            %max3A_441 = arith.maximumf %get3A_428, %get3A_435 : vector<16xf32>
            %min3A_442 = arith.minimumf %min3A, %min3A_436 : vector<16xf32>
            %max3A_443 = arith.maximumf %min3A, %min3A_436 : vector<16xf32>
            %min3A_444 = arith.minimumf %max3A, %max3A_437 : vector<16xf32>
            %max3A_445 = arith.maximumf %max3A, %max3A_437 : vector<16xf32>
            %min3A_446 = arith.minimumf %min3A_438, %min3A_440 : vector<16xf32>
            %max3A_447 = arith.maximumf %min3A_438, %min3A_440 : vector<16xf32>
            %min3A_448 = arith.minimumf %max3A_439, %max3A_441 : vector<16xf32>
            %max3A_449 = arith.maximumf %max3A_439, %max3A_441 : vector<16xf32>
            %min3A_450 = arith.minimumf %min3A_444, %max3A_443 : vector<16xf32>
            %max3A_451 = arith.maximumf %min3A_444, %max3A_443 : vector<16xf32>
            %min3A_452 = arith.minimumf %min3A_448, %max3A_447 : vector<16xf32>
            %max3A_453 = arith.maximumf %min3A_448, %max3A_447 : vector<16xf32>
            %min3A_454 = arith.minimumf %min3A_442, %min3A_446 : vector<16xf32>
            %max3A_455 = arith.maximumf %min3A_442, %min3A_446 : vector<16xf32>
            %min3A_456 = arith.minimumf %min3A_450, %min3A_452 : vector<16xf32>
            %max3A_457 = arith.maximumf %min3A_450, %min3A_452 : vector<16xf32>
            %min3A_458 = arith.minimumf %max3A_451, %max3A_453 : vector<16xf32>
            %max3A_459 = arith.maximumf %max3A_451, %max3A_453 : vector<16xf32>
            %min3A_460 = arith.minimumf %max3A_445, %max3A_449 : vector<16xf32>
            %max3A_461 = arith.maximumf %max3A_445, %max3A_449 : vector<16xf32>
            %min3A_462 = arith.minimumf %min3A_458, %max3A_455 : vector<16xf32>
            %max3A_463 = arith.maximumf %min3A_458, %max3A_455 : vector<16xf32>
            %min3A_464 = arith.minimumf %min3A_460, %max3A_457 : vector<16xf32>
            %max3A_465 = arith.maximumf %min3A_460, %max3A_457 : vector<16xf32>
            %min3A_466 = arith.minimumf %min3A_456, %min3A_462 : vector<16xf32>
            %max3A_467 = arith.maximumf %min3A_456, %min3A_462 : vector<16xf32>
            %min3A_468 = arith.minimumf %min3A_464, %max3A_463 : vector<16xf32>
            %max3A_469 = arith.maximumf %min3A_464, %max3A_463 : vector<16xf32>
            %min3A_470 = arith.minimumf %max3A_465, %max3A_459 : vector<16xf32>
            %max3A_471 = arith.maximumf %max3A_465, %max3A_459 : vector<16xf32>
            %max3A_472 = arith.maximumf %scan3A_362, %min3A_454 : vector<16xf32>
            %max3A_473 = arith.maximumf %scan3A_363, %min3A_466 : vector<16xf32>
            %max3A_474 = arith.maximumf %scan3A_364, %max3A_467 : vector<16xf32>
            %max3A_475 = arith.maximumf %scan3A_365, %min3A_468 : vector<16xf32>
            %max3A_476 = arith.maximumf %scan3A_366, %max3A_469 : vector<16xf32>
            %max3A_477 = arith.maximumf %scan3A_367, %min3A_470 : vector<16xf32>
            %max3A_478 = arith.maximumf %scan3A_368, %max3A_471 : vector<16xf32>
            %max3A_479 = arith.maximumf %scan3A_369, %max3A_461 : vector<16xf32>
            %min3A_480 = arith.minimumf %max3A_472, %max3A_476 : vector<16xf32>
            %max3A_481 = arith.maximumf %max3A_472, %max3A_476 : vector<16xf32>
            %min3A_482 = arith.minimumf %max3A_473, %max3A_477 : vector<16xf32>
            %max3A_483 = arith.maximumf %max3A_473, %max3A_477 : vector<16xf32>
            %min3A_484 = arith.minimumf %max3A_474, %max3A_478 : vector<16xf32>
            %max3A_485 = arith.maximumf %max3A_474, %max3A_478 : vector<16xf32>
            %min3A_486 = arith.minimumf %max3A_475, %max3A_479 : vector<16xf32>
            %max3A_487 = arith.maximumf %max3A_475, %max3A_479 : vector<16xf32>
            %min3A_488 = arith.minimumf %max3A_481, %max3A_485 : vector<16xf32>
            %max3A_489 = arith.maximumf %max3A_481, %max3A_485 : vector<16xf32>
            %min3A_490 = arith.minimumf %max3A_483, %max3A_487 : vector<16xf32>
            %max3A_491 = arith.maximumf %max3A_483, %max3A_487 : vector<16xf32>
            %min3A_492 = arith.minimumf %min3A_480, %min3A_484 : vector<16xf32>
            %max3A_493 = arith.maximumf %min3A_480, %min3A_484 : vector<16xf32>
            %min3A_494 = arith.minimumf %min3A_482, %min3A_486 : vector<16xf32>
            %max3A_495 = arith.maximumf %min3A_482, %min3A_486 : vector<16xf32>
            %min3A_496 = arith.minimumf %max3A_489, %max3A_491 : vector<16xf32>
            %max3A_497 = arith.maximumf %max3A_489, %max3A_491 : vector<16xf32>
            %min3A_498 = arith.minimumf %min3A_488, %min3A_490 : vector<16xf32>
            %max3A_499 = arith.maximumf %min3A_488, %min3A_490 : vector<16xf32>
            %min3A_500 = arith.minimumf %max3A_493, %max3A_495 : vector<16xf32>
            %max3A_501 = arith.maximumf %max3A_493, %max3A_495 : vector<16xf32>
            %min3A_502 = arith.minimumf %min3A_492, %min3A_494 : vector<16xf32>
            %max3A_503 = arith.maximumf %min3A_492, %min3A_494 : vector<16xf32>
            %min3A_504 = arith.minimumf %scan3A_370, %max3A_461 : vector<16xf32>
            %min3A_505 = arith.minimumf %scan3A_371, %max3A_471 : vector<16xf32>
            %min3A_506 = arith.minimumf %scan3A_372, %min3A_470 : vector<16xf32>
            %min3A_507 = arith.minimumf %scan3A_373, %max3A_469 : vector<16xf32>
            %min3A_508 = arith.minimumf %scan3A_374, %min3A_468 : vector<16xf32>
            %min3A_509 = arith.minimumf %scan3A_375, %max3A_467 : vector<16xf32>
            %min3A_510 = arith.minimumf %scan3A_376, %min3A_466 : vector<16xf32>
            %min3A_511 = arith.minimumf %scan3A_377, %min3A_454 : vector<16xf32>
            %min3A_512 = arith.minimumf %min3A_504, %min3A_508 : vector<16xf32>
            %max3A_513 = arith.maximumf %min3A_504, %min3A_508 : vector<16xf32>
            %min3A_514 = arith.minimumf %min3A_505, %min3A_509 : vector<16xf32>
            %max3A_515 = arith.maximumf %min3A_505, %min3A_509 : vector<16xf32>
            %min3A_516 = arith.minimumf %min3A_506, %min3A_510 : vector<16xf32>
            %max3A_517 = arith.maximumf %min3A_506, %min3A_510 : vector<16xf32>
            %min3A_518 = arith.minimumf %min3A_507, %min3A_511 : vector<16xf32>
            %max3A_519 = arith.maximumf %min3A_507, %min3A_511 : vector<16xf32>
            %min3A_520 = arith.minimumf %min3A_512, %min3A_516 : vector<16xf32>
            %max3A_521 = arith.maximumf %min3A_512, %min3A_516 : vector<16xf32>
            %min3A_522 = arith.minimumf %min3A_514, %min3A_518 : vector<16xf32>
            %max3A_523 = arith.maximumf %min3A_514, %min3A_518 : vector<16xf32>
            %min3A_524 = arith.minimumf %max3A_513, %max3A_517 : vector<16xf32>
            %max3A_525 = arith.maximumf %max3A_513, %max3A_517 : vector<16xf32>
            %min3A_526 = arith.minimumf %max3A_515, %max3A_519 : vector<16xf32>
            %max3A_527 = arith.maximumf %max3A_515, %max3A_519 : vector<16xf32>
            %min3A_528 = arith.minimumf %min3A_520, %min3A_522 : vector<16xf32>
            %max3A_529 = arith.maximumf %min3A_520, %min3A_522 : vector<16xf32>
            %min3A_530 = arith.minimumf %max3A_521, %max3A_523 : vector<16xf32>
            %max3A_531 = arith.maximumf %max3A_521, %max3A_523 : vector<16xf32>
            %min3A_532 = arith.minimumf %min3A_524, %min3A_526 : vector<16xf32>
            %max3A_533 = arith.maximumf %min3A_524, %min3A_526 : vector<16xf32>
            %min3A_534 = arith.minimumf %max3A_525, %max3A_527 : vector<16xf32>
            %max3A_535 = arith.maximumf %max3A_525, %max3A_527 : vector<16xf32>
            scf.yield %max3A_497, %min3A_496, %max3A_499, %min3A_498, %max3A_501, %min3A_500, %max3A_503, %min3A_502, %min3A_528, %max3A_529, %min3A_530, %max3A_531, %min3A_532, %max3A_533, %min3A_534, %max3A_535 : vector<16xf32>, vector<16xf32>, vector<16xf32>, vector<16xf32>, vector<16xf32>, vector<16xf32>, vector<16xf32>, vector<16xf32>, vector<16xf32>, vector<16xf32>, vector<16xf32>, vector<16xf32>, vector<16xf32>, vector<16xf32>, vector<16xf32>, vector<16xf32>
          }
          %scan3A_264 = arith.constant 32 : i32
          %mul3A_265 = arith.constant 16 : i32
          %mul3A_266 = arith.muli %scan3A_162, %mul3A_265 : i32
          %swap3A = arith.constant 0 : i32
          %swap3A_267 = arith.index_cast %swap3A : i32 to index
          %swap3A_268 = arith.index_cast %mul3A_266 : i32 to index
          %swap3A_269 = tpu.vector_load %arg6[%swap3A_267, %swap3A_268] {strides = array<i32>} : memref<16x128xf32, #tpu.memory_space<vmem>>, vector<16xf32>,
          tpu.vector_store %arg6[%swap3A_267, %swap3A_268], %scan3A_263#0 {strides = array<i32>} : memref<16x128xf32, #tpu.memory_space<vmem>>, vector<16xf32>,
          %mul3A_270 = arith.constant 16 : i32
          %mul3A_271 = arith.muli %scan3A_162, %mul3A_270 : i32
          %swap3A_272 = arith.constant 1 : i32
          %swap3A_273 = arith.index_cast %swap3A_272 : i32 to index
          %swap3A_274 = arith.index_cast %mul3A_271 : i32 to index
          %swap3A_275 = tpu.vector_load %arg6[%swap3A_273, %swap3A_274] {strides = array<i32>} : memref<16x128xf32, #tpu.memory_space<vmem>>, vector<16xf32>,
          tpu.vector_store %arg6[%swap3A_273, %swap3A_274], %scan3A_263#1 {strides = array<i32>} : memref<16x128xf32, #tpu.memory_space<vmem>>, vector<16xf32>,
          %mul3A_276 = arith.constant 16 : i32
          %mul3A_277 = arith.muli %scan3A_162, %mul3A_276 : i32
          %swap3A_278 = arith.constant 2 : i32
          %swap3A_279 = arith.index_cast %swap3A_278 : i32 to index
          %swap3A_280 = arith.index_cast %mul3A_277 : i32 to index
          %swap3A_281 = tpu.vector_load %arg6[%swap3A_279, %swap3A_280] {strides = array<i32>} : memref<16x128xf32, #tpu.memory_space<vmem>>, vector<16xf32>,
          tpu.vector_store %arg6[%swap3A_279, %swap3A_280], %scan3A_263#2 {strides = array<i32>} : memref<16x128xf32, #tpu.memory_space<vmem>>, vector<16xf32>,
          %mul3A_282 = arith.constant 16 : i32
          %mul3A_283 = arith.muli %scan3A_162, %mul3A_282 : i32
          %swap3A_284 = arith.constant 3 : i32
          %swap3A_285 = arith.index_cast %swap3A_284 : i32 to index
          %swap3A_286 = arith.index_cast %mul3A_283 : i32 to index
          %swap3A_287 = tpu.vector_load %arg6[%swap3A_285, %swap3A_286] {strides = array<i32>} : memref<16x128xf32, #tpu.memory_space<vmem>>, vector<16xf32>,
          tpu.vector_store %arg6[%swap3A_285, %swap3A_286], %scan3A_263#3 {strides = array<i32>} : memref<16x128xf32, #tpu.memory_space<vmem>>, vector<16xf32>,
          %mul3A_288 = arith.constant 16 : i32
          %mul3A_289 = arith.muli %scan3A_162, %mul3A_288 : i32
          %swap3A_290 = arith.constant 4 : i32
          %swap3A_291 = arith.index_cast %swap3A_290 : i32 to index
          %swap3A_292 = arith.index_cast %mul3A_289 : i32 to index
          %swap3A_293 = tpu.vector_load %arg6[%swap3A_291, %swap3A_292] {strides = array<i32>} : memref<16x128xf32, #tpu.memory_space<vmem>>, vector<16xf32>,
          tpu.vector_store %arg6[%swap3A_291, %swap3A_292], %scan3A_263#4 {strides = array<i32>} : memref<16x128xf32, #tpu.memory_space<vmem>>, vector<16xf32>,
          %mul3A_294 = arith.constant 16 : i32
          %mul3A_295 = arith.muli %scan3A_162, %mul3A_294 : i32
          %swap3A_296 = arith.constant 5 : i32
          %swap3A_297 = arith.index_cast %swap3A_296 : i32 to index
          %swap3A_298 = arith.index_cast %mul3A_295 : i32 to index
          %swap3A_299 = tpu.vector_load %arg6[%swap3A_297, %swap3A_298] {strides = array<i32>} : memref<16x128xf32, #tpu.memory_space<vmem>>, vector<16xf32>,
          tpu.vector_store %arg6[%swap3A_297, %swap3A_298], %scan3A_263#5 {strides = array<i32>} : memref<16x128xf32, #tpu.memory_space<vmem>>, vector<16xf32>,
          %mul3A_300 = arith.constant 16 : i32
          %mul3A_301 = arith.muli %scan3A_162, %mul3A_300 : i32
          %swap3A_302 = arith.constant 6 : i32
          %swap3A_303 = arith.index_cast %swap3A_302 : i32 to index
          %swap3A_304 = arith.index_cast %mul3A_301 : i32 to index
          %swap3A_305 = tpu.vector_load %arg6[%swap3A_303, %swap3A_304] {strides = array<i32>} : memref<16x128xf32, #tpu.memory_space<vmem>>, vector<16xf32>,
          tpu.vector_store %arg6[%swap3A_303, %swap3A_304], %scan3A_263#6 {strides = array<i32>} : memref<16x128xf32, #tpu.memory_space<vmem>>, vector<16xf32>,
          %mul3A_306 = arith.constant 16 : i32
          %mul3A_307 = arith.muli %scan3A_162, %mul3A_306 : i32
          %swap3A_308 = arith.constant 7 : i32
          %swap3A_309 = arith.index_cast %swap3A_308 : i32 to index
          %swap3A_310 = arith.index_cast %mul3A_307 : i32 to index
          %swap3A_311 = tpu.vector_load %arg6[%swap3A_309, %swap3A_310] {strides = array<i32>} : memref<16x128xf32, #tpu.memory_space<vmem>>, vector<16xf32>,
          tpu.vector_store %arg6[%swap3A_309, %swap3A_310], %scan3A_263#7 {strides = array<i32>} : memref<16x128xf32, #tpu.memory_space<vmem>>, vector<16xf32>,
          %mul3A_312 = arith.constant 16 : i32
          %mul3A_313 = arith.muli %scan3A_162, %mul3A_312 : i32
          %swap3A_314 = arith.constant 8 : i32
          %swap3A_315 = arith.index_cast %swap3A_314 : i32 to index
          %swap3A_316 = arith.index_cast %mul3A_313 : i32 to index
          %swap3A_317 = tpu.vector_load %arg6[%swap3A_315, %swap3A_316] {strides = array<i32>} : memref<16x128xf32, #tpu.memory_space<vmem>>, vector<16xf32>,
          tpu.vector_store %arg6[%swap3A_315, %swap3A_316], %scan3A_263#8 {strides = array<i32>} : memref<16x128xf32, #tpu.memory_space<vmem>>, vector<16xf32>,
          %mul3A_318 = arith.constant 16 : i32
          %mul3A_319 = arith.muli %scan3A_162, %mul3A_318 : i32
          %swap3A_320 = arith.constant 9 : i32
          %swap3A_321 = arith.index_cast %swap3A_320 : i32 to index
          %swap3A_322 = arith.index_cast %mul3A_319 : i32 to index
          %swap3A_323 = tpu.vector_load %arg6[%swap3A_321, %swap3A_322] {strides = array<i32>} : memref<16x128xf32, #tpu.memory_space<vmem>>, vector<16xf32>,
          tpu.vector_store %arg6[%swap3A_321, %swap3A_322], %scan3A_263#9 {strides = array<i32>} : memref<16x128xf32, #tpu.memory_space<vmem>>, vector<16xf32>,
          %mul3A_324 = arith.constant 16 : i32
          %mul3A_325 = arith.muli %scan3A_162, %mul3A_324 : i32
          %swap3A_326 = arith.constant 10 : i32
          %swap3A_327 = arith.index_cast %swap3A_326 : i32 to index
          %swap3A_328 = arith.index_cast %mul3A_325 : i32 to index
          %swap3A_329 = tpu.vector_load %arg6[%swap3A_327, %swap3A_328] {strides = array<i32>} : memref<16x128xf32, #tpu.memory_space<vmem>>, vector<16xf32>,
          tpu.vector_store %arg6[%swap3A_327, %swap3A_328], %scan3A_263#10 {strides = array<i32>} : memref<16x128xf32, #tpu.memory_space<vmem>>, vector<16xf32>,
          %mul3A_330 = arith.constant 16 : i32
          %mul3A_331 = arith.muli %scan3A_162, %mul3A_330 : i32
          %swap3A_332 = arith.constant 11 : i32
          %swap3A_333 = arith.index_cast %swap3A_332 : i32 to index
          %swap3A_334 = arith.index_cast %mul3A_331 : i32 to index
          %swap3A_335 = tpu.vector_load %arg6[%swap3A_333, %swap3A_334] {strides = array<i32>} : memref<16x128xf32, #tpu.memory_space<vmem>>, vector<16xf32>,
          tpu.vector_store %arg6[%swap3A_333, %swap3A_334], %scan3A_263#11 {strides = array<i32>} : memref<16x128xf32, #tpu.memory_space<vmem>>, vector<16xf32>,
          %mul3A_336 = arith.constant 16 : i32
          %mul3A_337 = arith.muli %scan3A_162, %mul3A_336 : i32
          %swap3A_338 = arith.constant 12 : i32
          %swap3A_339 = arith.index_cast %swap3A_338 : i32 to index
          %swap3A_340 = arith.index_cast %mul3A_337 : i32 to index
          %swap3A_341 = tpu.vector_load %arg6[%swap3A_339, %swap3A_340] {strides = array<i32>} : memref<16x128xf32, #tpu.memory_space<vmem>>, vector<16xf32>,
          tpu.vector_store %arg6[%swap3A_339, %swap3A_340], %scan3A_263#12 {strides = array<i32>} : memref<16x128xf32, #tpu.memory_space<vmem>>, vector<16xf32>,
          %mul3A_342 = arith.constant 16 : i32
          %mul3A_343 = arith.muli %scan3A_162, %mul3A_342 : i32
          %swap3A_344 = arith.constant 13 : i32
          %swap3A_345 = arith.index_cast %swap3A_344 : i32 to index
          %swap3A_346 = arith.index_cast %mul3A_343 : i32 to index
          %swap3A_347 = tpu.vector_load %arg6[%swap3A_345, %swap3A_346] {strides = array<i32>} : memref<16x128xf32, #tpu.memory_space<vmem>>, vector<16xf32>,
          tpu.vector_store %arg6[%swap3A_345, %swap3A_346], %scan3A_263#13 {strides = array<i32>} : memref<16x128xf32, #tpu.memory_space<vmem>>, vector<16xf32>,
          %mul3A_348 = arith.constant 16 : i32
          %mul3A_349 = arith.muli %scan3A_162, %mul3A_348 : i32
          %swap3A_350 = arith.constant 14 : i32
          %swap3A_351 = arith.index_cast %swap3A_350 : i32 to index
          %swap3A_352 = arith.index_cast %mul3A_349 : i32 to index
          %swap3A_353 = tpu.vector_load %arg6[%swap3A_351, %swap3A_352] {strides = array<i32>} : memref<16x128xf32, #tpu.memory_space<vmem>>, vector<16xf32>,
          tpu.vector_store %arg6[%swap3A_351, %swap3A_352], %scan3A_263#14 {strides = array<i32>} : memref<16x128xf32, #tpu.memory_space<vmem>>, vector<16xf32>,
          %mul3A_354 = arith.constant 16 : i32
          %mul3A_355 = arith.muli %scan3A_162, %mul3A_354 : i32
          %swap3A_356 = arith.constant 15 : i32
          %swap3A_357 = arith.index_cast %swap3A_356 : i32 to index
          %swap3A_358 = arith.index_cast %mul3A_355 : i32 to index
          %swap3A_359 = tpu.vector_load %arg6[%swap3A_357, %swap3A_358] {strides = array<i32>} : memref<16x128xf32, #tpu.memory_space<vmem>>, vector<16xf32>,
          tpu.vector_store %arg6[%swap3A_357, %swap3A_358], %scan3A_263#15 {strides = array<i32>} : memref<16x128xf32, #tpu.memory_space<vmem>>, vector<16xf32>,
          %scan3A_360 = arith.constant 0 : i32
          scf.yield %scan3A_360 : i32
        }
        %scan3A_136 = arith.constant 8 : i32
        %convert_element_type3A_137 = arith.extui %lt3A_128 : i1 to i32
        %cond3A_138 = arith.constant 0 : i32
        %cond3A_139 = arith.cmpi ne, %convert_element_type3A_137, %cond3A_138 : i32
        scf.if %cond3A_139 {
          %add3A_162 = arith.constant 1 : i32
          %add3A_163 = arith.addi %add3A_124, %add3A_162 : i32
          %mul3A_164 = arith.constant 256 : i32
          %mul3A_165 = arith.muli %add3A_163, %mul3A_164 : i32
          %add3A_166 = arith.addi %mul3A_93, %mul3A_165 : i32
          %mul3A_167 = arith.constant 128 : i32
          %mul3A_168 = arith.muli %select_n3A_72, %mul3A_167 : i32
          %dma_wait3A_169 = tpu.memref_slice %arg2[%add3A_91, %add3A_166, %mul3A_168] : memref<4x8192x768xf32, #tpu.memory_space<hbm>> -> memref<1x256x128xf32, #tpu.memory_space<hbm>>
          %dma_wait3A_170 = tpu.memref_squeeze %dma_wait3A_169 : memref<1x256x128xf32, #tpu.memory_space<hbm>> -> memref<256x128xf32, #tpu.memory_space<hbm>>
          %dma_wait3A_171 = tpu.memref_slice %arg2[%add3A_91, %add3A_166, %mul3A_168] : memref<4x8192x768xf32, #tpu.memory_space<hbm>> -> memref<1x256x128xf32, #tpu.memory_space<hbm>>
          %dma_wait3A_172 = tpu.memref_squeeze %dma_wait3A_171 : memref<1x256x128xf32, #tpu.memory_space<hbm>> -> memref<256x128xf32, #tpu.memory_space<hbm>>
          tpu.wait_dma2 semaphore(%arg11 : memref<!tpu.dma_semaphore, #tpu.memory_space<semaphore_mem>>) src(%dma_wait3A_172 : memref<256x128xf32, #tpu.memory_space<hbm>>) dst(%arg5 : memref<256x128xf32, #tpu.memory_space<vmem>>)
        } else {
        }
        %mul3A_140 = arith.constant 2 : i32
        %mul3A_141 = arith.muli %scan3A_119, %mul3A_140 : i32
        %add3A_142 = arith.constant 1 : i32
        %add3A_143 = arith.addi %mul3A_141, %add3A_142 : i32
        %add3A_144 = arith.constant 1 : i32
        %add3A_145 = arith.addi %add3A_143, %add3A_144 : i32
        %lt3A_146 = arith.constant 8 : i32
        %lt3A_147 = arith.cmpi slt, %add3A_145, %lt3A_146 : i32
        %convert_element_type3A_148 = arith.extui %lt3A_147 : i1 to i32
        %cond3A_149 = arith.constant 0 : i32
        %cond3A_150 = arith.cmpi ne, %convert_element_type3A_148, %cond3A_149 : i32
        scf.if %cond3A_150 {
          %add3A_162 = arith.constant 1 : i32
          %add3A_163 = arith.addi %add3A_143, %add3A_162 : i32
          %mul3A_164 = arith.constant 256 : i32
          %mul3A_165 = arith.muli %add3A_163, %mul3A_164 : i32
          %add3A_166 = arith.addi %mul3A_93, %mul3A_165 : i32
          %mul3A_167 = arith.constant 128 : i32
          %mul3A_168 = arith.muli %select_n3A_72, %mul3A_167 : i32
          %dma_start3A_169 = tpu.memref_slice %arg2[%add3A_91, %add3A_166, %mul3A_168] : memref<4x8192x768xf32, #tpu.memory_space<hbm>> -> memref<1x256x128xf32, #tpu.memory_space<hbm>>
          %dma_start3A_170 = tpu.memref_squeeze %dma_start3A_169 : memref<1x256x128xf32, #tpu.memory_space<hbm>> -> memref<256x128xf32, #tpu.memory_space<hbm>>
          %dma_start3A_171 = tpu.memref_slice %arg2[%add3A_91, %add3A_166, %mul3A_168] : memref<4x8192x768xf32, #tpu.memory_space<hbm>> -> memref<1x256x128xf32, #tpu.memory_space<hbm>>
          %dma_start3A_172 = tpu.memref_squeeze %dma_start3A_171 : memref<1x256x128xf32, #tpu.memory_space<hbm>> -> memref<256x128xf32, #tpu.memory_space<hbm>>
          tpu.enqueue_dma source(%dma_start3A_172 : memref<256x128xf32, #tpu.memory_space<hbm>>) target(%arg4 : memref<256x128xf32, #tpu.memory_space<vmem>>) target_semaphore(%arg10 : memref<!tpu.dma_semaphore, #tpu.memory_space<semaphore_mem>>)
        } else {
        }
        %scan3A_151 = arith.constant 0 : i32
        %scan3A_152 = arith.constant 0 : i32
        %scan3A_153 = arith.constant 8 : i32
        %scan3A_154 = arith.addi %scan3A_152, %scan3A_153 : i32
        %scan3A_155 = arith.constant 1 : i32
        %scan3A_156 = scf.for %scan3A_162 = %scan3A_152 to %scan3A_154 step %scan3A_155 iter_args(%scan3A_163 = %scan3A_151) -> (i32)  : i32 {
          %mul3A_164 = arith.constant 16 : i32
          %mul3A_165 = arith.muli %scan3A_162, %mul3A_164 : i32
          %get3A = arith.constant 0 : i32
          %get3A_166 = arith.index_cast %get3A : i32 to index
          %get3A_167 = arith.index_cast %mul3A_165 : i32 to index
          %get3A_168 = tpu.vector_load %arg6[%get3A_166, %get3A_167] {strides = array<i32>} : memref<16x128xf32, #tpu.memory_space<vmem>>, vector<16xf32>,
          %mul3A_169 = arith.constant 16 : i32
          %mul3A_170 = arith.muli %scan3A_162, %mul3A_169 : i32
          %get3A_171 = arith.constant 1 : i32
          %get3A_172 = arith.index_cast %get3A_171 : i32 to index
          %get3A_173 = arith.index_cast %mul3A_170 : i32 to index
          %get3A_174 = tpu.vector_load %arg6[%get3A_172, %get3A_173] {strides = array<i32>} : memref<16x128xf32, #tpu.memory_space<vmem>>, vector<16xf32>,
          %mul3A_175 = arith.constant 16 : i32
          %mul3A_176 = arith.muli %scan3A_162, %mul3A_175 : i32
          %get3A_177 = arith.constant 2 : i32
          %get3A_178 = arith.index_cast %get3A_177 : i32 to index
          %get3A_179 = arith.index_cast %mul3A_176 : i32 to index
          %get3A_180 = tpu.vector_load %arg6[%get3A_178, %get3A_179] {strides = array<i32>} : memref<16x128xf32, #tpu.memory_space<vmem>>, vector<16xf32>,
          %mul3A_181 = arith.constant 16 : i32
          %mul3A_182 = arith.muli %scan3A_162, %mul3A_181 : i32
          %get3A_183 = arith.constant 3 : i32
          %get3A_184 = arith.index_cast %get3A_183 : i32 to index
          %get3A_185 = arith.index_cast %mul3A_182 : i32 to index
          %get3A_186 = tpu.vector_load %arg6[%get3A_184, %get3A_185] {strides = array<i32>} : memref<16x128xf32, #tpu.memory_space<vmem>>, vector<16xf32>,
          %mul3A_187 = arith.constant 16 : i32
          %mul3A_188 = arith.muli %scan3A_162, %mul3A_187 : i32
          %get3A_189 = arith.constant 4 : i32
          %get3A_190 = arith.index_cast %get3A_189 : i32 to index
          %get3A_191 = arith.index_cast %mul3A_188 : i32 to index
          %get3A_192 = tpu.vector_load %arg6[%get3A_190, %get3A_191] {strides = array<i32>} : memref<16x128xf32, #tpu.memory_space<vmem>>, vector<16xf32>,
          %mul3A_193 = arith.constant 16 : i32
          %mul3A_194 = arith.muli %scan3A_162, %mul3A_193 : i32
          %get3A_195 = arith.constant 5 : i32
          %get3A_196 = arith.index_cast %get3A_195 : i32 to index
          %get3A_197 = arith.index_cast %mul3A_194 : i32 to index
          %get3A_198 = tpu.vector_load %arg6[%get3A_196, %get3A_197] {strides = array<i32>} : memref<16x128xf32, #tpu.memory_space<vmem>>, vector<16xf32>,
          %mul3A_199 = arith.constant 16 : i32
          %mul3A_200 = arith.muli %scan3A_162, %mul3A_199 : i32
          %get3A_201 = arith.constant 6 : i32
          %get3A_202 = arith.index_cast %get3A_201 : i32 to index
          %get3A_203 = arith.index_cast %mul3A_200 : i32 to index
          %get3A_204 = tpu.vector_load %arg6[%get3A_202, %get3A_203] {strides = array<i32>} : memref<16x128xf32, #tpu.memory_space<vmem>>, vector<16xf32>,
          %mul3A_205 = arith.constant 16 : i32
          %mul3A_206 = arith.muli %scan3A_162, %mul3A_205 : i32
          %get3A_207 = arith.constant 7 : i32
          %get3A_208 = arith.index_cast %get3A_207 : i32 to index
          %get3A_209 = arith.index_cast %mul3A_206 : i32 to index
          %get3A_210 = tpu.vector_load %arg6[%get3A_208, %get3A_209] {strides = array<i32>} : memref<16x128xf32, #tpu.memory_space<vmem>>, vector<16xf32>,
          %mul3A_211 = arith.constant 16 : i32
          %mul3A_212 = arith.muli %scan3A_162, %mul3A_211 : i32
          %get3A_213 = arith.constant 8 : i32
          %get3A_214 = arith.index_cast %get3A_213 : i32 to index
          %get3A_215 = arith.index_cast %mul3A_212 : i32 to index
          %get3A_216 = tpu.vector_load %arg6[%get3A_214, %get3A_215] {strides = array<i32>} : memref<16x128xf32, #tpu.memory_space<vmem>>, vector<16xf32>,
          %mul3A_217 = arith.constant 16 : i32
          %mul3A_218 = arith.muli %scan3A_162, %mul3A_217 : i32
          %get3A_219 = arith.constant 9 : i32
          %get3A_220 = arith.index_cast %get3A_219 : i32 to index
          %get3A_221 = arith.index_cast %mul3A_218 : i32 to index
          %get3A_222 = tpu.vector_load %arg6[%get3A_220, %get3A_221] {strides = array<i32>} : memref<16x128xf32, #tpu.memory_space<vmem>>, vector<16xf32>,
          %mul3A_223 = arith.constant 16 : i32
          %mul3A_224 = arith.muli %scan3A_162, %mul3A_223 : i32
          %get3A_225 = arith.constant 10 : i32
          %get3A_226 = arith.index_cast %get3A_225 : i32 to index
          %get3A_227 = arith.index_cast %mul3A_224 : i32 to index
          %get3A_228 = tpu.vector_load %arg6[%get3A_226, %get3A_227] {strides = array<i32>} : memref<16x128xf32, #tpu.memory_space<vmem>>, vector<16xf32>,
          %mul3A_229 = arith.constant 16 : i32
          %mul3A_230 = arith.muli %scan3A_162, %mul3A_229 : i32
          %get3A_231 = arith.constant 11 : i32
          %get3A_232 = arith.index_cast %get3A_231 : i32 to index
          %get3A_233 = arith.index_cast %mul3A_230 : i32 to index
          %get3A_234 = tpu.vector_load %arg6[%get3A_232, %get3A_233] {strides = array<i32>} : memref<16x128xf32, #tpu.memory_space<vmem>>, vector<16xf32>,
          %mul3A_235 = arith.constant 16 : i32
          %mul3A_236 = arith.muli %scan3A_162, %mul3A_235 : i32
          %get3A_237 = arith.constant 12 : i32
          %get3A_238 = arith.index_cast %get3A_237 : i32 to index
          %get3A_239 = arith.index_cast %mul3A_236 : i32 to index
          %get3A_240 = tpu.vector_load %arg6[%get3A_238, %get3A_239] {strides = array<i32>} : memref<16x128xf32, #tpu.memory_space<vmem>>, vector<16xf32>,
          %mul3A_241 = arith.constant 16 : i32
          %mul3A_242 = arith.muli %scan3A_162, %mul3A_241 : i32
          %get3A_243 = arith.constant 13 : i32
          %get3A_244 = arith.index_cast %get3A_243 : i32 to index
          %get3A_245 = arith.index_cast %mul3A_242 : i32 to index
          %get3A_246 = tpu.vector_load %arg6[%get3A_244, %get3A_245] {strides = array<i32>} : memref<16x128xf32, #tpu.memory_space<vmem>>, vector<16xf32>,
          %mul3A_247 = arith.constant 16 : i32
          %mul3A_248 = arith.muli %scan3A_162, %mul3A_247 : i32
          %get3A_249 = arith.constant 14 : i32
          %get3A_250 = arith.index_cast %get3A_249 : i32 to index
          %get3A_251 = arith.index_cast %mul3A_248 : i32 to index
          %get3A_252 = tpu.vector_load %arg6[%get3A_250, %get3A_251] {strides = array<i32>} : memref<16x128xf32, #tpu.memory_space<vmem>>, vector<16xf32>,
          %mul3A_253 = arith.constant 16 : i32
          %mul3A_254 = arith.muli %scan3A_162, %mul3A_253 : i32
          %get3A_255 = arith.constant 15 : i32
          %get3A_256 = arith.index_cast %get3A_255 : i32 to index
          %get3A_257 = arith.index_cast %mul3A_254 : i32 to index
          %get3A_258 = tpu.vector_load %arg6[%get3A_256, %get3A_257] {strides = array<i32>} : memref<16x128xf32, #tpu.memory_space<vmem>>, vector<16xf32>,
          %scan3A_259 = arith.constant 0 : i32
          %scan3A_260 = arith.constant 32 : i32
          %scan3A_261 = arith.addi %scan3A_259, %scan3A_260 : i32
          %scan3A_262 = arith.constant 1 : i32
          %scan3A_263:16 = scf.for %scan3A_361 = %scan3A_259 to %scan3A_261 step %scan3A_262 iter_args(%scan3A_362 = %get3A_168, %scan3A_363 = %get3A_174, %scan3A_364 = %get3A_180, %scan3A_365 = %get3A_186, %scan3A_366 = %get3A_192, %scan3A_367 = %get3A_198, %scan3A_368 = %get3A_204, %scan3A_369 = %get3A_210, %scan3A_370 = %get3A_216, %scan3A_371 = %get3A_222, %scan3A_372 = %get3A_228, %scan3A_373 = %get3A_234, %scan3A_374 = %get3A_240, %scan3A_375 = %get3A_246, %scan3A_376 = %get3A_252, %scan3A_377 = %get3A_258) -> (vector<16xf32>, vector<16xf32>, vector<16xf32>, vector<16xf32>, vector<16xf32>, vector<16xf32>, vector<16xf32>, vector<16xf32>, vector<16xf32>, vector<16xf32>, vector<16xf32>, vector<16xf32>, vector<16xf32>, vector<16xf32>, vector<16xf32>, vector<16xf32>)  : i32 {
            %mul3A_378 = arith.constant 8 : i32
            %mul3A_379 = arith.muli %scan3A_361, %mul3A_378 : i32
            %add3A_380 = arith.constant 0 : i32
            %add3A_381 = arith.addi %mul3A_379, %add3A_380 : i32
            %mul3A_382 = arith.constant 16 : i32
            %mul3A_383 = arith.muli %scan3A_162, %mul3A_382 : i32
            %get3A_384 = arith.index_cast %add3A_381 : i32 to index
            %get3A_385 = arith.index_cast %mul3A_383 : i32 to index
            %get3A_386 = tpu.vector_load %arg5[%get3A_384, %get3A_385] {strides = array<i32>} : memref<256x128xf32, #tpu.memory_space<vmem>>, vector<16xf32>,
            %add3A_387 = arith.constant 1 : i32
            %add3A_388 = arith.addi %mul3A_379, %add3A_387 : i32
            %mul3A_389 = arith.constant 16 : i32
            %mul3A_390 = arith.muli %scan3A_162, %mul3A_389 : i32
            %get3A_391 = arith.index_cast %add3A_388 : i32 to index
            %get3A_392 = arith.index_cast %mul3A_390 : i32 to index
            %get3A_393 = tpu.vector_load %arg5[%get3A_391, %get3A_392] {strides = array<i32>} : memref<256x128xf32, #tpu.memory_space<vmem>>, vector<16xf32>,
            %add3A_394 = arith.constant 2 : i32
            %add3A_395 = arith.addi %mul3A_379, %add3A_394 : i32
            %mul3A_396 = arith.constant 16 : i32
            %mul3A_397 = arith.muli %scan3A_162, %mul3A_396 : i32
            %get3A_398 = arith.index_cast %add3A_395 : i32 to index
            %get3A_399 = arith.index_cast %mul3A_397 : i32 to index
            %get3A_400 = tpu.vector_load %arg5[%get3A_398, %get3A_399] {strides = array<i32>} : memref<256x128xf32, #tpu.memory_space<vmem>>, vector<16xf32>,
            %add3A_401 = arith.constant 3 : i32
            %add3A_402 = arith.addi %mul3A_379, %add3A_401 : i32
            %mul3A_403 = arith.constant 16 : i32
            %mul3A_404 = arith.muli %scan3A_162, %mul3A_403 : i32
            %get3A_405 = arith.index_cast %add3A_402 : i32 to index
            %get3A_406 = arith.index_cast %mul3A_404 : i32 to index
            %get3A_407 = tpu.vector_load %arg5[%get3A_405, %get3A_406] {strides = array<i32>} : memref<256x128xf32, #tpu.memory_space<vmem>>, vector<16xf32>,
            %add3A_408 = arith.constant 4 : i32
            %add3A_409 = arith.addi %mul3A_379, %add3A_408 : i32
            %mul3A_410 = arith.constant 16 : i32
            %mul3A_411 = arith.muli %scan3A_162, %mul3A_410 : i32
            %get3A_412 = arith.index_cast %add3A_409 : i32 to index
            %get3A_413 = arith.index_cast %mul3A_411 : i32 to index
            %get3A_414 = tpu.vector_load %arg5[%get3A_412, %get3A_413] {strides = array<i32>} : memref<256x128xf32, #tpu.memory_space<vmem>>, vector<16xf32>,
            %add3A_415 = arith.constant 5 : i32
            %add3A_416 = arith.addi %mul3A_379, %add3A_415 : i32
            %mul3A_417 = arith.constant 16 : i32
            %mul3A_418 = arith.muli %scan3A_162, %mul3A_417 : i32
            %get3A_419 = arith.index_cast %add3A_416 : i32 to index
            %get3A_420 = arith.index_cast %mul3A_418 : i32 to index
            %get3A_421 = tpu.vector_load %arg5[%get3A_419, %get3A_420] {strides = array<i32>} : memref<256x128xf32, #tpu.memory_space<vmem>>, vector<16xf32>,
            %add3A_422 = arith.constant 6 : i32
            %add3A_423 = arith.addi %mul3A_379, %add3A_422 : i32
            %mul3A_424 = arith.constant 16 : i32
            %mul3A_425 = arith.muli %scan3A_162, %mul3A_424 : i32
            %get3A_426 = arith.index_cast %add3A_423 : i32 to index
            %get3A_427 = arith.index_cast %mul3A_425 : i32 to index
            %get3A_428 = tpu.vector_load %arg5[%get3A_426, %get3A_427] {strides = array<i32>} : memref<256x128xf32, #tpu.memory_space<vmem>>, vector<16xf32>,
            %add3A_429 = arith.constant 7 : i32
            %add3A_430 = arith.addi %mul3A_379, %add3A_429 : i32
            %mul3A_431 = arith.constant 16 : i32
            %mul3A_432 = arith.muli %scan3A_162, %mul3A_431 : i32
            %get3A_433 = arith.index_cast %add3A_430 : i32 to index
            %get3A_434 = arith.index_cast %mul3A_432 : i32 to index
            %get3A_435 = tpu.vector_load %arg5[%get3A_433, %get3A_434] {strides = array<i32>} : memref<256x128xf32, #tpu.memory_space<vmem>>, vector<16xf32>,
            %min3A = arith.minimumf %get3A_386, %get3A_393 : vector<16xf32>
            %max3A = arith.maximumf %get3A_386, %get3A_393 : vector<16xf32>
            %min3A_436 = arith.minimumf %get3A_400, %get3A_407 : vector<16xf32>
            %max3A_437 = arith.maximumf %get3A_400, %get3A_407 : vector<16xf32>
            %min3A_438 = arith.minimumf %get3A_414, %get3A_421 : vector<16xf32>
            %max3A_439 = arith.maximumf %get3A_414, %get3A_421 : vector<16xf32>
            %min3A_440 = arith.minimumf %get3A_428, %get3A_435 : vector<16xf32>
            %max3A_441 = arith.maximumf %get3A_428, %get3A_435 : vector<16xf32>
            %min3A_442 = arith.minimumf %min3A, %min3A_436 : vector<16xf32>
            %max3A_443 = arith.maximumf %min3A, %min3A_436 : vector<16xf32>
            %min3A_444 = arith.minimumf %max3A, %max3A_437 : vector<16xf32>
            %max3A_445 = arith.maximumf %max3A, %max3A_437 : vector<16xf32>
            %min3A_446 = arith.minimumf %min3A_438, %min3A_440 : vector<16xf32>
            %max3A_447 = arith.maximumf %min3A_438, %min3A_440 : vector<16xf32>
            %min3A_448 = arith.minimumf %max3A_439, %max3A_441 : vector<16xf32>
            %max3A_449 = arith.maximumf %max3A_439, %max3A_441 : vector<16xf32>
            %min3A_450 = arith.minimumf %min3A_444, %max3A_443 : vector<16xf32>
            %max3A_451 = arith.maximumf %min3A_444, %max3A_443 : vector<16xf32>
            %min3A_452 = arith.minimumf %min3A_448, %max3A_447 : vector<16xf32>
            %max3A_453 = arith.maximumf %min3A_448, %max3A_447 : vector<16xf32>
            %min3A_454 = arith.minimumf %min3A_442, %min3A_446 : vector<16xf32>
            %max3A_455 = arith.maximumf %min3A_442, %min3A_446 : vector<16xf32>
            %min3A_456 = arith.minimumf %min3A_450, %min3A_452 : vector<16xf32>
            %max3A_457 = arith.maximumf %min3A_450, %min3A_452 : vector<16xf32>
            %min3A_458 = arith.minimumf %max3A_451, %max3A_453 : vector<16xf32>
            %max3A_459 = arith.maximumf %max3A_451, %max3A_453 : vector<16xf32>
            %min3A_460 = arith.minimumf %max3A_445, %max3A_449 : vector<16xf32>
            %max3A_461 = arith.maximumf %max3A_445, %max3A_449 : vector<16xf32>
            %min3A_462 = arith.minimumf %min3A_458, %max3A_455 : vector<16xf32>
            %max3A_463 = arith.maximumf %min3A_458, %max3A_455 : vector<16xf32>
            %min3A_464 = arith.minimumf %min3A_460, %max3A_457 : vector<16xf32>
            %max3A_465 = arith.maximumf %min3A_460, %max3A_457 : vector<16xf32>
            %min3A_466 = arith.minimumf %min3A_456, %min3A_462 : vector<16xf32>
            %max3A_467 = arith.maximumf %min3A_456, %min3A_462 : vector<16xf32>
            %min3A_468 = arith.minimumf %min3A_464, %max3A_463 : vector<16xf32>
            %max3A_469 = arith.maximumf %min3A_464, %max3A_463 : vector<16xf32>
            %min3A_470 = arith.minimumf %max3A_465, %max3A_459 : vector<16xf32>
            %max3A_471 = arith.maximumf %max3A_465, %max3A_459 : vector<16xf32>
            %max3A_472 = arith.maximumf %scan3A_362, %min3A_454 : vector<16xf32>
            %max3A_473 = arith.maximumf %scan3A_363, %min3A_466 : vector<16xf32>
            %max3A_474 = arith.maximumf %scan3A_364, %max3A_467 : vector<16xf32>
            %max3A_475 = arith.maximumf %scan3A_365, %min3A_468 : vector<16xf32>
            %max3A_476 = arith.maximumf %scan3A_366, %max3A_469 : vector<16xf32>
            %max3A_477 = arith.maximumf %scan3A_367, %min3A_470 : vector<16xf32>
            %max3A_478 = arith.maximumf %scan3A_368, %max3A_471 : vector<16xf32>
            %max3A_479 = arith.maximumf %scan3A_369, %max3A_461 : vector<16xf32>
            %min3A_480 = arith.minimumf %max3A_472, %max3A_476 : vector<16xf32>
            %max3A_481 = arith.maximumf %max3A_472, %max3A_476 : vector<16xf32>
            %min3A_482 = arith.minimumf %max3A_473, %max3A_477 : vector<16xf32>
            %max3A_483 = arith.maximumf %max3A_473, %max3A_477 : vector<16xf32>
            %min3A_484 = arith.minimumf %max3A_474, %max3A_478 : vector<16xf32>
            %max3A_485 = arith.maximumf %max3A_474, %max3A_478 : vector<16xf32>
            %min3A_486 = arith.minimumf %max3A_475, %max3A_479 : vector<16xf32>
            %max3A_487 = arith.maximumf %max3A_475, %max3A_479 : vector<16xf32>
            %min3A_488 = arith.minimumf %max3A_481, %max3A_485 : vector<16xf32>
            %max3A_489 = arith.maximumf %max3A_481, %max3A_485 : vector<16xf32>
            %min3A_490 = arith.minimumf %max3A_483, %max3A_487 : vector<16xf32>
            %max3A_491 = arith.maximumf %max3A_483, %max3A_487 : vector<16xf32>
            %min3A_492 = arith.minimumf %min3A_480, %min3A_484 : vector<16xf32>
            %max3A_493 = arith.maximumf %min3A_480, %min3A_484 : vector<16xf32>
            %min3A_494 = arith.minimumf %min3A_482, %min3A_486 : vector<16xf32>
            %max3A_495 = arith.maximumf %min3A_482, %min3A_486 : vector<16xf32>
            %min3A_496 = arith.minimumf %max3A_489, %max3A_491 : vector<16xf32>
            %max3A_497 = arith.maximumf %max3A_489, %max3A_491 : vector<16xf32>
            %min3A_498 = arith.minimumf %min3A_488, %min3A_490 : vector<16xf32>
            %max3A_499 = arith.maximumf %min3A_488, %min3A_490 : vector<16xf32>
            %min3A_500 = arith.minimumf %max3A_493, %max3A_495 : vector<16xf32>
            %max3A_501 = arith.maximumf %max3A_493, %max3A_495 : vector<16xf32>
            %min3A_502 = arith.minimumf %min3A_492, %min3A_494 : vector<16xf32>
            %max3A_503 = arith.maximumf %min3A_492, %min3A_494 : vector<16xf32>
            %min3A_504 = arith.minimumf %scan3A_370, %max3A_461 : vector<16xf32>
            %min3A_505 = arith.minimumf %scan3A_371, %max3A_471 : vector<16xf32>
            %min3A_506 = arith.minimumf %scan3A_372, %min3A_470 : vector<16xf32>
            %min3A_507 = arith.minimumf %scan3A_373, %max3A_469 : vector<16xf32>
            %min3A_508 = arith.minimumf %scan3A_374, %min3A_468 : vector<16xf32>
            %min3A_509 = arith.minimumf %scan3A_375, %max3A_467 : vector<16xf32>
            %min3A_510 = arith.minimumf %scan3A_376, %min3A_466 : vector<16xf32>
            %min3A_511 = arith.minimumf %scan3A_377, %min3A_454 : vector<16xf32>
            %min3A_512 = arith.minimumf %min3A_504, %min3A_508 : vector<16xf32>
            %max3A_513 = arith.maximumf %min3A_504, %min3A_508 : vector<16xf32>
            %min3A_514 = arith.minimumf %min3A_505, %min3A_509 : vector<16xf32>
            %max3A_515 = arith.maximumf %min3A_505, %min3A_509 : vector<16xf32>
            %min3A_516 = arith.minimumf %min3A_506, %min3A_510 : vector<16xf32>
            %max3A_517 = arith.maximumf %min3A_506, %min3A_510 : vector<16xf32>
            %min3A_518 = arith.minimumf %min3A_507, %min3A_511 : vector<16xf32>
            %max3A_519 = arith.maximumf %min3A_507, %min3A_511 : vector<16xf32>
            %min3A_520 = arith.minimumf %min3A_512, %min3A_516 : vector<16xf32>
            %max3A_521 = arith.maximumf %min3A_512, %min3A_516 : vector<16xf32>
            %min3A_522 = arith.minimumf %min3A_514, %min3A_518 : vector<16xf32>
            %max3A_523 = arith.maximumf %min3A_514, %min3A_518 : vector<16xf32>
            %min3A_524 = arith.minimumf %max3A_513, %max3A_517 : vector<16xf32>
            %max3A_525 = arith.maximumf %max3A_513, %max3A_517 : vector<16xf32>
            %min3A_526 = arith.minimumf %max3A_515, %max3A_519 : vector<16xf32>
            %max3A_527 = arith.maximumf %max3A_515, %max3A_519 : vector<16xf32>
            %min3A_528 = arith.minimumf %min3A_520, %min3A_522 : vector<16xf32>
            %max3A_529 = arith.maximumf %min3A_520, %min3A_522 : vector<16xf32>
            %min3A_530 = arith.minimumf %max3A_521, %max3A_523 : vector<16xf32>
            %max3A_531 = arith.maximumf %max3A_521, %max3A_523 : vector<16xf32>
            %min3A_532 = arith.minimumf %min3A_524, %min3A_526 : vector<16xf32>
            %max3A_533 = arith.maximumf %min3A_524, %min3A_526 : vector<16xf32>
            %min3A_534 = arith.minimumf %max3A_525, %max3A_527 : vector<16xf32>
            %max3A_535 = arith.maximumf %max3A_525, %max3A_527 : vector<16xf32>
            scf.yield %max3A_497, %min3A_496, %max3A_499, %min3A_498, %max3A_501, %min3A_500, %max3A_503, %min3A_502, %min3A_528, %max3A_529, %min3A_530, %max3A_531, %min3A_532, %max3A_533, %min3A_534, %max3A_535 : vector<16xf32>, vector<16xf32>, vector<16xf32>, vector<16xf32>, vector<16xf32>, vector<16xf32>, vector<16xf32>, vector<16xf32>, vector<16xf32>, vector<16xf32>, vector<16xf32>, vector<16xf32>, vector<16xf32>, vector<16xf32>, vector<16xf32>, vector<16xf32>
          }
          %scan3A_264 = arith.constant 32 : i32
          %mul3A_265 = arith.constant 16 : i32
          %mul3A_266 = arith.muli %scan3A_162, %mul3A_265 : i32
          %swap3A = arith.constant 0 : i32
          %swap3A_267 = arith.index_cast %swap3A : i32 to index
          %swap3A_268 = arith.index_cast %mul3A_266 : i32 to index
          %swap3A_269 = tpu.vector_load %arg6[%swap3A_267, %swap3A_268] {strides = array<i32>} : memref<16x128xf32, #tpu.memory_space<vmem>>, vector<16xf32>,
          tpu.vector_store %arg6[%swap3A_267, %swap3A_268], %scan3A_263#0 {strides = array<i32>} : memref<16x128xf32, #tpu.memory_space<vmem>>, vector<16xf32>,
          %mul3A_270 = arith.constant 16 : i32
          %mul3A_271 = arith.muli %scan3A_162, %mul3A_270 : i32
          %swap3A_272 = arith.constant 1 : i32
          %swap3A_273 = arith.index_cast %swap3A_272 : i32 to index
          %swap3A_274 = arith.index_cast %mul3A_271 : i32 to index
          %swap3A_275 = tpu.vector_load %arg6[%swap3A_273, %swap3A_274] {strides = array<i32>} : memref<16x128xf32, #tpu.memory_space<vmem>>, vector<16xf32>,
          tpu.vector_store %arg6[%swap3A_273, %swap3A_274], %scan3A_263#1 {strides = array<i32>} : memref<16x128xf32, #tpu.memory_space<vmem>>, vector<16xf32>,
          %mul3A_276 = arith.constant 16 : i32
          %mul3A_277 = arith.muli %scan3A_162, %mul3A_276 : i32
          %swap3A_278 = arith.constant 2 : i32
          %swap3A_279 = arith.index_cast %swap3A_278 : i32 to index
          %swap3A_280 = arith.index_cast %mul3A_277 : i32 to index
          %swap3A_281 = tpu.vector_load %arg6[%swap3A_279, %swap3A_280] {strides = array<i32>} : memref<16x128xf32, #tpu.memory_space<vmem>>, vector<16xf32>,
          tpu.vector_store %arg6[%swap3A_279, %swap3A_280], %scan3A_263#2 {strides = array<i32>} : memref<16x128xf32, #tpu.memory_space<vmem>>, vector<16xf32>,
          %mul3A_282 = arith.constant 16 : i32
          %mul3A_283 = arith.muli %scan3A_162, %mul3A_282 : i32
          %swap3A_284 = arith.constant 3 : i32
          %swap3A_285 = arith.index_cast %swap3A_284 : i32 to index
          %swap3A_286 = arith.index_cast %mul3A_283 : i32 to index
          %swap3A_287 = tpu.vector_load %arg6[%swap3A_285, %swap3A_286] {strides = array<i32>} : memref<16x128xf32, #tpu.memory_space<vmem>>, vector<16xf32>,
          tpu.vector_store %arg6[%swap3A_285, %swap3A_286], %scan3A_263#3 {strides = array<i32>} : memref<16x128xf32, #tpu.memory_space<vmem>>, vector<16xf32>,
          %mul3A_288 = arith.constant 16 : i32
          %mul3A_289 = arith.muli %scan3A_162, %mul3A_288 : i32
          %swap3A_290 = arith.constant 4 : i32
          %swap3A_291 = arith.index_cast %swap3A_290 : i32 to index
          %swap3A_292 = arith.index_cast %mul3A_289 : i32 to index
          %swap3A_293 = tpu.vector_load %arg6[%swap3A_291, %swap3A_292] {strides = array<i32>} : memref<16x128xf32, #tpu.memory_space<vmem>>, vector<16xf32>,
          tpu.vector_store %arg6[%swap3A_291, %swap3A_292], %scan3A_263#4 {strides = array<i32>} : memref<16x128xf32, #tpu.memory_space<vmem>>, vector<16xf32>,
          %mul3A_294 = arith.constant 16 : i32
          %mul3A_295 = arith.muli %scan3A_162, %mul3A_294 : i32
          %swap3A_296 = arith.constant 5 : i32
          %swap3A_297 = arith.index_cast %swap3A_296 : i32 to index
          %swap3A_298 = arith.index_cast %mul3A_295 : i32 to index
          %swap3A_299 = tpu.vector_load %arg6[%swap3A_297, %swap3A_298] {strides = array<i32>} : memref<16x128xf32, #tpu.memory_space<vmem>>, vector<16xf32>,
          tpu.vector_store %arg6[%swap3A_297, %swap3A_298], %scan3A_263#5 {strides = array<i32>} : memref<16x128xf32, #tpu.memory_space<vmem>>, vector<16xf32>,
          %mul3A_300 = arith.constant 16 : i32
          %mul3A_301 = arith.muli %scan3A_162, %mul3A_300 : i32
          %swap3A_302 = arith.constant 6 : i32
          %swap3A_303 = arith.index_cast %swap3A_302 : i32 to index
          %swap3A_304 = arith.index_cast %mul3A_301 : i32 to index
          %swap3A_305 = tpu.vector_load %arg6[%swap3A_303, %swap3A_304] {strides = array<i32>} : memref<16x128xf32, #tpu.memory_space<vmem>>, vector<16xf32>,
          tpu.vector_store %arg6[%swap3A_303, %swap3A_304], %scan3A_263#6 {strides = array<i32>} : memref<16x128xf32, #tpu.memory_space<vmem>>, vector<16xf32>,
          %mul3A_306 = arith.constant 16 : i32
          %mul3A_307 = arith.muli %scan3A_162, %mul3A_306 : i32
          %swap3A_308 = arith.constant 7 : i32
          %swap3A_309 = arith.index_cast %swap3A_308 : i32 to index
          %swap3A_310 = arith.index_cast %mul3A_307 : i32 to index
          %swap3A_311 = tpu.vector_load %arg6[%swap3A_309, %swap3A_310] {strides = array<i32>} : memref<16x128xf32, #tpu.memory_space<vmem>>, vector<16xf32>,
          tpu.vector_store %arg6[%swap3A_309, %swap3A_310], %scan3A_263#7 {strides = array<i32>} : memref<16x128xf32, #tpu.memory_space<vmem>>, vector<16xf32>,
          %mul3A_312 = arith.constant 16 : i32
          %mul3A_313 = arith.muli %scan3A_162, %mul3A_312 : i32
          %swap3A_314 = arith.constant 8 : i32
          %swap3A_315 = arith.index_cast %swap3A_314 : i32 to index
          %swap3A_316 = arith.index_cast %mul3A_313 : i32 to index
          %swap3A_317 = tpu.vector_load %arg6[%swap3A_315, %swap3A_316] {strides = array<i32>} : memref<16x128xf32, #tpu.memory_space<vmem>>, vector<16xf32>,
          tpu.vector_store %arg6[%swap3A_315, %swap3A_316], %scan3A_263#8 {strides = array<i32>} : memref<16x128xf32, #tpu.memory_space<vmem>>, vector<16xf32>,
          %mul3A_318 = arith.constant 16 : i32
          %mul3A_319 = arith.muli %scan3A_162, %mul3A_318 : i32
          %swap3A_320 = arith.constant 9 : i32
          %swap3A_321 = arith.index_cast %swap3A_320 : i32 to index
          %swap3A_322 = arith.index_cast %mul3A_319 : i32 to index
          %swap3A_323 = tpu.vector_load %arg6[%swap3A_321, %swap3A_322] {strides = array<i32>} : memref<16x128xf32, #tpu.memory_space<vmem>>, vector<16xf32>,
          tpu.vector_store %arg6[%swap3A_321, %swap3A_322], %scan3A_263#9 {strides = array<i32>} : memref<16x128xf32, #tpu.memory_space<vmem>>, vector<16xf32>,
          %mul3A_324 = arith.constant 16 : i32
          %mul3A_325 = arith.muli %scan3A_162, %mul3A_324 : i32
          %swap3A_326 = arith.constant 10 : i32
          %swap3A_327 = arith.index_cast %swap3A_326 : i32 to index
          %swap3A_328 = arith.index_cast %mul3A_325 : i32 to index
          %swap3A_329 = tpu.vector_load %arg6[%swap3A_327, %swap3A_328] {strides = array<i32>} : memref<16x128xf32, #tpu.memory_space<vmem>>, vector<16xf32>,
          tpu.vector_store %arg6[%swap3A_327, %swap3A_328], %scan3A_263#10 {strides = array<i32>} : memref<16x128xf32, #tpu.memory_space<vmem>>, vector<16xf32>,
          %mul3A_330 = arith.constant 16 : i32
          %mul3A_331 = arith.muli %scan3A_162, %mul3A_330 : i32
          %swap3A_332 = arith.constant 11 : i32
          %swap3A_333 = arith.index_cast %swap3A_332 : i32 to index
          %swap3A_334 = arith.index_cast %mul3A_331 : i32 to index
          %swap3A_335 = tpu.vector_load %arg6[%swap3A_333, %swap3A_334] {strides = array<i32>} : memref<16x128xf32, #tpu.memory_space<vmem>>, vector<16xf32>,
          tpu.vector_store %arg6[%swap3A_333, %swap3A_334], %scan3A_263#11 {strides = array<i32>} : memref<16x128xf32, #tpu.memory_space<vmem>>, vector<16xf32>,
          %mul3A_336 = arith.constant 16 : i32
          %mul3A_337 = arith.muli %scan3A_162, %mul3A_336 : i32
          %swap3A_338 = arith.constant 12 : i32
          %swap3A_339 = arith.index_cast %swap3A_338 : i32 to index
          %swap3A_340 = arith.index_cast %mul3A_337 : i32 to index
          %swap3A_341 = tpu.vector_load %arg6[%swap3A_339, %swap3A_340] {strides = array<i32>} : memref<16x128xf32, #tpu.memory_space<vmem>>, vector<16xf32>,
          tpu.vector_store %arg6[%swap3A_339, %swap3A_340], %scan3A_263#12 {strides = array<i32>} : memref<16x128xf32, #tpu.memory_space<vmem>>, vector<16xf32>,
          %mul3A_342 = arith.constant 16 : i32
          %mul3A_343 = arith.muli %scan3A_162, %mul3A_342 : i32
          %swap3A_344 = arith.constant 13 : i32
          %swap3A_345 = arith.index_cast %swap3A_344 : i32 to index
          %swap3A_346 = arith.index_cast %mul3A_343 : i32 to index
          %swap3A_347 = tpu.vector_load %arg6[%swap3A_345, %swap3A_346] {strides = array<i32>} : memref<16x128xf32, #tpu.memory_space<vmem>>, vector<16xf32>,
          tpu.vector_store %arg6[%swap3A_345, %swap3A_346], %scan3A_263#13 {strides = array<i32>} : memref<16x128xf32, #tpu.memory_space<vmem>>, vector<16xf32>,
          %mul3A_348 = arith.constant 16 : i32
          %mul3A_349 = arith.muli %scan3A_162, %mul3A_348 : i32
          %swap3A_350 = arith.constant 14 : i32
          %swap3A_351 = arith.index_cast %swap3A_350 : i32 to index
          %swap3A_352 = arith.index_cast %mul3A_349 : i32 to index
          %swap3A_353 = tpu.vector_load %arg6[%swap3A_351, %swap3A_352] {strides = array<i32>} : memref<16x128xf32, #tpu.memory_space<vmem>>, vector<16xf32>,
          tpu.vector_store %arg6[%swap3A_351, %swap3A_352], %scan3A_263#14 {strides = array<i32>} : memref<16x128xf32, #tpu.memory_space<vmem>>, vector<16xf32>,
          %mul3A_354 = arith.constant 16 : i32
          %mul3A_355 = arith.muli %scan3A_162, %mul3A_354 : i32
          %swap3A_356 = arith.constant 15 : i32
          %swap3A_357 = arith.index_cast %swap3A_356 : i32 to index
          %swap3A_358 = arith.index_cast %mul3A_355 : i32 to index
          %swap3A_359 = tpu.vector_load %arg6[%swap3A_357, %swap3A_358] {strides = array<i32>} : memref<16x128xf32, #tpu.memory_space<vmem>>, vector<16xf32>,
          tpu.vector_store %arg6[%swap3A_357, %swap3A_358], %scan3A_263#15 {strides = array<i32>} : memref<16x128xf32, #tpu.memory_space<vmem>>, vector<16xf32>,
          %scan3A_360 = arith.constant 0 : i32
          scf.yield %scan3A_360 : i32
        }
        %scan3A_157 = arith.constant 8 : i32
        %convert_element_type3A_158 = arith.extui %lt3A_147 : i1 to i32
        %cond3A_159 = arith.constant 0 : i32
        %cond3A_160 = arith.cmpi ne, %convert_element_type3A_158, %cond3A_159 : i32
        scf.if %cond3A_160 {
          %add3A_162 = arith.constant 1 : i32
          %add3A_163 = arith.addi %add3A_143, %add3A_162 : i32
          %mul3A_164 = arith.constant 256 : i32
          %mul3A_165 = arith.muli %add3A_163, %mul3A_164 : i32
          %add3A_166 = arith.addi %mul3A_93, %mul3A_165 : i32
          %mul3A_167 = arith.constant 128 : i32
          %mul3A_168 = arith.muli %select_n3A_72, %mul3A_167 : i32
          %dma_wait3A_169 = tpu.memref_slice %arg2[%add3A_91, %add3A_166, %mul3A_168] : memref<4x8192x768xf32, #tpu.memory_space<hbm>> -> memref<1x256x128xf32, #tpu.memory_space<hbm>>
          %dma_wait3A_170 = tpu.memref_squeeze %dma_wait3A_169 : memref<1x256x128xf32, #tpu.memory_space<hbm>> -> memref<256x128xf32, #tpu.memory_space<hbm>>
          %dma_wait3A_171 = tpu.memref_slice %arg2[%add3A_91, %add3A_166, %mul3A_168] : memref<4x8192x768xf32, #tpu.memory_space<hbm>> -> memref<1x256x128xf32, #tpu.memory_space<hbm>>
          %dma_wait3A_172 = tpu.memref_squeeze %dma_wait3A_171 : memref<1x256x128xf32, #tpu.memory_space<hbm>> -> memref<256x128xf32, #tpu.memory_space<hbm>>
          tpu.wait_dma2 semaphore(%arg10 : memref<!tpu.dma_semaphore, #tpu.memory_space<semaphore_mem>>) src(%dma_wait3A_172 : memref<256x128xf32, #tpu.memory_space<hbm>>) dst(%arg4 : memref<256x128xf32, #tpu.memory_space<vmem>>)
        } else {
        }
        %scan3A_161 = arith.constant 0 : i32
        scf.yield %scan3A_161 : i32
      }
      %scan3A_117 = arith.constant 4 : i32
      "tpu.region"() ({
        %run_scoped3A = tpu.sem_alloc : memref<!tpu.dma_semaphore, #tpu.memory_space<semaphore_mem>>
        %dma_start3A_119 = arith.constant 0 : i32
        %dma_start3A_120 = arith.constant 0 : i32
        %dma_start3A_121 = tpu.memref_slice %arg9[%add3A, %dma_start3A_119, %dma_start3A_120] : memref<48x16x128xf32, #tpu.memory_space<vmem_shared>> -> memref<1x16x128xf32, #tpu.memory_space<vmem_shared>>
        %dma_start3A_122 = tpu.memref_squeeze %dma_start3A_121 : memref<1x16x128xf32, #tpu.memory_space<vmem_shared>> -> memref<16x128xf32, #tpu.memory_space<vmem_shared>>
        %dma_start3A_123 = arith.constant 0 : i32
        %dma_start3A_124 = arith.constant 0 : i32
        %dma_start3A_125 = tpu.memref_slice %arg9[%add3A, %dma_start3A_123, %dma_start3A_124] : memref<48x16x128xf32, #tpu.memory_space<vmem_shared>> -> memref<1x16x128xf32, #tpu.memory_space<vmem_shared>>
        %dma_start3A_126 = tpu.memref_squeeze %dma_start3A_125 : memref<1x16x128xf32, #tpu.memory_space<vmem_shared>> -> memref<16x128xf32, #tpu.memory_space<vmem_shared>>
        tpu.enqueue_dma source(%arg6 : memref<16x128xf32, #tpu.memory_space<vmem>>) target(%dma_start3A_126 : memref<16x128xf32, #tpu.memory_space<vmem_shared>>) target_semaphore(%run_scoped3A : memref<!tpu.dma_semaphore, #tpu.memory_space<semaphore_mem>>)
        %dma_wait3A_127 = arith.constant 0 : i32
        %dma_wait3A_128 = arith.constant 0 : i32
        %dma_wait3A_129 = tpu.memref_slice %arg9[%add3A, %dma_wait3A_127, %dma_wait3A_128] : memref<48x16x128xf32, #tpu.memory_space<vmem_shared>> -> memref<1x16x128xf32, #tpu.memory_space<vmem_shared>>
        %dma_wait3A_130 = tpu.memref_squeeze %dma_wait3A_129 : memref<1x16x128xf32, #tpu.memory_space<vmem_shared>> -> memref<16x128xf32, #tpu.memory_space<vmem_shared>>
        %dma_wait3A_131 = arith.constant 0 : i32
        %dma_wait3A_132 = arith.constant 0 : i32
        %dma_wait3A_133 = tpu.memref_slice %arg9[%add3A, %dma_wait3A_131, %dma_wait3A_132] : memref<48x16x128xf32, #tpu.memory_space<vmem_shared>> -> memref<1x16x128xf32, #tpu.memory_space<vmem_shared>>
        %dma_wait3A_134 = tpu.memref_squeeze %dma_wait3A_133 : memref<1x16x128xf32, #tpu.memory_space<vmem_shared>> -> memref<16x128xf32, #tpu.memory_space<vmem_shared>>
        tpu.wait_dma2 semaphore(%run_scoped3A : memref<!tpu.dma_semaphore, #tpu.memory_space<semaphore_mem>>) src(%arg6 : memref<16x128xf32, #tpu.memory_space<vmem>>) dst(%dma_wait3A_134 : memref<16x128xf32, #tpu.memory_space<vmem_shared>>)
        tpu.yield
      }) : () -> ()
      %scan3A_118 = arith.constant 0 : i32
      scf.yield %scan3A_118 : i32
    }
    %scan3A_8 = arith.constant 3 : i32
    %barrier3A = arith.constant 0 : index
    tpu.barrier barrier_id(%barrier3A)
    %scan3A_9 = arith.constant 0 : i32
    %scan3A_10 = arith.constant 0 : i32
    %scan3A_11 = arith.constant 6 : i32
    %scan3A_12 = arith.addi %scan3A_10, %scan3A_11 : i32
    %scan3A_13 = arith.constant 1 : i32
    %scan3A_14 = scf.for %scan3A_16 = %scan3A_10 to %scan3A_12 step %scan3A_13 iter_args(%scan3A_17 = %scan3A_9) -> (i32)  : i32 {
      %mul3A = arith.constant 16 : i32
      %mul3A_18 = arith.muli %mul3A, %scan3A_16 : i32
      %add3A = arith.addi %arg1, %mul3A_18 : i32
      %jit3A = arith.constant 48 : i32
      %div3A = arith.divsi %add3A, %jit3A : i32
      %sign3A = arith.constant 0 : i32
      %sign3A_19 = arith.cmpi sgt, %add3A, %sign3A : i32
      %sign3A_20 = arith.extui %sign3A_19 : i1 to i32
      %sign3A_21 = arith.constant 0 : i32
      %sign3A_22 = arith.cmpi slt, %add3A, %sign3A_21 : i32
      %sign3A_23 = arith.extui %sign3A_22 : i1 to i32
      %sign3A_24 = arith.subi %sign3A_20, %sign3A_23 : i32
      %sign3A_25 = arith.constant 0 : i32
      %sign3A_26 = arith.cmpi sgt, %jit3A, %sign3A_25 : i32
      %sign3A_27 = arith.extui %sign3A_26 : i1 to i32
      %sign3A_28 = arith.constant 0 : i32
      %sign3A_29 = arith.cmpi slt, %jit3A, %sign3A_28 : i32
      %sign3A_30 = arith.extui %sign3A_29 : i1 to i32
      %sign3A_31 = arith.subi %sign3A_27, %sign3A_30 : i32
      %ne3A = arith.cmpi ne, %sign3A_24, %sign3A_31 : i32
      %rem3A = arith.remsi %add3A, %jit3A : i32
      %ne3A_32 = arith.constant 0 : i32
      %ne3A_33 = arith.cmpi ne, %rem3A, %ne3A_32 : i32
      %and3A = arith.andi %ne3A, %ne3A_33 : i1
      %sub3A = arith.constant 1 : i32
      %sub3A_34 = arith.subi %div3A, %sub3A : i32
      %select_n3A = arith.select %and3A, %sub3A_34, %div3A : i32
      %jit3A_35 = arith.constant 48 : i32
      %eq3A = arith.constant 0 : i32
      %eq3A_36 = arith.cmpi eq, %jit3A_35, %eq3A : i32
      %jit3A_37 = arith.constant 1 : i32
      %select_n3A_38 = arith.select %eq3A_36, %jit3A_37, %jit3A_35 : i32
      %rem3A_39 = arith.remsi %add3A, %select_n3A_38 : i32
      %ne3A_40 = arith.constant 0 : i32
      %ne3A_41 = arith.cmpi ne, %rem3A_39, %ne3A_40 : i32
      %lt3A = arith.constant 0 : i32
      %lt3A_42 = arith.cmpi slt, %rem3A_39, %lt3A : i32
      %lt3A_43 = arith.constant 0 : i32
      %lt3A_44 = arith.cmpi slt, %select_n3A_38, %lt3A_43 : i32
      %ne3A_45 = arith.xori %lt3A_42, %lt3A_44 : i1
      %and3A_46 = arith.andi %ne3A_45, %ne3A_41 : i1
      %add3A_47 = arith.addi %rem3A_39, %select_n3A_38 : i32
      %select_n3A_48 = arith.select %and3A_46, %add3A_47, %rem3A_39 : i32
      %jit3A_49 = arith.constant 8 : i32
      %div3A_50 = arith.divsi %select_n3A_48, %jit3A_49 : i32
      %sign3A_51 = arith.constant 0 : i32
      %sign3A_52 = arith.cmpi sgt, %select_n3A_48, %sign3A_51 : i32
      %sign3A_53 = arith.extui %sign3A_52 : i1 to i32
      %sign3A_54 = arith.constant 0 : i32
      %sign3A_55 = arith.cmpi slt, %select_n3A_48, %sign3A_54 : i32
      %sign3A_56 = arith.extui %sign3A_55 : i1 to i32
      %sign3A_57 = arith.subi %sign3A_53, %sign3A_56 : i32
      %sign3A_58 = arith.constant 0 : i32
      %sign3A_59 = arith.cmpi sgt, %jit3A_49, %sign3A_58 : i32
      %sign3A_60 = arith.extui %sign3A_59 : i1 to i32
      %sign3A_61 = arith.constant 0 : i32
      %sign3A_62 = arith.cmpi slt, %jit3A_49, %sign3A_61 : i32
      %sign3A_63 = arith.extui %sign3A_62 : i1 to i32
      %sign3A_64 = arith.subi %sign3A_60, %sign3A_63 : i32
      %ne3A_65 = arith.cmpi ne, %sign3A_57, %sign3A_64 : i32
      %rem3A_66 = arith.remsi %select_n3A_48, %jit3A_49 : i32
      %ne3A_67 = arith.constant 0 : i32
      %ne3A_68 = arith.cmpi ne, %rem3A_66, %ne3A_67 : i32
      %and3A_69 = arith.andi %ne3A_65, %ne3A_68 : i1
      %sub3A_70 = arith.constant 1 : i32
      %sub3A_71 = arith.subi %div3A_50, %sub3A_70 : i32
      %select_n3A_72 = arith.select %and3A_69, %sub3A_71, %div3A_50 : i32
      %jit3A_73 = arith.constant 8 : i32
      %eq3A_74 = arith.constant 0 : i32
      %eq3A_75 = arith.cmpi eq, %jit3A_73, %eq3A_74 : i32
      %jit3A_76 = arith.constant 1 : i32
      %select_n3A_77 = arith.select %eq3A_75, %jit3A_76, %jit3A_73 : i32
      %rem3A_78 = arith.remsi %select_n3A_48, %select_n3A_77 : i32
      %ne3A_79 = arith.constant 0 : i32
      %ne3A_80 = arith.cmpi ne, %rem3A_78, %ne3A_79 : i32
      %lt3A_81 = arith.constant 0 : i32
      %lt3A_82 = arith.cmpi slt, %rem3A_78, %lt3A_81 : i32
      %lt3A_83 = arith.constant 0 : i32
      %lt3A_84 = arith.cmpi slt, %select_n3A_77, %lt3A_83 : i32
      %ne3A_85 = arith.xori %lt3A_82, %lt3A_84 : i1
      %and3A_86 = arith.andi %ne3A_85, %ne3A_80 : i1
      %add3A_87 = arith.addi %rem3A_78, %select_n3A_77 : i32
      %select_n3A_88 = arith.select %and3A_86, %add3A_87, %rem3A_78 : i32
      %mul3A_89 = arith.constant 2 : i32
      %mul3A_90 = arith.muli %mul3A_89, %arg0 : i32
      %add3A_91 = arith.addi %mul3A_90, %select_n3A : i32
      %mul3A_92 = arith.constant 24 : i32
      %mul3A_93 = arith.muli %select_n3A, %mul3A_92 : i32
      %mul3A_94 = arith.constant 4 : i32
      %mul3A_95 = arith.muli %select_n3A_72, %mul3A_94 : i32
      %add3A_96 = arith.addi %mul3A_93, %mul3A_95 : i32
      %add3A_97 = arith.constant 0 : i32
      %add3A_98 = arith.addi %add3A_96, %add3A_97 : i32
      %run_scoped3A = arith.constant 0 : i32
      "tpu.region"() ({
        %run_scoped3A_862 = tpu.sem_alloc : memref<!tpu.dma_semaphore, #tpu.memory_space<semaphore_mem>>
        %dma_start3A = arith.constant 0 : i32
        %dma_start3A_863 = arith.constant 0 : i32
        %dma_start3A_864 = tpu.memref_slice %arg7[%run_scoped3A, %dma_start3A, %dma_start3A_863] : memref<4x16x128xf32, #tpu.memory_space<vmem>> -> memref<1x16x128xf32, #tpu.memory_space<vmem>>
        %dma_start3A_865 = tpu.memref_squeeze %dma_start3A_864 : memref<1x16x128xf32, #tpu.memory_space<vmem>> -> memref<16x128xf32, #tpu.memory_space<vmem>>
        %dma_start3A_866 = arith.constant 0 : i32
        %dma_start3A_867 = arith.constant 0 : i32
        %dma_start3A_868 = tpu.memref_slice %arg9[%add3A_98, %dma_start3A_866, %dma_start3A_867] : memref<48x16x128xf32, #tpu.memory_space<vmem_shared>> -> memref<1x16x128xf32, #tpu.memory_space<vmem_shared>>
        %dma_start3A_869 = tpu.memref_squeeze %dma_start3A_868 : memref<1x16x128xf32, #tpu.memory_space<vmem_shared>> -> memref<16x128xf32, #tpu.memory_space<vmem_shared>>
        %dma_start3A_870 = arith.constant 0 : i32
        %dma_start3A_871 = arith.constant 0 : i32
        %dma_start3A_872 = tpu.memref_slice %arg7[%run_scoped3A, %dma_start3A_870, %dma_start3A_871] : memref<4x16x128xf32, #tpu.memory_space<vmem>> -> memref<1x16x128xf32, #tpu.memory_space<vmem>>
        %dma_start3A_873 = tpu.memref_squeeze %dma_start3A_872 : memref<1x16x128xf32, #tpu.memory_space<vmem>> -> memref<16x128xf32, #tpu.memory_space<vmem>>
        %dma_start3A_874 = arith.constant 0 : i32
        %dma_start3A_875 = arith.constant 0 : i32
        %dma_start3A_876 = tpu.memref_slice %arg9[%add3A_98, %dma_start3A_874, %dma_start3A_875] : memref<48x16x128xf32, #tpu.memory_space<vmem_shared>> -> memref<1x16x128xf32, #tpu.memory_space<vmem_shared>>
        %dma_start3A_877 = tpu.memref_squeeze %dma_start3A_876 : memref<1x16x128xf32, #tpu.memory_space<vmem_shared>> -> memref<16x128xf32, #tpu.memory_space<vmem_shared>>
        tpu.enqueue_dma source(%dma_start3A_877 : memref<16x128xf32, #tpu.memory_space<vmem_shared>>) target(%dma_start3A_873 : memref<16x128xf32, #tpu.memory_space<vmem>>) target_semaphore(%run_scoped3A_862 : memref<!tpu.dma_semaphore, #tpu.memory_space<semaphore_mem>>)
        %dma_wait3A = arith.constant 0 : i32
        %dma_wait3A_878 = arith.constant 0 : i32
        %dma_wait3A_879 = tpu.memref_slice %arg7[%run_scoped3A, %dma_wait3A, %dma_wait3A_878] : memref<4x16x128xf32, #tpu.memory_space<vmem>> -> memref<1x16x128xf32, #tpu.memory_space<vmem>>
        %dma_wait3A_880 = tpu.memref_squeeze %dma_wait3A_879 : memref<1x16x128xf32, #tpu.memory_space<vmem>> -> memref<16x128xf32, #tpu.memory_space<vmem>>
        %dma_wait3A_881 = arith.constant 0 : i32
        %dma_wait3A_882 = arith.constant 0 : i32
        %dma_wait3A_883 = tpu.memref_slice %arg9[%add3A_98, %dma_wait3A_881, %dma_wait3A_882] : memref<48x16x128xf32, #tpu.memory_space<vmem_shared>> -> memref<1x16x128xf32, #tpu.memory_space<vmem_shared>>
        %dma_wait3A_884 = tpu.memref_squeeze %dma_wait3A_883 : memref<1x16x128xf32, #tpu.memory_space<vmem_shared>> -> memref<16x128xf32, #tpu.memory_space<vmem_shared>>
        %dma_wait3A_885 = arith.constant 0 : i32
        %dma_wait3A_886 = arith.constant 0 : i32
        %dma_wait3A_887 = tpu.memref_slice %arg7[%run_scoped3A, %dma_wait3A_885, %dma_wait3A_886] : memref<4x16x128xf32, #tpu.memory_space<vmem>> -> memref<1x16x128xf32, #tpu.memory_space<vmem>>
        %dma_wait3A_888 = tpu.memref_squeeze %dma_wait3A_887 : memref<1x16x128xf32, #tpu.memory_space<vmem>> -> memref<16x128xf32, #tpu.memory_space<vmem>>
        %dma_wait3A_889 = arith.constant 0 : i32
        %dma_wait3A_890 = arith.constant 0 : i32
        %dma_wait3A_891 = tpu.memref_slice %arg9[%add3A_98, %dma_wait3A_889, %dma_wait3A_890] : memref<48x16x128xf32, #tpu.memory_space<vmem_shared>> -> memref<1x16x128xf32, #tpu.memory_space<vmem_shared>>
        %dma_wait3A_892 = tpu.memref_squeeze %dma_wait3A_891 : memref<1x16x128xf32, #tpu.memory_space<vmem_shared>> -> memref<16x128xf32, #tpu.memory_space<vmem_shared>>
        tpu.wait_dma2 semaphore(%run_scoped3A_862 : memref<!tpu.dma_semaphore, #tpu.memory_space<semaphore_mem>>) src(%dma_wait3A_892 : memref<16x128xf32, #tpu.memory_space<vmem_shared>>) dst(%dma_wait3A_888 : memref<16x128xf32, #tpu.memory_space<vmem>>)
        tpu.yield
      }) : () -> ()
      %mul3A_99 = arith.constant 24 : i32
      %mul3A_100 = arith.muli %select_n3A, %mul3A_99 : i32
      %mul3A_101 = arith.constant 4 : i32
      %mul3A_102 = arith.muli %select_n3A_72, %mul3A_101 : i32
      %add3A_103 = arith.addi %mul3A_100, %mul3A_102 : i32
      %add3A_104 = arith.constant 1 : i32
      %add3A_105 = arith.addi %add3A_103, %add3A_104 : i32
      %run_scoped3A_106 = arith.constant 1 : i32
      "tpu.region"() ({
        %run_scoped3A_862 = tpu.sem_alloc : memref<!tpu.dma_semaphore, #tpu.memory_space<semaphore_mem>>
        %dma_start3A = arith.constant 0 : i32
        %dma_start3A_863 = arith.constant 0 : i32
        %dma_start3A_864 = tpu.memref_slice %arg7[%run_scoped3A_106, %dma_start3A, %dma_start3A_863] : memref<4x16x128xf32, #tpu.memory_space<vmem>> -> memref<1x16x128xf32, #tpu.memory_space<vmem>>
        %dma_start3A_865 = tpu.memref_squeeze %dma_start3A_864 : memref<1x16x128xf32, #tpu.memory_space<vmem>> -> memref<16x128xf32, #tpu.memory_space<vmem>>
        %dma_start3A_866 = arith.constant 0 : i32
        %dma_start3A_867 = arith.constant 0 : i32
        %dma_start3A_868 = tpu.memref_slice %arg9[%add3A_105, %dma_start3A_866, %dma_start3A_867] : memref<48x16x128xf32, #tpu.memory_space<vmem_shared>> -> memref<1x16x128xf32, #tpu.memory_space<vmem_shared>>
        %dma_start3A_869 = tpu.memref_squeeze %dma_start3A_868 : memref<1x16x128xf32, #tpu.memory_space<vmem_shared>> -> memref<16x128xf32, #tpu.memory_space<vmem_shared>>
        %dma_start3A_870 = arith.constant 0 : i32
        %dma_start3A_871 = arith.constant 0 : i32
        %dma_start3A_872 = tpu.memref_slice %arg7[%run_scoped3A_106, %dma_start3A_870, %dma_start3A_871] : memref<4x16x128xf32, #tpu.memory_space<vmem>> -> memref<1x16x128xf32, #tpu.memory_space<vmem>>
        %dma_start3A_873 = tpu.memref_squeeze %dma_start3A_872 : memref<1x16x128xf32, #tpu.memory_space<vmem>> -> memref<16x128xf32, #tpu.memory_space<vmem>>
        %dma_start3A_874 = arith.constant 0 : i32
        %dma_start3A_875 = arith.constant 0 : i32
        %dma_start3A_876 = tpu.memref_slice %arg9[%add3A_105, %dma_start3A_874, %dma_start3A_875] : memref<48x16x128xf32, #tpu.memory_space<vmem_shared>> -> memref<1x16x128xf32, #tpu.memory_space<vmem_shared>>
        %dma_start3A_877 = tpu.memref_squeeze %dma_start3A_876 : memref<1x16x128xf32, #tpu.memory_space<vmem_shared>> -> memref<16x128xf32, #tpu.memory_space<vmem_shared>>
        tpu.enqueue_dma source(%dma_start3A_877 : memref<16x128xf32, #tpu.memory_space<vmem_shared>>) target(%dma_start3A_873 : memref<16x128xf32, #tpu.memory_space<vmem>>) target_semaphore(%run_scoped3A_862 : memref<!tpu.dma_semaphore, #tpu.memory_space<semaphore_mem>>)
        %dma_wait3A = arith.constant 0 : i32
        %dma_wait3A_878 = arith.constant 0 : i32
        %dma_wait3A_879 = tpu.memref_slice %arg7[%run_scoped3A_106, %dma_wait3A, %dma_wait3A_878] : memref<4x16x128xf32, #tpu.memory_space<vmem>> -> memref<1x16x128xf32, #tpu.memory_space<vmem>>
        %dma_wait3A_880 = tpu.memref_squeeze %dma_wait3A_879 : memref<1x16x128xf32, #tpu.memory_space<vmem>> -> memref<16x128xf32, #tpu.memory_space<vmem>>
        %dma_wait3A_881 = arith.constant 0 : i32
        %dma_wait3A_882 = arith.constant 0 : i32
        %dma_wait3A_883 = tpu.memref_slice %arg9[%add3A_105, %dma_wait3A_881, %dma_wait3A_882] : memref<48x16x128xf32, #tpu.memory_space<vmem_shared>> -> memref<1x16x128xf32, #tpu.memory_space<vmem_shared>>
        %dma_wait3A_884 = tpu.memref_squeeze %dma_wait3A_883 : memref<1x16x128xf32, #tpu.memory_space<vmem_shared>> -> memref<16x128xf32, #tpu.memory_space<vmem_shared>>
        %dma_wait3A_885 = arith.constant 0 : i32
        %dma_wait3A_886 = arith.constant 0 : i32
        %dma_wait3A_887 = tpu.memref_slice %arg7[%run_scoped3A_106, %dma_wait3A_885, %dma_wait3A_886] : memref<4x16x128xf32, #tpu.memory_space<vmem>> -> memref<1x16x128xf32, #tpu.memory_space<vmem>>
        %dma_wait3A_888 = tpu.memref_squeeze %dma_wait3A_887 : memref<1x16x128xf32, #tpu.memory_space<vmem>> -> memref<16x128xf32, #tpu.memory_space<vmem>>
        %dma_wait3A_889 = arith.constant 0 : i32
        %dma_wait3A_890 = arith.constant 0 : i32
        %dma_wait3A_891 = tpu.memref_slice %arg9[%add3A_105, %dma_wait3A_889, %dma_wait3A_890] : memref<48x16x128xf32, #tpu.memory_space<vmem_shared>> -> memref<1x16x128xf32, #tpu.memory_space<vmem_shared>>
        %dma_wait3A_892 = tpu.memref_squeeze %dma_wait3A_891 : memref<1x16x128xf32, #tpu.memory_space<vmem_shared>> -> memref<16x128xf32, #tpu.memory_space<vmem_shared>>
        tpu.wait_dma2 semaphore(%run_scoped3A_862 : memref<!tpu.dma_semaphore, #tpu.memory_space<semaphore_mem>>) src(%dma_wait3A_892 : memref<16x128xf32, #tpu.memory_space<vmem_shared>>) dst(%dma_wait3A_888 : memref<16x128xf32, #tpu.memory_space<vmem>>)
        tpu.yield
      }) : () -> ()
      %mul3A_107 = arith.constant 24 : i32
      %mul3A_108 = arith.muli %select_n3A, %mul3A_107 : i32
      %mul3A_109 = arith.constant 4 : i32
      %mul3A_110 = arith.muli %select_n3A_72, %mul3A_109 : i32
      %add3A_111 = arith.addi %mul3A_108, %mul3A_110 : i32
      %add3A_112 = arith.constant 2 : i32
      %add3A_113 = arith.addi %add3A_111, %add3A_112 : i32
      %run_scoped3A_114 = arith.constant 2 : i32
      "tpu.region"() ({
        %run_scoped3A_862 = tpu.sem_alloc : memref<!tpu.dma_semaphore, #tpu.memory_space<semaphore_mem>>
        %dma_start3A = arith.constant 0 : i32
        %dma_start3A_863 = arith.constant 0 : i32
        %dma_start3A_864 = tpu.memref_slice %arg7[%run_scoped3A_114, %dma_start3A, %dma_start3A_863] : memref<4x16x128xf32, #tpu.memory_space<vmem>> -> memref<1x16x128xf32, #tpu.memory_space<vmem>>
        %dma_start3A_865 = tpu.memref_squeeze %dma_start3A_864 : memref<1x16x128xf32, #tpu.memory_space<vmem>> -> memref<16x128xf32, #tpu.memory_space<vmem>>
        %dma_start3A_866 = arith.constant 0 : i32
        %dma_start3A_867 = arith.constant 0 : i32
        %dma_start3A_868 = tpu.memref_slice %arg9[%add3A_113, %dma_start3A_866, %dma_start3A_867] : memref<48x16x128xf32, #tpu.memory_space<vmem_shared>> -> memref<1x16x128xf32, #tpu.memory_space<vmem_shared>>
        %dma_start3A_869 = tpu.memref_squeeze %dma_start3A_868 : memref<1x16x128xf32, #tpu.memory_space<vmem_shared>> -> memref<16x128xf32, #tpu.memory_space<vmem_shared>>
        %dma_start3A_870 = arith.constant 0 : i32
        %dma_start3A_871 = arith.constant 0 : i32
        %dma_start3A_872 = tpu.memref_slice %arg7[%run_scoped3A_114, %dma_start3A_870, %dma_start3A_871] : memref<4x16x128xf32, #tpu.memory_space<vmem>> -> memref<1x16x128xf32, #tpu.memory_space<vmem>>
        %dma_start3A_873 = tpu.memref_squeeze %dma_start3A_872 : memref<1x16x128xf32, #tpu.memory_space<vmem>> -> memref<16x128xf32, #tpu.memory_space<vmem>>
        %dma_start3A_874 = arith.constant 0 : i32
        %dma_start3A_875 = arith.constant 0 : i32
        %dma_start3A_876 = tpu.memref_slice %arg9[%add3A_113, %dma_start3A_874, %dma_start3A_875] : memref<48x16x128xf32, #tpu.memory_space<vmem_shared>> -> memref<1x16x128xf32, #tpu.memory_space<vmem_shared>>
        %dma_start3A_877 = tpu.memref_squeeze %dma_start3A_876 : memref<1x16x128xf32, #tpu.memory_space<vmem_shared>> -> memref<16x128xf32, #tpu.memory_space<vmem_shared>>
        tpu.enqueue_dma source(%dma_start3A_877 : memref<16x128xf32, #tpu.memory_space<vmem_shared>>) target(%dma_start3A_873 : memref<16x128xf32, #tpu.memory_space<vmem>>) target_semaphore(%run_scoped3A_862 : memref<!tpu.dma_semaphore, #tpu.memory_space<semaphore_mem>>)
        %dma_wait3A = arith.constant 0 : i32
        %dma_wait3A_878 = arith.constant 0 : i32
        %dma_wait3A_879 = tpu.memref_slice %arg7[%run_scoped3A_114, %dma_wait3A, %dma_wait3A_878] : memref<4x16x128xf32, #tpu.memory_space<vmem>> -> memref<1x16x128xf32, #tpu.memory_space<vmem>>
        %dma_wait3A_880 = tpu.memref_squeeze %dma_wait3A_879 : memref<1x16x128xf32, #tpu.memory_space<vmem>> -> memref<16x128xf32, #tpu.memory_space<vmem>>
        %dma_wait3A_881 = arith.constant 0 : i32
        %dma_wait3A_882 = arith.constant 0 : i32
        %dma_wait3A_883 = tpu.memref_slice %arg9[%add3A_113, %dma_wait3A_881, %dma_wait3A_882] : memref<48x16x128xf32, #tpu.memory_space<vmem_shared>> -> memref<1x16x128xf32, #tpu.memory_space<vmem_shared>>
        %dma_wait3A_884 = tpu.memref_squeeze %dma_wait3A_883 : memref<1x16x128xf32, #tpu.memory_space<vmem_shared>> -> memref<16x128xf32, #tpu.memory_space<vmem_shared>>
        %dma_wait3A_885 = arith.constant 0 : i32
        %dma_wait3A_886 = arith.constant 0 : i32
        %dma_wait3A_887 = tpu.memref_slice %arg7[%run_scoped3A_114, %dma_wait3A_885, %dma_wait3A_886] : memref<4x16x128xf32, #tpu.memory_space<vmem>> -> memref<1x16x128xf32, #tpu.memory_space<vmem>>
        %dma_wait3A_888 = tpu.memref_squeeze %dma_wait3A_887 : memref<1x16x128xf32, #tpu.memory_space<vmem>> -> memref<16x128xf32, #tpu.memory_space<vmem>>
        %dma_wait3A_889 = arith.constant 0 : i32
        %dma_wait3A_890 = arith.constant 0 : i32
        %dma_wait3A_891 = tpu.memref_slice %arg9[%add3A_113, %dma_wait3A_889, %dma_wait3A_890] : memref<48x16x128xf32, #tpu.memory_space<vmem_shared>> -> memref<1x16x128xf32, #tpu.memory_space<vmem_shared>>
        %dma_wait3A_892 = tpu.memref_squeeze %dma_wait3A_891 : memref<1x16x128xf32, #tpu.memory_space<vmem_shared>> -> memref<16x128xf32, #tpu.memory_space<vmem_shared>>
        tpu.wait_dma2 semaphore(%run_scoped3A_862 : memref<!tpu.dma_semaphore, #tpu.memory_space<semaphore_mem>>) src(%dma_wait3A_892 : memref<16x128xf32, #tpu.memory_space<vmem_shared>>) dst(%dma_wait3A_888 : memref<16x128xf32, #tpu.memory_space<vmem>>)
        tpu.yield
      }) : () -> ()
      %mul3A_115 = arith.constant 24 : i32
      %mul3A_116 = arith.muli %select_n3A, %mul3A_115 : i32
      %mul3A_117 = arith.constant 4 : i32
      %mul3A_118 = arith.muli %select_n3A_72, %mul3A_117 : i32
      %add3A_119 = arith.addi %mul3A_116, %mul3A_118 : i32
      %add3A_120 = arith.constant 3 : i32
      %add3A_121 = arith.addi %add3A_119, %add3A_120 : i32
      %run_scoped3A_122 = arith.constant 3 : i32
      "tpu.region"() ({
        %run_scoped3A_862 = tpu.sem_alloc : memref<!tpu.dma_semaphore, #tpu.memory_space<semaphore_mem>>
        %dma_start3A = arith.constant 0 : i32
        %dma_start3A_863 = arith.constant 0 : i32
        %dma_start3A_864 = tpu.memref_slice %arg7[%run_scoped3A_122, %dma_start3A, %dma_start3A_863] : memref<4x16x128xf32, #tpu.memory_space<vmem>> -> memref<1x16x128xf32, #tpu.memory_space<vmem>>
        %dma_start3A_865 = tpu.memref_squeeze %dma_start3A_864 : memref<1x16x128xf32, #tpu.memory_space<vmem>> -> memref<16x128xf32, #tpu.memory_space<vmem>>
        %dma_start3A_866 = arith.constant 0 : i32
        %dma_start3A_867 = arith.constant 0 : i32
        %dma_start3A_868 = tpu.memref_slice %arg9[%add3A_121, %dma_start3A_866, %dma_start3A_867] : memref<48x16x128xf32, #tpu.memory_space<vmem_shared>> -> memref<1x16x128xf32, #tpu.memory_space<vmem_shared>>
        %dma_start3A_869 = tpu.memref_squeeze %dma_start3A_868 : memref<1x16x128xf32, #tpu.memory_space<vmem_shared>> -> memref<16x128xf32, #tpu.memory_space<vmem_shared>>
        %dma_start3A_870 = arith.constant 0 : i32
        %dma_start3A_871 = arith.constant 0 : i32
        %dma_start3A_872 = tpu.memref_slice %arg7[%run_scoped3A_122, %dma_start3A_870, %dma_start3A_871] : memref<4x16x128xf32, #tpu.memory_space<vmem>> -> memref<1x16x128xf32, #tpu.memory_space<vmem>>
        %dma_start3A_873 = tpu.memref_squeeze %dma_start3A_872 : memref<1x16x128xf32, #tpu.memory_space<vmem>> -> memref<16x128xf32, #tpu.memory_space<vmem>>
        %dma_start3A_874 = arith.constant 0 : i32
        %dma_start3A_875 = arith.constant 0 : i32
        %dma_start3A_876 = tpu.memref_slice %arg9[%add3A_121, %dma_start3A_874, %dma_start3A_875] : memref<48x16x128xf32, #tpu.memory_space<vmem_shared>> -> memref<1x16x128xf32, #tpu.memory_space<vmem_shared>>
        %dma_start3A_877 = tpu.memref_squeeze %dma_start3A_876 : memref<1x16x128xf32, #tpu.memory_space<vmem_shared>> -> memref<16x128xf32, #tpu.memory_space<vmem_shared>>
        tpu.enqueue_dma source(%dma_start3A_877 : memref<16x128xf32, #tpu.memory_space<vmem_shared>>) target(%dma_start3A_873 : memref<16x128xf32, #tpu.memory_space<vmem>>) target_semaphore(%run_scoped3A_862 : memref<!tpu.dma_semaphore, #tpu.memory_space<semaphore_mem>>)
        %dma_wait3A = arith.constant 0 : i32
        %dma_wait3A_878 = arith.constant 0 : i32
        %dma_wait3A_879 = tpu.memref_slice %arg7[%run_scoped3A_122, %dma_wait3A, %dma_wait3A_878] : memref<4x16x128xf32, #tpu.memory_space<vmem>> -> memref<1x16x128xf32, #tpu.memory_space<vmem>>
        %dma_wait3A_880 = tpu.memref_squeeze %dma_wait3A_879 : memref<1x16x128xf32, #tpu.memory_space<vmem>> -> memref<16x128xf32, #tpu.memory_space<vmem>>
        %dma_wait3A_881 = arith.constant 0 : i32
        %dma_wait3A_882 = arith.constant 0 : i32
        %dma_wait3A_883 = tpu.memref_slice %arg9[%add3A_121, %dma_wait3A_881, %dma_wait3A_882] : memref<48x16x128xf32, #tpu.memory_space<vmem_shared>> -> memref<1x16x128xf32, #tpu.memory_space<vmem_shared>>
        %dma_wait3A_884 = tpu.memref_squeeze %dma_wait3A_883 : memref<1x16x128xf32, #tpu.memory_space<vmem_shared>> -> memref<16x128xf32, #tpu.memory_space<vmem_shared>>
        %dma_wait3A_885 = arith.constant 0 : i32
        %dma_wait3A_886 = arith.constant 0 : i32
        %dma_wait3A_887 = tpu.memref_slice %arg7[%run_scoped3A_122, %dma_wait3A_885, %dma_wait3A_886] : memref<4x16x128xf32, #tpu.memory_space<vmem>> -> memref<1x16x128xf32, #tpu.memory_space<vmem>>
        %dma_wait3A_888 = tpu.memref_squeeze %dma_wait3A_887 : memref<1x16x128xf32, #tpu.memory_space<vmem>> -> memref<16x128xf32, #tpu.memory_space<vmem>>
        %dma_wait3A_889 = arith.constant 0 : i32
        %dma_wait3A_890 = arith.constant 0 : i32
        %dma_wait3A_891 = tpu.memref_slice %arg9[%add3A_121, %dma_wait3A_889, %dma_wait3A_890] : memref<48x16x128xf32, #tpu.memory_space<vmem_shared>> -> memref<1x16x128xf32, #tpu.memory_space<vmem_shared>>
        %dma_wait3A_892 = tpu.memref_squeeze %dma_wait3A_891 : memref<1x16x128xf32, #tpu.memory_space<vmem_shared>> -> memref<16x128xf32, #tpu.memory_space<vmem_shared>>
        tpu.wait_dma2 semaphore(%run_scoped3A_862 : memref<!tpu.dma_semaphore, #tpu.memory_space<semaphore_mem>>) src(%dma_wait3A_892 : memref<16x128xf32, #tpu.memory_space<vmem_shared>>) dst(%dma_wait3A_888 : memref<16x128xf32, #tpu.memory_space<vmem>>)
        tpu.yield
      }) : () -> ()
      %mul3A_123 = arith.constant 16 : i32
      %mul3A_124 = arith.muli %select_n3A_88, %mul3A_123 : i32
      %get3A = arith.constant 0 : i32
      %get3A_125 = arith.constant 0 : i32
      %get3A_126 = arith.index_cast %get3A : i32 to index
      %get3A_127 = arith.index_cast %get3A_125 : i32 to index
      %get3A_128 = arith.index_cast %mul3A_124 : i32 to index
      %get3A_129 = tpu.vector_load %arg7[%get3A_126, %get3A_127, %get3A_128] {strides = array<i32>} : memref<4x16x128xf32, #tpu.memory_space<vmem>>, vector<16xf32>,
      %mul3A_130 = arith.constant 16 : i32
      %mul3A_131 = arith.muli %select_n3A_88, %mul3A_130 : i32
      %get3A_132 = arith.constant 0 : i32
      %get3A_133 = arith.constant 1 : i32
      %get3A_134 = arith.index_cast %get3A_132 : i32 to index
      %get3A_135 = arith.index_cast %get3A_133 : i32 to index
      %get3A_136 = arith.index_cast %mul3A_131 : i32 to index
      %get3A_137 = tpu.vector_load %arg7[%get3A_134, %get3A_135, %get3A_136] {strides = array<i32>} : memref<4x16x128xf32, #tpu.memory_space<vmem>>, vector<16xf32>,
      %mul3A_138 = arith.constant 16 : i32
      %mul3A_139 = arith.muli %select_n3A_88, %mul3A_138 : i32
      %get3A_140 = arith.constant 0 : i32
      %get3A_141 = arith.constant 2 : i32
      %get3A_142 = arith.index_cast %get3A_140 : i32 to index
      %get3A_143 = arith.index_cast %get3A_141 : i32 to index
      %get3A_144 = arith.index_cast %mul3A_139 : i32 to index
      %get3A_145 = tpu.vector_load %arg7[%get3A_142, %get3A_143, %get3A_144] {strides = array<i32>} : memref<4x16x128xf32, #tpu.memory_space<vmem>>, vector<16xf32>,
      %mul3A_146 = arith.constant 16 : i32
      %mul3A_147 = arith.muli %select_n3A_88, %mul3A_146 : i32
      %get3A_148 = arith.constant 0 : i32
      %get3A_149 = arith.constant 3 : i32
      %get3A_150 = arith.index_cast %get3A_148 : i32 to index
      %get3A_151 = arith.index_cast %get3A_149 : i32 to index
      %get3A_152 = arith.index_cast %mul3A_147 : i32 to index
      %get3A_153 = tpu.vector_load %arg7[%get3A_150, %get3A_151, %get3A_152] {strides = array<i32>} : memref<4x16x128xf32, #tpu.memory_space<vmem>>, vector<16xf32>,
      %mul3A_154 = arith.constant 16 : i32
      %mul3A_155 = arith.muli %select_n3A_88, %mul3A_154 : i32
      %get3A_156 = arith.constant 0 : i32
      %get3A_157 = arith.constant 4 : i32
      %get3A_158 = arith.index_cast %get3A_156 : i32 to index
      %get3A_159 = arith.index_cast %get3A_157 : i32 to index
      %get3A_160 = arith.index_cast %mul3A_155 : i32 to index
      %get3A_161 = tpu.vector_load %arg7[%get3A_158, %get3A_159, %get3A_160] {strides = array<i32>} : memref<4x16x128xf32, #tpu.memory_space<vmem>>, vector<16xf32>,
      %mul3A_162 = arith.constant 16 : i32
      %mul3A_163 = arith.muli %select_n3A_88, %mul3A_162 : i32
      %get3A_164 = arith.constant 0 : i32
      %get3A_165 = arith.constant 5 : i32
      %get3A_166 = arith.index_cast %get3A_164 : i32 to index
      %get3A_167 = arith.index_cast %get3A_165 : i32 to index
      %get3A_168 = arith.index_cast %mul3A_163 : i32 to index
      %get3A_169 = tpu.vector_load %arg7[%get3A_166, %get3A_167, %get3A_168] {strides = array<i32>} : memref<4x16x128xf32, #tpu.memory_space<vmem>>, vector<16xf32>,
      %mul3A_170 = arith.constant 16 : i32
      %mul3A_171 = arith.muli %select_n3A_88, %mul3A_170 : i32
      %get3A_172 = arith.constant 0 : i32
      %get3A_173 = arith.constant 6 : i32
      %get3A_174 = arith.index_cast %get3A_172 : i32 to index
      %get3A_175 = arith.index_cast %get3A_173 : i32 to index
      %get3A_176 = arith.index_cast %mul3A_171 : i32 to index
      %get3A_177 = tpu.vector_load %arg7[%get3A_174, %get3A_175, %get3A_176] {strides = array<i32>} : memref<4x16x128xf32, #tpu.memory_space<vmem>>, vector<16xf32>,
      %mul3A_178 = arith.constant 16 : i32
      %mul3A_179 = arith.muli %select_n3A_88, %mul3A_178 : i32
      %get3A_180 = arith.constant 0 : i32
      %get3A_181 = arith.constant 7 : i32
      %get3A_182 = arith.index_cast %get3A_180 : i32 to index
      %get3A_183 = arith.index_cast %get3A_181 : i32 to index
      %get3A_184 = arith.index_cast %mul3A_179 : i32 to index
      %get3A_185 = tpu.vector_load %arg7[%get3A_182, %get3A_183, %get3A_184] {strides = array<i32>} : memref<4x16x128xf32, #tpu.memory_space<vmem>>, vector<16xf32>,
      %mul3A_186 = arith.constant 16 : i32
      %mul3A_187 = arith.muli %select_n3A_88, %mul3A_186 : i32
      %get3A_188 = arith.constant 0 : i32
      %get3A_189 = arith.constant 8 : i32
      %get3A_190 = arith.index_cast %get3A_188 : i32 to index
      %get3A_191 = arith.index_cast %get3A_189 : i32 to index
      %get3A_192 = arith.index_cast %mul3A_187 : i32 to index
      %get3A_193 = tpu.vector_load %arg7[%get3A_190, %get3A_191, %get3A_192] {strides = array<i32>} : memref<4x16x128xf32, #tpu.memory_space<vmem>>, vector<16xf32>,
      %mul3A_194 = arith.constant 16 : i32
      %mul3A_195 = arith.muli %select_n3A_88, %mul3A_194 : i32
      %get3A_196 = arith.constant 0 : i32
      %get3A_197 = arith.constant 9 : i32
      %get3A_198 = arith.index_cast %get3A_196 : i32 to index
      %get3A_199 = arith.index_cast %get3A_197 : i32 to index
      %get3A_200 = arith.index_cast %mul3A_195 : i32 to index
      %get3A_201 = tpu.vector_load %arg7[%get3A_198, %get3A_199, %get3A_200] {strides = array<i32>} : memref<4x16x128xf32, #tpu.memory_space<vmem>>, vector<16xf32>,
      %mul3A_202 = arith.constant 16 : i32
      %mul3A_203 = arith.muli %select_n3A_88, %mul3A_202 : i32
      %get3A_204 = arith.constant 0 : i32
      %get3A_205 = arith.constant 10 : i32
      %get3A_206 = arith.index_cast %get3A_204 : i32 to index
      %get3A_207 = arith.index_cast %get3A_205 : i32 to index
      %get3A_208 = arith.index_cast %mul3A_203 : i32 to index
      %get3A_209 = tpu.vector_load %arg7[%get3A_206, %get3A_207, %get3A_208] {strides = array<i32>} : memref<4x16x128xf32, #tpu.memory_space<vmem>>, vector<16xf32>,
      %mul3A_210 = arith.constant 16 : i32
      %mul3A_211 = arith.muli %select_n3A_88, %mul3A_210 : i32
      %get3A_212 = arith.constant 0 : i32
      %get3A_213 = arith.constant 11 : i32
      %get3A_214 = arith.index_cast %get3A_212 : i32 to index
      %get3A_215 = arith.index_cast %get3A_213 : i32 to index
      %get3A_216 = arith.index_cast %mul3A_211 : i32 to index
      %get3A_217 = tpu.vector_load %arg7[%get3A_214, %get3A_215, %get3A_216] {strides = array<i32>} : memref<4x16x128xf32, #tpu.memory_space<vmem>>, vector<16xf32>,
      %mul3A_218 = arith.constant 16 : i32
      %mul3A_219 = arith.muli %select_n3A_88, %mul3A_218 : i32
      %get3A_220 = arith.constant 0 : i32
      %get3A_221 = arith.constant 12 : i32
      %get3A_222 = arith.index_cast %get3A_220 : i32 to index
      %get3A_223 = arith.index_cast %get3A_221 : i32 to index
      %get3A_224 = arith.index_cast %mul3A_219 : i32 to index
      %get3A_225 = tpu.vector_load %arg7[%get3A_222, %get3A_223, %get3A_224] {strides = array<i32>} : memref<4x16x128xf32, #tpu.memory_space<vmem>>, vector<16xf32>,
      %mul3A_226 = arith.constant 16 : i32
      %mul3A_227 = arith.muli %select_n3A_88, %mul3A_226 : i32
      %get3A_228 = arith.constant 0 : i32
      %get3A_229 = arith.constant 13 : i32
      %get3A_230 = arith.index_cast %get3A_228 : i32 to index
      %get3A_231 = arith.index_cast %get3A_229 : i32 to index
      %get3A_232 = arith.index_cast %mul3A_227 : i32 to index
      %get3A_233 = tpu.vector_load %arg7[%get3A_230, %get3A_231, %get3A_232] {strides = array<i32>} : memref<4x16x128xf32, #tpu.memory_space<vmem>>, vector<16xf32>,
      %mul3A_234 = arith.constant 16 : i32
      %mul3A_235 = arith.muli %select_n3A_88, %mul3A_234 : i32
      %get3A_236 = arith.constant 0 : i32
      %get3A_237 = arith.constant 14 : i32
      %get3A_238 = arith.index_cast %get3A_236 : i32 to index
      %get3A_239 = arith.index_cast %get3A_237 : i32 to index
      %get3A_240 = arith.index_cast %mul3A_235 : i32 to index
      %get3A_241 = tpu.vector_load %arg7[%get3A_238, %get3A_239, %get3A_240] {strides = array<i32>} : memref<4x16x128xf32, #tpu.memory_space<vmem>>, vector<16xf32>,
      %mul3A_242 = arith.constant 16 : i32
      %mul3A_243 = arith.muli %select_n3A_88, %mul3A_242 : i32
      %get3A_244 = arith.constant 0 : i32
      %get3A_245 = arith.constant 15 : i32
      %get3A_246 = arith.index_cast %get3A_244 : i32 to index
      %get3A_247 = arith.index_cast %get3A_245 : i32 to index
      %get3A_248 = arith.index_cast %mul3A_243 : i32 to index
      %get3A_249 = tpu.vector_load %arg7[%get3A_246, %get3A_247, %get3A_248] {strides = array<i32>} : memref<4x16x128xf32, #tpu.memory_space<vmem>>, vector<16xf32>,
      %mul3A_250 = arith.constant 16 : i32
      %mul3A_251 = arith.muli %select_n3A_88, %mul3A_250 : i32
      %get3A_252 = arith.constant 1 : i32
      %get3A_253 = arith.constant 0 : i32
      %get3A_254 = arith.index_cast %get3A_252 : i32 to index
      %get3A_255 = arith.index_cast %get3A_253 : i32 to index
      %get3A_256 = arith.index_cast %mul3A_251 : i32 to index
      %get3A_257 = tpu.vector_load %arg7[%get3A_254, %get3A_255, %get3A_256] {strides = array<i32>} : memref<4x16x128xf32, #tpu.memory_space<vmem>>, vector<16xf32>,
      %mul3A_258 = arith.constant 16 : i32
      %mul3A_259 = arith.muli %select_n3A_88, %mul3A_258 : i32
      %get3A_260 = arith.constant 1 : i32
      %get3A_261 = arith.constant 1 : i32
      %get3A_262 = arith.index_cast %get3A_260 : i32 to index
      %get3A_263 = arith.index_cast %get3A_261 : i32 to index
      %get3A_264 = arith.index_cast %mul3A_259 : i32 to index
      %get3A_265 = tpu.vector_load %arg7[%get3A_262, %get3A_263, %get3A_264] {strides = array<i32>} : memref<4x16x128xf32, #tpu.memory_space<vmem>>, vector<16xf32>,
      %mul3A_266 = arith.constant 16 : i32
      %mul3A_267 = arith.muli %select_n3A_88, %mul3A_266 : i32
      %get3A_268 = arith.constant 1 : i32
      %get3A_269 = arith.constant 2 : i32
      %get3A_270 = arith.index_cast %get3A_268 : i32 to index
      %get3A_271 = arith.index_cast %get3A_269 : i32 to index
      %get3A_272 = arith.index_cast %mul3A_267 : i32 to index
      %get3A_273 = tpu.vector_load %arg7[%get3A_270, %get3A_271, %get3A_272] {strides = array<i32>} : memref<4x16x128xf32, #tpu.memory_space<vmem>>, vector<16xf32>,
      %mul3A_274 = arith.constant 16 : i32
      %mul3A_275 = arith.muli %select_n3A_88, %mul3A_274 : i32
      %get3A_276 = arith.constant 1 : i32
      %get3A_277 = arith.constant 3 : i32
      %get3A_278 = arith.index_cast %get3A_276 : i32 to index
      %get3A_279 = arith.index_cast %get3A_277 : i32 to index
      %get3A_280 = arith.index_cast %mul3A_275 : i32 to index
      %get3A_281 = tpu.vector_load %arg7[%get3A_278, %get3A_279, %get3A_280] {strides = array<i32>} : memref<4x16x128xf32, #tpu.memory_space<vmem>>, vector<16xf32>,
      %mul3A_282 = arith.constant 16 : i32
      %mul3A_283 = arith.muli %select_n3A_88, %mul3A_282 : i32
      %get3A_284 = arith.constant 1 : i32
      %get3A_285 = arith.constant 4 : i32
      %get3A_286 = arith.index_cast %get3A_284 : i32 to index
      %get3A_287 = arith.index_cast %get3A_285 : i32 to index
      %get3A_288 = arith.index_cast %mul3A_283 : i32 to index
      %get3A_289 = tpu.vector_load %arg7[%get3A_286, %get3A_287, %get3A_288] {strides = array<i32>} : memref<4x16x128xf32, #tpu.memory_space<vmem>>, vector<16xf32>,
      %mul3A_290 = arith.constant 16 : i32
      %mul3A_291 = arith.muli %select_n3A_88, %mul3A_290 : i32
      %get3A_292 = arith.constant 1 : i32
      %get3A_293 = arith.constant 5 : i32
      %get3A_294 = arith.index_cast %get3A_292 : i32 to index
      %get3A_295 = arith.index_cast %get3A_293 : i32 to index
      %get3A_296 = arith.index_cast %mul3A_291 : i32 to index
      %get3A_297 = tpu.vector_load %arg7[%get3A_294, %get3A_295, %get3A_296] {strides = array<i32>} : memref<4x16x128xf32, #tpu.memory_space<vmem>>, vector<16xf32>,
      %mul3A_298 = arith.constant 16 : i32
      %mul3A_299 = arith.muli %select_n3A_88, %mul3A_298 : i32
      %get3A_300 = arith.constant 1 : i32
      %get3A_301 = arith.constant 6 : i32
      %get3A_302 = arith.index_cast %get3A_300 : i32 to index
      %get3A_303 = arith.index_cast %get3A_301 : i32 to index
      %get3A_304 = arith.index_cast %mul3A_299 : i32 to index
      %get3A_305 = tpu.vector_load %arg7[%get3A_302, %get3A_303, %get3A_304] {strides = array<i32>} : memref<4x16x128xf32, #tpu.memory_space<vmem>>, vector<16xf32>,
      %mul3A_306 = arith.constant 16 : i32
      %mul3A_307 = arith.muli %select_n3A_88, %mul3A_306 : i32
      %get3A_308 = arith.constant 1 : i32
      %get3A_309 = arith.constant 7 : i32
      %get3A_310 = arith.index_cast %get3A_308 : i32 to index
      %get3A_311 = arith.index_cast %get3A_309 : i32 to index
      %get3A_312 = arith.index_cast %mul3A_307 : i32 to index
      %get3A_313 = tpu.vector_load %arg7[%get3A_310, %get3A_311, %get3A_312] {strides = array<i32>} : memref<4x16x128xf32, #tpu.memory_space<vmem>>, vector<16xf32>,
      %mul3A_314 = arith.constant 16 : i32
      %mul3A_315 = arith.muli %select_n3A_88, %mul3A_314 : i32
      %get3A_316 = arith.constant 1 : i32
      %get3A_317 = arith.constant 8 : i32
      %get3A_318 = arith.index_cast %get3A_316 : i32 to index
      %get3A_319 = arith.index_cast %get3A_317 : i32 to index
      %get3A_320 = arith.index_cast %mul3A_315 : i32 to index
      %get3A_321 = tpu.vector_load %arg7[%get3A_318, %get3A_319, %get3A_320] {strides = array<i32>} : memref<4x16x128xf32, #tpu.memory_space<vmem>>, vector<16xf32>,
      %mul3A_322 = arith.constant 16 : i32
      %mul3A_323 = arith.muli %select_n3A_88, %mul3A_322 : i32
      %get3A_324 = arith.constant 1 : i32
      %get3A_325 = arith.constant 9 : i32
      %get3A_326 = arith.index_cast %get3A_324 : i32 to index
      %get3A_327 = arith.index_cast %get3A_325 : i32 to index
      %get3A_328 = arith.index_cast %mul3A_323 : i32 to index
      %get3A_329 = tpu.vector_load %arg7[%get3A_326, %get3A_327, %get3A_328] {strides = array<i32>} : memref<4x16x128xf32, #tpu.memory_space<vmem>>, vector<16xf32>,
      %mul3A_330 = arith.constant 16 : i32
      %mul3A_331 = arith.muli %select_n3A_88, %mul3A_330 : i32
      %get3A_332 = arith.constant 1 : i32
      %get3A_333 = arith.constant 10 : i32
      %get3A_334 = arith.index_cast %get3A_332 : i32 to index
      %get3A_335 = arith.index_cast %get3A_333 : i32 to index
      %get3A_336 = arith.index_cast %mul3A_331 : i32 to index
      %get3A_337 = tpu.vector_load %arg7[%get3A_334, %get3A_335, %get3A_336] {strides = array<i32>} : memref<4x16x128xf32, #tpu.memory_space<vmem>>, vector<16xf32>,
      %mul3A_338 = arith.constant 16 : i32
      %mul3A_339 = arith.muli %select_n3A_88, %mul3A_338 : i32
      %get3A_340 = arith.constant 1 : i32
      %get3A_341 = arith.constant 11 : i32
      %get3A_342 = arith.index_cast %get3A_340 : i32 to index
      %get3A_343 = arith.index_cast %get3A_341 : i32 to index
      %get3A_344 = arith.index_cast %mul3A_339 : i32 to index
      %get3A_345 = tpu.vector_load %arg7[%get3A_342, %get3A_343, %get3A_344] {strides = array<i32>} : memref<4x16x128xf32, #tpu.memory_space<vmem>>, vector<16xf32>,
      %mul3A_346 = arith.constant 16 : i32
      %mul3A_347 = arith.muli %select_n3A_88, %mul3A_346 : i32
      %get3A_348 = arith.constant 1 : i32
      %get3A_349 = arith.constant 12 : i32
      %get3A_350 = arith.index_cast %get3A_348 : i32 to index
      %get3A_351 = arith.index_cast %get3A_349 : i32 to index
      %get3A_352 = arith.index_cast %mul3A_347 : i32 to index
      %get3A_353 = tpu.vector_load %arg7[%get3A_350, %get3A_351, %get3A_352] {strides = array<i32>} : memref<4x16x128xf32, #tpu.memory_space<vmem>>, vector<16xf32>,
      %mul3A_354 = arith.constant 16 : i32
      %mul3A_355 = arith.muli %select_n3A_88, %mul3A_354 : i32
      %get3A_356 = arith.constant 1 : i32
      %get3A_357 = arith.constant 13 : i32
      %get3A_358 = arith.index_cast %get3A_356 : i32 to index
      %get3A_359 = arith.index_cast %get3A_357 : i32 to index
      %get3A_360 = arith.index_cast %mul3A_355 : i32 to index
      %get3A_361 = tpu.vector_load %arg7[%get3A_358, %get3A_359, %get3A_360] {strides = array<i32>} : memref<4x16x128xf32, #tpu.memory_space<vmem>>, vector<16xf32>,
      %mul3A_362 = arith.constant 16 : i32
      %mul3A_363 = arith.muli %select_n3A_88, %mul3A_362 : i32
      %get3A_364 = arith.constant 1 : i32
      %get3A_365 = arith.constant 14 : i32
      %get3A_366 = arith.index_cast %get3A_364 : i32 to index
      %get3A_367 = arith.index_cast %get3A_365 : i32 to index
      %get3A_368 = arith.index_cast %mul3A_363 : i32 to index
      %get3A_369 = tpu.vector_load %arg7[%get3A_366, %get3A_367, %get3A_368] {strides = array<i32>} : memref<4x16x128xf32, #tpu.memory_space<vmem>>, vector<16xf32>,
      %mul3A_370 = arith.constant 16 : i32
      %mul3A_371 = arith.muli %select_n3A_88, %mul3A_370 : i32
      %get3A_372 = arith.constant 1 : i32
      %get3A_373 = arith.constant 15 : i32
      %get3A_374 = arith.index_cast %get3A_372 : i32 to index
      %get3A_375 = arith.index_cast %get3A_373 : i32 to index
      %get3A_376 = arith.index_cast %mul3A_371 : i32 to index
      %get3A_377 = tpu.vector_load %arg7[%get3A_374, %get3A_375, %get3A_376] {strides = array<i32>} : memref<4x16x128xf32, #tpu.memory_space<vmem>>, vector<16xf32>,
      %max3A = arith.maximumf %get3A_129, %get3A_313 : vector<16xf32>
      %max3A_378 = arith.maximumf %get3A_137, %get3A_305 : vector<16xf32>
      %max3A_379 = arith.maximumf %get3A_145, %get3A_297 : vector<16xf32>
      %max3A_380 = arith.maximumf %get3A_153, %get3A_289 : vector<16xf32>
      %max3A_381 = arith.maximumf %get3A_161, %get3A_281 : vector<16xf32>
      %max3A_382 = arith.maximumf %get3A_169, %get3A_273 : vector<16xf32>
      %max3A_383 = arith.maximumf %get3A_177, %get3A_265 : vector<16xf32>
      %max3A_384 = arith.maximumf %get3A_185, %get3A_257 : vector<16xf32>
      %min3A = arith.minimumf %max3A, %max3A_381 : vector<16xf32>
      %max3A_385 = arith.maximumf %max3A, %max3A_381 : vector<16xf32>
      %min3A_386 = arith.minimumf %max3A_378, %max3A_382 : vector<16xf32>
      %max3A_387 = arith.maximumf %max3A_378, %max3A_382 : vector<16xf32>
      %min3A_388 = arith.minimumf %max3A_379, %max3A_383 : vector<16xf32>
      %max3A_389 = arith.maximumf %max3A_379, %max3A_383 : vector<16xf32>
      %min3A_390 = arith.minimumf %max3A_380, %max3A_384 : vector<16xf32>
      %max3A_391 = arith.maximumf %max3A_380, %max3A_384 : vector<16xf32>
      %min3A_392 = arith.minimumf %max3A_385, %max3A_389 : vector<16xf32>
      %max3A_393 = arith.maximumf %max3A_385, %max3A_389 : vector<16xf32>
      %min3A_394 = arith.minimumf %max3A_387, %max3A_391 : vector<16xf32>
      %max3A_395 = arith.maximumf %max3A_387, %max3A_391 : vector<16xf32>
      %min3A_396 = arith.minimumf %min3A, %min3A_388 : vector<16xf32>
      %max3A_397 = arith.maximumf %min3A, %min3A_388 : vector<16xf32>
      %min3A_398 = arith.minimumf %min3A_386, %min3A_390 : vector<16xf32>
      %max3A_399 = arith.maximumf %min3A_386, %min3A_390 : vector<16xf32>
      %min3A_400 = arith.minimumf %max3A_393, %max3A_395 : vector<16xf32>
      %max3A_401 = arith.maximumf %max3A_393, %max3A_395 : vector<16xf32>
      %min3A_402 = arith.minimumf %min3A_392, %min3A_394 : vector<16xf32>
      %max3A_403 = arith.maximumf %min3A_392, %min3A_394 : vector<16xf32>
      %min3A_404 = arith.minimumf %max3A_397, %max3A_399 : vector<16xf32>
      %max3A_405 = arith.maximumf %max3A_397, %max3A_399 : vector<16xf32>
      %min3A_406 = arith.minimumf %min3A_396, %min3A_398 : vector<16xf32>
      %max3A_407 = arith.maximumf %min3A_396, %min3A_398 : vector<16xf32>
      %min3A_408 = arith.minimumf %get3A_193, %get3A_377 : vector<16xf32>
      %min3A_409 = arith.minimumf %get3A_201, %get3A_369 : vector<16xf32>
      %min3A_410 = arith.minimumf %get3A_209, %get3A_361 : vector<16xf32>
      %min3A_411 = arith.minimumf %get3A_217, %get3A_353 : vector<16xf32>
      %min3A_412 = arith.minimumf %get3A_225, %get3A_345 : vector<16xf32>
      %min3A_413 = arith.minimumf %get3A_233, %get3A_337 : vector<16xf32>
      %min3A_414 = arith.minimumf %get3A_241, %get3A_329 : vector<16xf32>
      %min3A_415 = arith.minimumf %get3A_249, %get3A_321 : vector<16xf32>
      %min3A_416 = arith.minimumf %min3A_408, %min3A_412 : vector<16xf32>
      %max3A_417 = arith.maximumf %min3A_408, %min3A_412 : vector<16xf32>
      %min3A_418 = arith.minimumf %min3A_409, %min3A_413 : vector<16xf32>
      %max3A_419 = arith.maximumf %min3A_409, %min3A_413 : vector<16xf32>
      %min3A_420 = arith.minimumf %min3A_410, %min3A_414 : vector<16xf32>
      %max3A_421 = arith.maximumf %min3A_410, %min3A_414 : vector<16xf32>
      %min3A_422 = arith.minimumf %min3A_411, %min3A_415 : vector<16xf32>
      %max3A_423 = arith.maximumf %min3A_411, %min3A_415 : vector<16xf32>
      %min3A_424 = arith.minimumf %min3A_416, %min3A_420 : vector<16xf32>
      %max3A_425 = arith.maximumf %min3A_416, %min3A_420 : vector<16xf32>
      %min3A_426 = arith.minimumf %min3A_418, %min3A_422 : vector<16xf32>
      %max3A_427 = arith.maximumf %min3A_418, %min3A_422 : vector<16xf32>
      %min3A_428 = arith.minimumf %max3A_417, %max3A_421 : vector<16xf32>
      %max3A_429 = arith.maximumf %max3A_417, %max3A_421 : vector<16xf32>
      %min3A_430 = arith.minimumf %max3A_419, %max3A_423 : vector<16xf32>
      %max3A_431 = arith.maximumf %max3A_419, %max3A_423 : vector<16xf32>
      %min3A_432 = arith.minimumf %min3A_424, %min3A_426 : vector<16xf32>
      %max3A_433 = arith.maximumf %min3A_424, %min3A_426 : vector<16xf32>
      %min3A_434 = arith.minimumf %max3A_425, %max3A_427 : vector<16xf32>
      %max3A_435 = arith.maximumf %max3A_425, %max3A_427 : vector<16xf32>
      %min3A_436 = arith.minimumf %min3A_428, %min3A_430 : vector<16xf32>
      %max3A_437 = arith.maximumf %min3A_428, %min3A_430 : vector<16xf32>
      %min3A_438 = arith.minimumf %max3A_429, %max3A_431 : vector<16xf32>
      %max3A_439 = arith.maximumf %max3A_429, %max3A_431 : vector<16xf32>
      %mul3A_440 = arith.constant 16 : i32
      %mul3A_441 = arith.muli %select_n3A_88, %mul3A_440 : i32
      %get3A_442 = arith.constant 2 : i32
      %get3A_443 = arith.constant 0 : i32
      %get3A_444 = arith.index_cast %get3A_442 : i32 to index
      %get3A_445 = arith.index_cast %get3A_443 : i32 to index
      %get3A_446 = arith.index_cast %mul3A_441 : i32 to index
      %get3A_447 = tpu.vector_load %arg7[%get3A_444, %get3A_445, %get3A_446] {strides = array<i32>} : memref<4x16x128xf32, #tpu.memory_space<vmem>>, vector<16xf32>,
      %mul3A_448 = arith.constant 16 : i32
      %mul3A_449 = arith.muli %select_n3A_88, %mul3A_448 : i32
      %get3A_450 = arith.constant 2 : i32
      %get3A_451 = arith.constant 1 : i32
      %get3A_452 = arith.index_cast %get3A_450 : i32 to index
      %get3A_453 = arith.index_cast %get3A_451 : i32 to index
      %get3A_454 = arith.index_cast %mul3A_449 : i32 to index
      %get3A_455 = tpu.vector_load %arg7[%get3A_452, %get3A_453, %get3A_454] {strides = array<i32>} : memref<4x16x128xf32, #tpu.memory_space<vmem>>, vector<16xf32>,
      %mul3A_456 = arith.constant 16 : i32
      %mul3A_457 = arith.muli %select_n3A_88, %mul3A_456 : i32
      %get3A_458 = arith.constant 2 : i32
      %get3A_459 = arith.constant 2 : i32
      %get3A_460 = arith.index_cast %get3A_458 : i32 to index
      %get3A_461 = arith.index_cast %get3A_459 : i32 to index
      %get3A_462 = arith.index_cast %mul3A_457 : i32 to index
      %get3A_463 = tpu.vector_load %arg7[%get3A_460, %get3A_461, %get3A_462] {strides = array<i32>} : memref<4x16x128xf32, #tpu.memory_space<vmem>>, vector<16xf32>,
      %mul3A_464 = arith.constant 16 : i32
      %mul3A_465 = arith.muli %select_n3A_88, %mul3A_464 : i32
      %get3A_466 = arith.constant 2 : i32
      %get3A_467 = arith.constant 3 : i32
      %get3A_468 = arith.index_cast %get3A_466 : i32 to index
      %get3A_469 = arith.index_cast %get3A_467 : i32 to index
      %get3A_470 = arith.index_cast %mul3A_465 : i32 to index
      %get3A_471 = tpu.vector_load %arg7[%get3A_468, %get3A_469, %get3A_470] {strides = array<i32>} : memref<4x16x128xf32, #tpu.memory_space<vmem>>, vector<16xf32>,
      %mul3A_472 = arith.constant 16 : i32
      %mul3A_473 = arith.muli %select_n3A_88, %mul3A_472 : i32
      %get3A_474 = arith.constant 2 : i32
      %get3A_475 = arith.constant 4 : i32
      %get3A_476 = arith.index_cast %get3A_474 : i32 to index
      %get3A_477 = arith.index_cast %get3A_475 : i32 to index
      %get3A_478 = arith.index_cast %mul3A_473 : i32 to index
      %get3A_479 = tpu.vector_load %arg7[%get3A_476, %get3A_477, %get3A_478] {strides = array<i32>} : memref<4x16x128xf32, #tpu.memory_space<vmem>>, vector<16xf32>,
      %mul3A_480 = arith.constant 16 : i32
      %mul3A_481 = arith.muli %select_n3A_88, %mul3A_480 : i32
      %get3A_482 = arith.constant 2 : i32
      %get3A_483 = arith.constant 5 : i32
      %get3A_484 = arith.index_cast %get3A_482 : i32 to index
      %get3A_485 = arith.index_cast %get3A_483 : i32 to index
      %get3A_486 = arith.index_cast %mul3A_481 : i32 to index
      %get3A_487 = tpu.vector_load %arg7[%get3A_484, %get3A_485, %get3A_486] {strides = array<i32>} : memref<4x16x128xf32, #tpu.memory_space<vmem>>, vector<16xf32>,
      %mul3A_488 = arith.constant 16 : i32
      %mul3A_489 = arith.muli %select_n3A_88, %mul3A_488 : i32
      %get3A_490 = arith.constant 2 : i32
      %get3A_491 = arith.constant 6 : i32
      %get3A_492 = arith.index_cast %get3A_490 : i32 to index
      %get3A_493 = arith.index_cast %get3A_491 : i32 to index
      %get3A_494 = arith.index_cast %mul3A_489 : i32 to index
      %get3A_495 = tpu.vector_load %arg7[%get3A_492, %get3A_493, %get3A_494] {strides = array<i32>} : memref<4x16x128xf32, #tpu.memory_space<vmem>>, vector<16xf32>,
      %mul3A_496 = arith.constant 16 : i32
      %mul3A_497 = arith.muli %select_n3A_88, %mul3A_496 : i32
      %get3A_498 = arith.constant 2 : i32
      %get3A_499 = arith.constant 7 : i32
      %get3A_500 = arith.index_cast %get3A_498 : i32 to index
      %get3A_501 = arith.index_cast %get3A_499 : i32 to index
      %get3A_502 = arith.index_cast %mul3A_497 : i32 to index
      %get3A_503 = tpu.vector_load %arg7[%get3A_500, %get3A_501, %get3A_502] {strides = array<i32>} : memref<4x16x128xf32, #tpu.memory_space<vmem>>, vector<16xf32>,
      %mul3A_504 = arith.constant 16 : i32
      %mul3A_505 = arith.muli %select_n3A_88, %mul3A_504 : i32
      %get3A_506 = arith.constant 2 : i32
      %get3A_507 = arith.constant 8 : i32
      %get3A_508 = arith.index_cast %get3A_506 : i32 to index
      %get3A_509 = arith.index_cast %get3A_507 : i32 to index
      %get3A_510 = arith.index_cast %mul3A_505 : i32 to index
      %get3A_511 = tpu.vector_load %arg7[%get3A_508, %get3A_509, %get3A_510] {strides = array<i32>} : memref<4x16x128xf32, #tpu.memory_space<vmem>>, vector<16xf32>,
      %mul3A_512 = arith.constant 16 : i32
      %mul3A_513 = arith.muli %select_n3A_88, %mul3A_512 : i32
      %get3A_514 = arith.constant 2 : i32
      %get3A_515 = arith.constant 9 : i32
      %get3A_516 = arith.index_cast %get3A_514 : i32 to index
      %get3A_517 = arith.index_cast %get3A_515 : i32 to index
      %get3A_518 = arith.index_cast %mul3A_513 : i32 to index
      %get3A_519 = tpu.vector_load %arg7[%get3A_516, %get3A_517, %get3A_518] {strides = array<i32>} : memref<4x16x128xf32, #tpu.memory_space<vmem>>, vector<16xf32>,
      %mul3A_520 = arith.constant 16 : i32
      %mul3A_521 = arith.muli %select_n3A_88, %mul3A_520 : i32
      %get3A_522 = arith.constant 2 : i32
      %get3A_523 = arith.constant 10 : i32
      %get3A_524 = arith.index_cast %get3A_522 : i32 to index
      %get3A_525 = arith.index_cast %get3A_523 : i32 to index
      %get3A_526 = arith.index_cast %mul3A_521 : i32 to index
      %get3A_527 = tpu.vector_load %arg7[%get3A_524, %get3A_525, %get3A_526] {strides = array<i32>} : memref<4x16x128xf32, #tpu.memory_space<vmem>>, vector<16xf32>,
      %mul3A_528 = arith.constant 16 : i32
      %mul3A_529 = arith.muli %select_n3A_88, %mul3A_528 : i32
      %get3A_530 = arith.constant 2 : i32
      %get3A_531 = arith.constant 11 : i32
      %get3A_532 = arith.index_cast %get3A_530 : i32 to index
      %get3A_533 = arith.index_cast %get3A_531 : i32 to index
      %get3A_534 = arith.index_cast %mul3A_529 : i32 to index
      %get3A_535 = tpu.vector_load %arg7[%get3A_532, %get3A_533, %get3A_534] {strides = array<i32>} : memref<4x16x128xf32, #tpu.memory_space<vmem>>, vector<16xf32>,
      %mul3A_536 = arith.constant 16 : i32
      %mul3A_537 = arith.muli %select_n3A_88, %mul3A_536 : i32
      %get3A_538 = arith.constant 2 : i32
      %get3A_539 = arith.constant 12 : i32
      %get3A_540 = arith.index_cast %get3A_538 : i32 to index
      %get3A_541 = arith.index_cast %get3A_539 : i32 to index
      %get3A_542 = arith.index_cast %mul3A_537 : i32 to index
      %get3A_543 = tpu.vector_load %arg7[%get3A_540, %get3A_541, %get3A_542] {strides = array<i32>} : memref<4x16x128xf32, #tpu.memory_space<vmem>>, vector<16xf32>,
      %mul3A_544 = arith.constant 16 : i32
      %mul3A_545 = arith.muli %select_n3A_88, %mul3A_544 : i32
      %get3A_546 = arith.constant 2 : i32
      %get3A_547 = arith.constant 13 : i32
      %get3A_548 = arith.index_cast %get3A_546 : i32 to index
      %get3A_549 = arith.index_cast %get3A_547 : i32 to index
      %get3A_550 = arith.index_cast %mul3A_545 : i32 to index
      %get3A_551 = tpu.vector_load %arg7[%get3A_548, %get3A_549, %get3A_550] {strides = array<i32>} : memref<4x16x128xf32, #tpu.memory_space<vmem>>, vector<16xf32>,
      %mul3A_552 = arith.constant 16 : i32
      %mul3A_553 = arith.muli %select_n3A_88, %mul3A_552 : i32
      %get3A_554 = arith.constant 2 : i32
      %get3A_555 = arith.constant 14 : i32
      %get3A_556 = arith.index_cast %get3A_554 : i32 to index
      %get3A_557 = arith.index_cast %get3A_555 : i32 to index
      %get3A_558 = arith.index_cast %mul3A_553 : i32 to index
      %get3A_559 = tpu.vector_load %arg7[%get3A_556, %get3A_557, %get3A_558] {strides = array<i32>} : memref<4x16x128xf32, #tpu.memory_space<vmem>>, vector<16xf32>,
      %mul3A_560 = arith.constant 16 : i32
      %mul3A_561 = arith.muli %select_n3A_88, %mul3A_560 : i32
      %get3A_562 = arith.constant 2 : i32
      %get3A_563 = arith.constant 15 : i32
      %get3A_564 = arith.index_cast %get3A_562 : i32 to index
      %get3A_565 = arith.index_cast %get3A_563 : i32 to index
      %get3A_566 = arith.index_cast %mul3A_561 : i32 to index
      %get3A_567 = tpu.vector_load %arg7[%get3A_564, %get3A_565, %get3A_566] {strides = array<i32>} : memref<4x16x128xf32, #tpu.memory_space<vmem>>, vector<16xf32>,
      %max3A_568 = arith.maximumf %max3A_401, %get3A_503 : vector<16xf32>
      %max3A_569 = arith.maximumf %min3A_400, %get3A_495 : vector<16xf32>
      %max3A_570 = arith.maximumf %max3A_403, %get3A_487 : vector<16xf32>
      %max3A_571 = arith.maximumf %min3A_402, %get3A_479 : vector<16xf32>
      %max3A_572 = arith.maximumf %max3A_405, %get3A_471 : vector<16xf32>
      %max3A_573 = arith.maximumf %min3A_404, %get3A_463 : vector<16xf32>
      %max3A_574 = arith.maximumf %max3A_407, %get3A_455 : vector<16xf32>
      %max3A_575 = arith.maximumf %min3A_406, %get3A_447 : vector<16xf32>
      %min3A_576 = arith.minimumf %max3A_568, %max3A_572 : vector<16xf32>
      %max3A_577 = arith.maximumf %max3A_568, %max3A_572 : vector<16xf32>
      %min3A_578 = arith.minimumf %max3A_569, %max3A_573 : vector<16xf32>
      %max3A_579 = arith.maximumf %max3A_569, %max3A_573 : vector<16xf32>
      %min3A_580 = arith.minimumf %max3A_570, %max3A_574 : vector<16xf32>
      %max3A_581 = arith.maximumf %max3A_570, %max3A_574 : vector<16xf32>
      %min3A_582 = arith.minimumf %max3A_571, %max3A_575 : vector<16xf32>
      %max3A_583 = arith.maximumf %max3A_571, %max3A_575 : vector<16xf32>
      %min3A_584 = arith.minimumf %max3A_577, %max3A_581 : vector<16xf32>
      %max3A_585 = arith.maximumf %max3A_577, %max3A_581 : vector<16xf32>
      %min3A_586 = arith.minimumf %max3A_579, %max3A_583 : vector<16xf32>
      %max3A_587 = arith.maximumf %max3A_579, %max3A_583 : vector<16xf32>
      %min3A_588 = arith.minimumf %min3A_576, %min3A_580 : vector<16xf32>
      %max3A_589 = arith.maximumf %min3A_576, %min3A_580 : vector<16xf32>
      %min3A_590 = arith.minimumf %min3A_578, %min3A_582 : vector<16xf32>
      %max3A_591 = arith.maximumf %min3A_578, %min3A_582 : vector<16xf32>
      %min3A_592 = arith.minimumf %max3A_585, %max3A_587 : vector<16xf32>
      %max3A_593 = arith.maximumf %max3A_585, %max3A_587 : vector<16xf32>
      %min3A_594 = arith.minimumf %min3A_584, %min3A_586 : vector<16xf32>
      %max3A_595 = arith.maximumf %min3A_584, %min3A_586 : vector<16xf32>
      %min3A_596 = arith.minimumf %max3A_589, %max3A_591 : vector<16xf32>
      %max3A_597 = arith.maximumf %max3A_589, %max3A_591 : vector<16xf32>
      %min3A_598 = arith.minimumf %min3A_588, %min3A_590 : vector<16xf32>
      %max3A_599 = arith.maximumf %min3A_588, %min3A_590 : vector<16xf32>
      %min3A_600 = arith.minimumf %min3A_432, %get3A_567 : vector<16xf32>
      %min3A_601 = arith.minimumf %max3A_433, %get3A_559 : vector<16xf32>
      %min3A_602 = arith.minimumf %min3A_434, %get3A_551 : vector<16xf32>
      %min3A_603 = arith.minimumf %max3A_435, %get3A_543 : vector<16xf32>
      %min3A_604 = arith.minimumf %min3A_436, %get3A_535 : vector<16xf32>
      %min3A_605 = arith.minimumf %max3A_437, %get3A_527 : vector<16xf32>
      %min3A_606 = arith.minimumf %min3A_438, %get3A_519 : vector<16xf32>
      %min3A_607 = arith.minimumf %max3A_439, %get3A_511 : vector<16xf32>
      %min3A_608 = arith.minimumf %min3A_600, %min3A_604 : vector<16xf32>
      %max3A_609 = arith.maximumf %min3A_600, %min3A_604 : vector<16xf32>
      %min3A_610 = arith.minimumf %min3A_601, %min3A_605 : vector<16xf32>
      %max3A_611 = arith.maximumf %min3A_601, %min3A_605 : vector<16xf32>
      %min3A_612 = arith.minimumf %min3A_602, %min3A_606 : vector<16xf32>
      %max3A_613 = arith.maximumf %min3A_602, %min3A_606 : vector<16xf32>
      %min3A_614 = arith.minimumf %min3A_603, %min3A_607 : vector<16xf32>
      %max3A_615 = arith.maximumf %min3A_603, %min3A_607 : vector<16xf32>
      %min3A_616 = arith.minimumf %min3A_608, %min3A_612 : vector<16xf32>
      %max3A_617 = arith.maximumf %min3A_608, %min3A_612 : vector<16xf32>
      %min3A_618 = arith.minimumf %min3A_610, %min3A_614 : vector<16xf32>
      %max3A_619 = arith.maximumf %min3A_610, %min3A_614 : vector<16xf32>
      %min3A_620 = arith.minimumf %max3A_609, %max3A_613 : vector<16xf32>
      %max3A_621 = arith.maximumf %max3A_609, %max3A_613 : vector<16xf32>
      %min3A_622 = arith.minimumf %max3A_611, %max3A_615 : vector<16xf32>
      %max3A_623 = arith.maximumf %max3A_611, %max3A_615 : vector<16xf32>
      %min3A_624 = arith.minimumf %min3A_616, %min3A_618 : vector<16xf32>
      %max3A_625 = arith.maximumf %min3A_616, %min3A_618 : vector<16xf32>
      %min3A_626 = arith.minimumf %max3A_617, %max3A_619 : vector<16xf32>
      %max3A_627 = arith.maximumf %max3A_617, %max3A_619 : vector<16xf32>
      %min3A_628 = arith.minimumf %min3A_620, %min3A_622 : vector<16xf32>
      %max3A_629 = arith.maximumf %min3A_620, %min3A_622 : vector<16xf32>
      %min3A_630 = arith.minimumf %max3A_621, %max3A_623 : vector<16xf32>
      %max3A_631 = arith.maximumf %max3A_621, %max3A_623 : vector<16xf32>
      %mul3A_632 = arith.constant 16 : i32
      %mul3A_633 = arith.muli %select_n3A_88, %mul3A_632 : i32
      %get3A_634 = arith.constant 3 : i32
      %get3A_635 = arith.constant 0 : i32
      %get3A_636 = arith.index_cast %get3A_634 : i32 to index
      %get3A_637 = arith.index_cast %get3A_635 : i32 to index
      %get3A_638 = arith.index_cast %mul3A_633 : i32 to index
      %get3A_639 = tpu.vector_load %arg7[%get3A_636, %get3A_637, %get3A_638] {strides = array<i32>} : memref<4x16x128xf32, #tpu.memory_space<vmem>>, vector<16xf32>,
      %mul3A_640 = arith.constant 16 : i32
      %mul3A_641 = arith.muli %select_n3A_88, %mul3A_640 : i32
      %get3A_642 = arith.constant 3 : i32
      %get3A_643 = arith.constant 1 : i32
      %get3A_644 = arith.index_cast %get3A_642 : i32 to index
      %get3A_645 = arith.index_cast %get3A_643 : i32 to index
      %get3A_646 = arith.index_cast %mul3A_641 : i32 to index
      %get3A_647 = tpu.vector_load %arg7[%get3A_644, %get3A_645, %get3A_646] {strides = array<i32>} : memref<4x16x128xf32, #tpu.memory_space<vmem>>, vector<16xf32>,
      %mul3A_648 = arith.constant 16 : i32
      %mul3A_649 = arith.muli %select_n3A_88, %mul3A_648 : i32
      %get3A_650 = arith.constant 3 : i32
      %get3A_651 = arith.constant 2 : i32
      %get3A_652 = arith.index_cast %get3A_650 : i32 to index
      %get3A_653 = arith.index_cast %get3A_651 : i32 to index
      %get3A_654 = arith.index_cast %mul3A_649 : i32 to index
      %get3A_655 = tpu.vector_load %arg7[%get3A_652, %get3A_653, %get3A_654] {strides = array<i32>} : memref<4x16x128xf32, #tpu.memory_space<vmem>>, vector<16xf32>,
      %mul3A_656 = arith.constant 16 : i32
      %mul3A_657 = arith.muli %select_n3A_88, %mul3A_656 : i32
      %get3A_658 = arith.constant 3 : i32
      %get3A_659 = arith.constant 3 : i32
      %get3A_660 = arith.index_cast %get3A_658 : i32 to index
      %get3A_661 = arith.index_cast %get3A_659 : i32 to index
      %get3A_662 = arith.index_cast %mul3A_657 : i32 to index
      %get3A_663 = tpu.vector_load %arg7[%get3A_660, %get3A_661, %get3A_662] {strides = array<i32>} : memref<4x16x128xf32, #tpu.memory_space<vmem>>, vector<16xf32>,
      %mul3A_664 = arith.constant 16 : i32
      %mul3A_665 = arith.muli %select_n3A_88, %mul3A_664 : i32
      %get3A_666 = arith.constant 3 : i32
      %get3A_667 = arith.constant 4 : i32
      %get3A_668 = arith.index_cast %get3A_666 : i32 to index
      %get3A_669 = arith.index_cast %get3A_667 : i32 to index
      %get3A_670 = arith.index_cast %mul3A_665 : i32 to index
      %get3A_671 = tpu.vector_load %arg7[%get3A_668, %get3A_669, %get3A_670] {strides = array<i32>} : memref<4x16x128xf32, #tpu.memory_space<vmem>>, vector<16xf32>,
      %mul3A_672 = arith.constant 16 : i32
      %mul3A_673 = arith.muli %select_n3A_88, %mul3A_672 : i32
      %get3A_674 = arith.constant 3 : i32
      %get3A_675 = arith.constant 5 : i32
      %get3A_676 = arith.index_cast %get3A_674 : i32 to index
      %get3A_677 = arith.index_cast %get3A_675 : i32 to index
      %get3A_678 = arith.index_cast %mul3A_673 : i32 to index
      %get3A_679 = tpu.vector_load %arg7[%get3A_676, %get3A_677, %get3A_678] {strides = array<i32>} : memref<4x16x128xf32, #tpu.memory_space<vmem>>, vector<16xf32>,
      %mul3A_680 = arith.constant 16 : i32
      %mul3A_681 = arith.muli %select_n3A_88, %mul3A_680 : i32
      %get3A_682 = arith.constant 3 : i32
      %get3A_683 = arith.constant 6 : i32
      %get3A_684 = arith.index_cast %get3A_682 : i32 to index
      %get3A_685 = arith.index_cast %get3A_683 : i32 to index
      %get3A_686 = arith.index_cast %mul3A_681 : i32 to index
      %get3A_687 = tpu.vector_load %arg7[%get3A_684, %get3A_685, %get3A_686] {strides = array<i32>} : memref<4x16x128xf32, #tpu.memory_space<vmem>>, vector<16xf32>,
      %mul3A_688 = arith.constant 16 : i32
      %mul3A_689 = arith.muli %select_n3A_88, %mul3A_688 : i32
      %get3A_690 = arith.constant 3 : i32
      %get3A_691 = arith.constant 7 : i32
      %get3A_692 = arith.index_cast %get3A_690 : i32 to index
      %get3A_693 = arith.index_cast %get3A_691 : i32 to index
      %get3A_694 = arith.index_cast %mul3A_689 : i32 to index
      %get3A_695 = tpu.vector_load %arg7[%get3A_692, %get3A_693, %get3A_694] {strides = array<i32>} : memref<4x16x128xf32, #tpu.memory_space<vmem>>, vector<16xf32>,
      %mul3A_696 = arith.constant 16 : i32
      %mul3A_697 = arith.muli %select_n3A_88, %mul3A_696 : i32
      %get3A_698 = arith.constant 3 : i32
      %get3A_699 = arith.constant 8 : i32
      %get3A_700 = arith.index_cast %get3A_698 : i32 to index
      %get3A_701 = arith.index_cast %get3A_699 : i32 to index
      %get3A_702 = arith.index_cast %mul3A_697 : i32 to index
      %get3A_703 = tpu.vector_load %arg7[%get3A_700, %get3A_701, %get3A_702] {strides = array<i32>} : memref<4x16x128xf32, #tpu.memory_space<vmem>>, vector<16xf32>,
      %mul3A_704 = arith.constant 16 : i32
      %mul3A_705 = arith.muli %select_n3A_88, %mul3A_704 : i32
      %get3A_706 = arith.constant 3 : i32
      %get3A_707 = arith.constant 9 : i32
      %get3A_708 = arith.index_cast %get3A_706 : i32 to index
      %get3A_709 = arith.index_cast %get3A_707 : i32 to index
      %get3A_710 = arith.index_cast %mul3A_705 : i32 to index
      %get3A_711 = tpu.vector_load %arg7[%get3A_708, %get3A_709, %get3A_710] {strides = array<i32>} : memref<4x16x128xf32, #tpu.memory_space<vmem>>, vector<16xf32>,
      %mul3A_712 = arith.constant 16 : i32
      %mul3A_713 = arith.muli %select_n3A_88, %mul3A_712 : i32
      %get3A_714 = arith.constant 3 : i32
      %get3A_715 = arith.constant 10 : i32
      %get3A_716 = arith.index_cast %get3A_714 : i32 to index
      %get3A_717 = arith.index_cast %get3A_715 : i32 to index
      %get3A_718 = arith.index_cast %mul3A_713 : i32 to index
      %get3A_719 = tpu.vector_load %arg7[%get3A_716, %get3A_717, %get3A_718] {strides = array<i32>} : memref<4x16x128xf32, #tpu.memory_space<vmem>>, vector<16xf32>,
      %mul3A_720 = arith.constant 16 : i32
      %mul3A_721 = arith.muli %select_n3A_88, %mul3A_720 : i32
      %get3A_722 = arith.constant 3 : i32
      %get3A_723 = arith.constant 11 : i32
      %get3A_724 = arith.index_cast %get3A_722 : i32 to index
      %get3A_725 = arith.index_cast %get3A_723 : i32 to index
      %get3A_726 = arith.index_cast %mul3A_721 : i32 to index
      %get3A_727 = tpu.vector_load %arg7[%get3A_724, %get3A_725, %get3A_726] {strides = array<i32>} : memref<4x16x128xf32, #tpu.memory_space<vmem>>, vector<16xf32>,
      %mul3A_728 = arith.constant 16 : i32
      %mul3A_729 = arith.muli %select_n3A_88, %mul3A_728 : i32
      %get3A_730 = arith.constant 3 : i32
      %get3A_731 = arith.constant 12 : i32
      %get3A_732 = arith.index_cast %get3A_730 : i32 to index
      %get3A_733 = arith.index_cast %get3A_731 : i32 to index
      %get3A_734 = arith.index_cast %mul3A_729 : i32 to index
      %get3A_735 = tpu.vector_load %arg7[%get3A_732, %get3A_733, %get3A_734] {strides = array<i32>} : memref<4x16x128xf32, #tpu.memory_space<vmem>>, vector<16xf32>,
      %mul3A_736 = arith.constant 16 : i32
      %mul3A_737 = arith.muli %select_n3A_88, %mul3A_736 : i32
      %get3A_738 = arith.constant 3 : i32
      %get3A_739 = arith.constant 13 : i32
      %get3A_740 = arith.index_cast %get3A_738 : i32 to index
      %get3A_741 = arith.index_cast %get3A_739 : i32 to index
      %get3A_742 = arith.index_cast %mul3A_737 : i32 to index
      %get3A_743 = tpu.vector_load %arg7[%get3A_740, %get3A_741, %get3A_742] {strides = array<i32>} : memref<4x16x128xf32, #tpu.memory_space<vmem>>, vector<16xf32>,
      %mul3A_744 = arith.constant 16 : i32
      %mul3A_745 = arith.muli %select_n3A_88, %mul3A_744 : i32
      %get3A_746 = arith.constant 3 : i32
      %get3A_747 = arith.constant 14 : i32
      %get3A_748 = arith.index_cast %get3A_746 : i32 to index
      %get3A_749 = arith.index_cast %get3A_747 : i32 to index
      %get3A_750 = arith.index_cast %mul3A_745 : i32 to index
      %get3A_751 = tpu.vector_load %arg7[%get3A_748, %get3A_749, %get3A_750] {strides = array<i32>} : memref<4x16x128xf32, #tpu.memory_space<vmem>>, vector<16xf32>,
      %mul3A_752 = arith.constant 16 : i32
      %mul3A_753 = arith.muli %select_n3A_88, %mul3A_752 : i32
      %get3A_754 = arith.constant 3 : i32
      %get3A_755 = arith.constant 15 : i32
      %get3A_756 = arith.index_cast %get3A_754 : i32 to index
      %get3A_757 = arith.index_cast %get3A_755 : i32 to index
      %get3A_758 = arith.index_cast %mul3A_753 : i32 to index
      %get3A_759 = tpu.vector_load %arg7[%get3A_756, %get3A_757, %get3A_758] {strides = array<i32>} : memref<4x16x128xf32, #tpu.memory_space<vmem>>, vector<16xf32>,
      %max3A_760 = arith.maximumf %max3A_593, %get3A_695 : vector<16xf32>
      %max3A_761 = arith.maximumf %min3A_592, %get3A_687 : vector<16xf32>
      %max3A_762 = arith.maximumf %max3A_595, %get3A_679 : vector<16xf32>
      %max3A_763 = arith.maximumf %min3A_594, %get3A_671 : vector<16xf32>
      %max3A_764 = arith.maximumf %max3A_597, %get3A_663 : vector<16xf32>
      %max3A_765 = arith.maximumf %min3A_596, %get3A_655 : vector<16xf32>
      %max3A_766 = arith.maximumf %max3A_599, %get3A_647 : vector<16xf32>
      %max3A_767 = arith.maximumf %min3A_598, %get3A_639 : vector<16xf32>
      %min3A_768 = arith.minimumf %max3A_760, %max3A_764 : vector<16xf32>
      %max3A_769 = arith.maximumf %max3A_760, %max3A_764 : vector<16xf32>
      %min3A_770 = arith.minimumf %max3A_761, %max3A_765 : vector<16xf32>
      %max3A_771 = arith.maximumf %max3A_761, %max3A_765 : vector<16xf32>
      %min3A_772 = arith.minimumf %max3A_762, %max3A_766 : vector<16xf32>
      %max3A_773 = arith.maximumf %max3A_762, %max3A_766 : vector<16xf32>
      %min3A_774 = arith.minimumf %max3A_763, %max3A_767 : vector<16xf32>
      %max3A_775 = arith.maximumf %max3A_763, %max3A_767 : vector<16xf32>
      %min3A_776 = arith.minimumf %max3A_769, %max3A_773 : vector<16xf32>
      %max3A_777 = arith.maximumf %max3A_769, %max3A_773 : vector<16xf32>
      %min3A_778 = arith.minimumf %max3A_771, %max3A_775 : vector<16xf32>
      %max3A_779 = arith.maximumf %max3A_771, %max3A_775 : vector<16xf32>
      %min3A_780 = arith.minimumf %min3A_768, %min3A_772 : vector<16xf32>
      %max3A_781 = arith.maximumf %min3A_768, %min3A_772 : vector<16xf32>
      %min3A_782 = arith.minimumf %min3A_770, %min3A_774 : vector<16xf32>
      %max3A_783 = arith.maximumf %min3A_770, %min3A_774 : vector<16xf32>
      %min3A_784 = arith.minimumf %max3A_777, %max3A_779 : vector<16xf32>
      %max3A_785 = arith.maximumf %max3A_777, %max3A_779 : vector<16xf32>
      %min3A_786 = arith.minimumf %min3A_776, %min3A_778 : vector<16xf32>
      %max3A_787 = arith.maximumf %min3A_776, %min3A_778 : vector<16xf32>
      %min3A_788 = arith.minimumf %max3A_781, %max3A_783 : vector<16xf32>
      %max3A_789 = arith.maximumf %max3A_781, %max3A_783 : vector<16xf32>
      %min3A_790 = arith.minimumf %min3A_780, %min3A_782 : vector<16xf32>
      %max3A_791 = arith.maximumf %min3A_780, %min3A_782 : vector<16xf32>
      %min3A_792 = arith.minimumf %min3A_624, %get3A_759 : vector<16xf32>
      %min3A_793 = arith.minimumf %max3A_625, %get3A_751 : vector<16xf32>
      %min3A_794 = arith.minimumf %min3A_626, %get3A_743 : vector<16xf32>
      %min3A_795 = arith.minimumf %max3A_627, %get3A_735 : vector<16xf32>
      %min3A_796 = arith.minimumf %min3A_628, %get3A_727 : vector<16xf32>
      %min3A_797 = arith.minimumf %max3A_629, %get3A_719 : vector<16xf32>
      %min3A_798 = arith.minimumf %min3A_630, %get3A_711 : vector<16xf32>
      %min3A_799 = arith.minimumf %max3A_631, %get3A_703 : vector<16xf32>
      %min3A_800 = arith.minimumf %min3A_792, %min3A_796 : vector<16xf32>
      %max3A_801 = arith.maximumf %min3A_792, %min3A_796 : vector<16xf32>
      %min3A_802 = arith.minimumf %min3A_793, %min3A_797 : vector<16xf32>
      %max3A_803 = arith.maximumf %min3A_793, %min3A_797 : vector<16xf32>
      %min3A_804 = arith.minimumf %min3A_794, %min3A_798 : vector<16xf32>
      %max3A_805 = arith.maximumf %min3A_794, %min3A_798 : vector<16xf32>
      %min3A_806 = arith.minimumf %min3A_795, %min3A_799 : vector<16xf32>
      %max3A_807 = arith.maximumf %min3A_795, %min3A_799 : vector<16xf32>
      %min3A_808 = arith.minimumf %min3A_800, %min3A_804 : vector<16xf32>
      %max3A_809 = arith.maximumf %min3A_800, %min3A_804 : vector<16xf32>
      %min3A_810 = arith.minimumf %min3A_802, %min3A_806 : vector<16xf32>
      %max3A_811 = arith.maximumf %min3A_802, %min3A_806 : vector<16xf32>
      %min3A_812 = arith.minimumf %max3A_801, %max3A_805 : vector<16xf32>
      %max3A_813 = arith.maximumf %max3A_801, %max3A_805 : vector<16xf32>
      %min3A_814 = arith.minimumf %max3A_803, %max3A_807 : vector<16xf32>
      %max3A_815 = arith.maximumf %max3A_803, %max3A_807 : vector<16xf32>
      %min3A_816 = arith.minimumf %min3A_808, %min3A_810 : vector<16xf32>
      %max3A_817 = arith.maximumf %min3A_808, %min3A_810 : vector<16xf32>
      %min3A_818 = arith.minimumf %max3A_809, %max3A_811 : vector<16xf32>
      %max3A_819 = arith.maximumf %max3A_809, %max3A_811 : vector<16xf32>
      %min3A_820 = arith.minimumf %min3A_812, %min3A_814 : vector<16xf32>
      %max3A_821 = arith.maximumf %min3A_812, %min3A_814 : vector<16xf32>
      %min3A_822 = arith.minimumf %max3A_813, %max3A_815 : vector<16xf32>
      %max3A_823 = arith.maximumf %max3A_813, %max3A_815 : vector<16xf32>
      %broadcast_in_dim3A_824 = arith.constant 0 : i32
      %broadcast_in_dim3A_825 = vector.broadcast %broadcast_in_dim3A_824 : i32 to vector<16xi32>
      tpu.vector_store_idx %arg8[%iota3A, %broadcast_in_dim3A_825], %min3A_816 : memref<16x16xf32, #tpu.memory_space<vmem>>[vector<16xi32>, vector<16xi32>], vector<16xf32>,
      %broadcast_in_dim3A_826 = arith.constant 8 : i32
      %broadcast_in_dim3A_827 = vector.broadcast %broadcast_in_dim3A_826 : i32 to vector<16xi32>
      tpu.vector_store_idx %arg8[%iota3A, %broadcast_in_dim3A_827], %max3A_785 : memref<16x16xf32, #tpu.memory_space<vmem>>[vector<16xi32>, vector<16xi32>], vector<16xf32>,
      %broadcast_in_dim3A_828 = arith.constant 1 : i32
      %broadcast_in_dim3A_829 = vector.broadcast %broadcast_in_dim3A_828 : i32 to vector<16xi32>
      tpu.vector_store_idx %arg8[%iota3A, %broadcast_in_dim3A_829], %max3A_817 : memref<16x16xf32, #tpu.memory_space<vmem>>[vector<16xi32>, vector<16xi32>], vector<16xf32>,
      %broadcast_in_dim3A_830 = arith.constant 9 : i32
      %broadcast_in_dim3A_831 = vector.broadcast %broadcast_in_dim3A_830 : i32 to vector<16xi32>
      tpu.vector_store_idx %arg8[%iota3A, %broadcast_in_dim3A_831], %min3A_784 : memref<16x16xf32, #tpu.memory_space<vmem>>[vector<16xi32>, vector<16xi32>], vector<16xf32>,
      %broadcast_in_dim3A_832 = arith.constant 2 : i32
      %broadcast_in_dim3A_833 = vector.broadcast %broadcast_in_dim3A_832 : i32 to vector<16xi32>
      tpu.vector_store_idx %arg8[%iota3A, %broadcast_in_dim3A_833], %min3A_818 : memref<16x16xf32, #tpu.memory_space<vmem>>[vector<16xi32>, vector<16xi32>], vector<16xf32>,
      %broadcast_in_dim3A_834 = arith.constant 10 : i32
      %broadcast_in_dim3A_835 = vector.broadcast %broadcast_in_dim3A_834 : i32 to vector<16xi32>
      tpu.vector_store_idx %arg8[%iota3A, %broadcast_in_dim3A_835], %max3A_787 : memref<16x16xf32, #tpu.memory_space<vmem>>[vector<16xi32>, vector<16xi32>], vector<16xf32>,
      %broadcast_in_dim3A_836 = arith.constant 3 : i32
      %broadcast_in_dim3A_837 = vector.broadcast %broadcast_in_dim3A_836 : i32 to vector<16xi32>
      tpu.vector_store_idx %arg8[%iota3A, %broadcast_in_dim3A_837], %max3A_819 : memref<16x16xf32, #tpu.memory_space<vmem>>[vector<16xi32>, vector<16xi32>], vector<16xf32>,
      %broadcast_in_dim3A_838 = arith.constant 11 : i32
      %broadcast_in_dim3A_839 = vector.broadcast %broadcast_in_dim3A_838 : i32 to vector<16xi32>
      tpu.vector_store_idx %arg8[%iota3A, %broadcast_in_dim3A_839], %min3A_786 : memref<16x16xf32, #tpu.memory_space<vmem>>[vector<16xi32>, vector<16xi32>], vector<16xf32>,
      %broadcast_in_dim3A_840 = arith.constant 4 : i32
      %broadcast_in_dim3A_841 = vector.broadcast %broadcast_in_dim3A_840 : i32 to vector<16xi32>
      tpu.vector_store_idx %arg8[%iota3A, %broadcast_in_dim3A_841], %min3A_820 : memref<16x16xf32, #tpu.memory_space<vmem>>[vector<16xi32>, vector<16xi32>], vector<16xf32>,
      %broadcast_in_dim3A_842 = arith.constant 12 : i32
      %broadcast_in_dim3A_843 = vector.broadcast %broadcast_in_dim3A_842 : i32 to vector<16xi32>
      tpu.vector_store_idx %arg8[%iota3A, %broadcast_in_dim3A_843], %max3A_789 : memref<16x16xf32, #tpu.memory_space<vmem>>[vector<16xi32>, vector<16xi32>], vector<16xf32>,
      %broadcast_in_dim3A_844 = arith.constant 5 : i32
      %broadcast_in_dim3A_845 = vector.broadcast %broadcast_in_dim3A_844 : i32 to vector<16xi32>
      tpu.vector_store_idx %arg8[%iota3A, %broadcast_in_dim3A_845], %max3A_821 : memref<16x16xf32, #tpu.memory_space<vmem>>[vector<16xi32>, vector<16xi32>], vector<16xf32>,
      %broadcast_in_dim3A_846 = arith.constant 13 : i32
      %broadcast_in_dim3A_847 = vector.broadcast %broadcast_in_dim3A_846 : i32 to vector<16xi32>
      tpu.vector_store_idx %arg8[%iota3A, %broadcast_in_dim3A_847], %min3A_788 : memref<16x16xf32, #tpu.memory_space<vmem>>[vector<16xi32>, vector<16xi32>], vector<16xf32>,
      %broadcast_in_dim3A_848 = arith.constant 6 : i32
      %broadcast_in_dim3A_849 = vector.broadcast %broadcast_in_dim3A_848 : i32 to vector<16xi32>
      tpu.vector_store_idx %arg8[%iota3A, %broadcast_in_dim3A_849], %min3A_822 : memref<16x16xf32, #tpu.memory_space<vmem>>[vector<16xi32>, vector<16xi32>], vector<16xf32>,
      %broadcast_in_dim3A_850 = arith.constant 14 : i32
      %broadcast_in_dim3A_851 = vector.broadcast %broadcast_in_dim3A_850 : i32 to vector<16xi32>
      tpu.vector_store_idx %arg8[%iota3A, %broadcast_in_dim3A_851], %max3A_791 : memref<16x16xf32, #tpu.memory_space<vmem>>[vector<16xi32>, vector<16xi32>], vector<16xf32>,
      %broadcast_in_dim3A_852 = arith.constant 7 : i32
      %broadcast_in_dim3A_853 = vector.broadcast %broadcast_in_dim3A_852 : i32 to vector<16xi32>
      tpu.vector_store_idx %arg8[%iota3A, %broadcast_in_dim3A_853], %max3A_823 : memref<16x16xf32, #tpu.memory_space<vmem>>[vector<16xi32>, vector<16xi32>], vector<16xf32>,
      %broadcast_in_dim3A_854 = arith.constant 15 : i32
      %broadcast_in_dim3A_855 = vector.broadcast %broadcast_in_dim3A_854 : i32 to vector<16xi32>
      tpu.vector_store_idx %arg8[%iota3A, %broadcast_in_dim3A_855], %min3A_790 : memref<16x16xf32, #tpu.memory_space<vmem>>[vector<16xi32>, vector<16xi32>], vector<16xf32>,
      %mul3A_856 = arith.constant 128 : i32
      %mul3A_857 = arith.muli %select_n3A_72, %mul3A_856 : i32
      %mul3A_858 = arith.constant 16 : i32
      %mul3A_859 = arith.muli %select_n3A_88, %mul3A_858 : i32
      %add3A_860 = arith.addi %mul3A_857, %mul3A_859 : i32
      "tpu.region"() ({
        %run_scoped3A_862 = tpu.sem_alloc : memref<!tpu.dma_semaphore, #tpu.memory_space<semaphore_mem>>
        %dma_start3A = arith.constant 0 : i32
        %dma_start3A_863 = tpu.memref_slice %arg3[%add3A_91, %add3A_860, %dma_start3A] : memref<4x768x16xf32, #tpu.memory_space<hbm>> -> memref<1x16x16xf32, #tpu.memory_space<hbm>>
        %dma_start3A_864 = tpu.memref_squeeze %dma_start3A_863 : memref<1x16x16xf32, #tpu.memory_space<hbm>> -> memref<16x16xf32, #tpu.memory_space<hbm>>
        %dma_start3A_865 = arith.constant 0 : i32
        %dma_start3A_866 = tpu.memref_slice %arg3[%add3A_91, %add3A_860, %dma_start3A_865] : memref<4x768x16xf32, #tpu.memory_space<hbm>> -> memref<1x16x16xf32, #tpu.memory_space<hbm>>
        %dma_start3A_867 = tpu.memref_squeeze %dma_start3A_866 : memref<1x16x16xf32, #tpu.memory_space<hbm>> -> memref<16x16xf32, #tpu.memory_space<hbm>>
        tpu.enqueue_dma source(%arg8 : memref<16x16xf32, #tpu.memory_space<vmem>>) target(%dma_start3A_867 : memref<16x16xf32, #tpu.memory_space<hbm>>) target_semaphore(%run_scoped3A_862 : memref<!tpu.dma_semaphore, #tpu.memory_space<semaphore_mem>>)
        %dma_wait3A = arith.constant 0 : i32
        %dma_wait3A_868 = tpu.memref_slice %arg3[%add3A_91, %add3A_860, %dma_wait3A] : memref<4x768x16xf32, #tpu.memory_space<hbm>> -> memref<1x16x16xf32, #tpu.memory_space<hbm>>
        %dma_wait3A_869 = tpu.memref_squeeze %dma_wait3A_868 : memref<1x16x16xf32, #tpu.memory_space<hbm>> -> memref<16x16xf32, #tpu.memory_space<hbm>>
        %dma_wait3A_870 = arith.constant 0 : i32
        %dma_wait3A_871 = tpu.memref_slice %arg3[%add3A_91, %add3A_860, %dma_wait3A_870] : memref<4x768x16xf32, #tpu.memory_space<hbm>> -> memref<1x16x16xf32, #tpu.memory_space<hbm>>
        %dma_wait3A_872 = tpu.memref_squeeze %dma_wait3A_871 : memref<1x16x16xf32, #tpu.memory_space<hbm>> -> memref<16x16xf32, #tpu.memory_space<hbm>>
        tpu.wait_dma2 semaphore(%run_scoped3A_862 : memref<!tpu.dma_semaphore, #tpu.memory_space<semaphore_mem>>) src(%arg8 : memref<16x16xf32, #tpu.memory_space<vmem>>) dst(%dma_wait3A_872 : memref<16x16xf32, #tpu.memory_space<hbm>>)
        tpu.yield
      }) : () -> ()
      %scan3A_861 = arith.constant 0 : i32
      scf.yield %scan3A_861 : i32
    }
    %scan3A_15 = arith.constant 6 : i32
    return
  }
}

</mosaic_0001>

<sc_bundles>
// kernel: kernel.3.cloned.1.call-start
scs
__scs_entry_jumppad:
0x0: {  	(pc) =	sbr.rel $0x88, $3  }
0x1: {  	(tag) =	ssettag $0x0;
	lr =	simm.s32 $0x1  }
0x2: {  	[smem:$0x3FA0] =	sst lr;
	_ =	strace $0xD0000000  }
0x3: {  	_ = 	snop  }
0x4: {  	_ = 	snop  }
0x5: {  	_ = 	snop  }
0x6: {  	_ = 	snop  }
0x7: {  	_ = 	snop  }
__scs_overlays_trampoline_lowered:
0x8: {  	[smem:$0x3FAF] =	sst s0  }
0x9: {  	[smem:$0x3FB0] =	sst s1  }
0xa: {  	[smem:$0x3FB1] =	sst s2  }
0xb: {  	[smem:$0x3FB2] =	sst s3  }
0xc: {  	[smem:$0x3FB3] =	sst s4  }
0xd: {  	[smem:$0x3FB4] =	sst s5  }
0xe: {  	[smem:$0x3FB5] =	sst s6  }
0xf: {  	[smem:$0x3FB6] =	sst s7  }
0x10: {  	[smem:$0x3FB7] =	sst s8  }
0x11: {  	[smem:$0x3FB8] =	sst s9;
	s0 =	simm.s32 @!p0 $0x0  }
0x12: {  	s1 =	sld [smem:$0x3F9E];
	s0 =	simm.s32 @p0 $0x1  }
0x13: {  	[smem:$0x3FB9] =	sst s0;
	s0 =	simm.s32 @!p1 $0x0  }
0x14: {  	s2 =	sld [smem:$0x3F9D];
	s0 =	simm.s32 @p1 $0x1  }
0x15: {  	[smem:$0x3FBA] =	sst s0;
	s0 =	simm.s32 @!p2 $0x0  }
0x16: {  	s3 =	sld [smem:$0x3FDB];
	s0 =	simm.s32 @p2 $0x1  }
0x17: {  	s4 =	simm.s32 $0x1BF5;
	[smem:$0x3FBC] =	sst s0  }
0x18: {  	s0 =	sld [smem:$0x3F9F];
	_ =	swait.ge [sflag:s4], $0x0  }
0x19: {  	s7 =	sld [smem:$0x3FA0]  }
0x1a: {  	s8 =	sadd.s32 $0xFFFFE003, lr  }
0x1b: {  	s9 =	sadd.s32 $0xFFFFFEF7, lr;
	s5 =	simm.s32 $0xFFFFFFFF;
	p2 =	slt.u32 s8, $0xFFFFF086  }
0x1c: {  	p1 =	slt.u32 s9, $0xF7A;
	s5 =	simm.s32 @!p2 $0x0  }
0x1d: {  	s5 =	simm.s32 @p1 $0x1;
	p0 =	seq.s32 s7, s2  }
0x1e: {  	s7 =	smul.u32 @!p0 $0xF7A, s2;
	p2 =	seq.s32 @!p0 s5, $0x0  }
0x1f: {  	s9 =	smul.u32 $0xF7A, s1;
	s8 =	simm.s32 @!p0 $0x1BF5;
	p2 =	por !p2, p0  }
0x20: {  	[sflag:s8] =	ssyncset.s32 @!p0 $0xFFFFF086;
	s6 =	sadd.s32 @!p0 s3, s7;
	s7 =	simm.s32 @!p0 $0x108  }
0x21: {  	s3 =	sadd.s32 s3, s9;
	s6 =	sadd.s32 @!p0 $0x88, s6;
	s7 =	simm.s32 @p2 $0x1082  }
0x22: {  	[simem:s7], [sflag:s8] =	dma.local @!p0 [hbm:s6], $0xF7A  }
0x23: {  	s9 =	sor.u32 $0xD0000000, s2;
	s6 =	simm.s32 $0x108;
	_ =	swait.ge @!p0 [sflag:s8], $0x0  }
0x24: {  	s3 =	sadd.s32 $0x88, s3;
	s6 =	simm.s32 @!p1 $0x1082;
	[sflag:s4] =	ssyncset.s32 $0xFFFFF086  }
0x25: {  	[simem:s6], [sflag:s4] =	dma.local [hbm:s3], $0xF7A  }
0x26: {  	[smem:$0x3FA0] =	sst s1;
	(tag) =	ssettag s2;
	_ =	strace s9  }
0x27: {  	s1 =	sld [smem:$0x3FB0]  }
0x28: {  	s2 =	sld [smem:$0x3FB1]  }
0x29: {  	s4 =	sld [smem:$0x3FB3]  }
0x2a: {  	p0 =	seq.s32 s5, $0x0;
	s5 =	sld [smem:$0x3FB4]  }
0x2b: {  	s6 =	sld [smem:$0x3FB5]  }
0x2c: {  	s7 =	sld [smem:$0x3FB6]  }
0x2d: {  	s3 =	simm.s32 $0x108;
	s8 =	sld [smem:$0x3FB7]  }
0x2e: {  	s3 =	simm.s32 @!p0 $0x1082;
	s9 =	sld [smem:$0x3FB8]  }
0x2f: {  	lr =	sadd.s32 s0, s3;
	s0 =	sld [smem:$0x3FAF]  }
0x30: {  	s3 =	sld [smem:$0x3FB2]  }
0x31: {  	[smem:$0x3FBB] =	sst s10  }
0x32: {  	s10 =	sld [smem:$0x3FB9];
	_ =	sdelay $0x3  }
0x33: {  	p0 =	seq.s32 s10, $0x1;
	s10 =	sld [smem:$0x3FBB];
	_ =	sdelay $0x3  }
0x34: {  	[smem:$0x3FBB] =	sst s10  }
0x35: {  	s10 =	sld [smem:$0x3FBA];
	_ =	sdelay $0x3  }
0x36: {  	p1 =	seq.s32 s10, $0x1;
	s10 =	sld [smem:$0x3FBB];
	_ =	sdelay $0x3  }
0x37: {  	[smem:$0x3FBB] =	sst s10  }
0x38: {  	s10 =	sld [smem:$0x3FBC]  }
0x39: {  	_ = 	snop;
	(pc) =	sbr.ind lr, $3  }
0x3a: {  	_ = 	snop  }
0x3b: {  	_ = 	snop  }
0x3c: {  	p2 =	seq.s32 s10, $0x1;
	s10 =	sld [smem:$0x3FBB]  }
0x3d: {  	_ =	shalt  }
0x3e: {  	_ =	shalt  }
0x3f: {  	_ =	shalt  }
0x40: {  	_ =	shalt  }
0x41: {  	_ =	shalt  }
0x42: {  	_ =	shalt  }
0x43: {  	_ =	shalt  }
0x44: {  	_ =	shalt  }
0x45: {  	_ =	shalt  }
0x46: {  	_ =	shalt  }
0x47: {  	_ =	shalt  }
0x48: {  	_ =	shalt  }
0x49: {  	_ =	shalt  }
0x4a: {  	_ =	shalt  }
0x4b: {  	_ =	shalt  }
0x4c: {  	_ =	shalt  }
0x4d: {  	_ =	shalt  }
0x4e: {  	_ =	shalt  }
0x4f: {  	_ =	shalt  }
0x50: {  	_ =	shalt  }
0x51: {  	_ =	shalt  }
0x52: {  	_ =	shalt  }
0x53: {  	_ =	shalt  }
0x54: {  	_ =	shalt  }
0x55: {  	_ =	shalt  }
0x56: {  	_ =	shalt  }
0x57: {  	_ =	shalt  }
0x58: {  	_ =	shalt  }
0x59: {  	_ =	shalt  }
0x5a: {  	_ =	shalt  }
0x5b: {  	_ =	shalt  }
0x5c: {  	_ =	shalt  }
0x5d: {  	_ =	shalt  }
0x5e: {  	_ =	shalt  }
0x5f: {  	_ =	shalt  }
0x60: {  	_ =	shalt  }
0x61: {  	_ =	shalt  }
0x62: {  	_ =	shalt  }
0x63: {  	_ =	shalt  }
0x64: {  	_ =	shalt  }
0x65: {  	_ =	shalt  }
0x66: {  	_ =	shalt  }
0x67: {  	_ =	shalt  }
0x68: {  	_ =	shalt  }
0x69: {  	_ =	shalt  }
0x6a: {  	_ =	shalt  }
0x6b: {  	_ =	shalt  }
0x6c: {  	_ =	shalt  }
0x6d: {  	_ =	shalt  }
0x6e: {  	_ =	shalt  }
0x6f: {  	_ =	shalt  }
0x70: {  	_ =	shalt  }
0x71: {  	_ =	shalt  }
0x72: {  	_ =	shalt  }
0x73: {  	_ =	shalt  }
0x74: {  	_ =	shalt  }
0x75: {  	_ =	shalt  }
0x76: {  	_ =	shalt  }
0x77: {  	_ =	shalt  }
0x78: {  	_ =	shalt  }
0x79: {  	_ =	shalt  }
0x7a: {  	_ =	shalt  }
0x7b: {  	_ =	shalt  }
0x7c: {  	_ =	shalt  }
0x7d: {  	_ =	shalt  }
0x7e: {  	_ =	shalt  }
0x7f: {  	_ =	shalt  }
0x80: {  	_ =	shalt  }
0x81: {  	_ =	shalt  }
0x82: {  	_ =	shalt  }
0x83: {  	_ =	shalt  }
0x84: {  	_ =	shalt  }
0x85: {  	_ =	shalt  }
0x86: {  	_ =	shalt  }
0x87: {  	_ =	shalt  }
.Lfunc_end0:
.L_simem_size_0:
called_computation_lowered:
.L_overlay_start_0:
0x88: {  	s2 =	sld [smem:$0x3FD9]  }
0x89: {  	s3 =	sld [smem:$0x3FFE];
	_ =	sdelay $0x1  }
0x8a: {  	s1 =	srdreg.scid  }
0x8b: {  	s0 =	sand.u32 $0x1, s1  }
0x8c: {  	s17 =	sshll.u32 s0, $0xA;
	s2 =	sadd.s32 s3, s2  }
0x8d: {  	s2 =	sadd.s32 s2, s17  }
0x8e: {  	[smem:$0x3FC7] =	sst s2  }
0x8f: {  	_ = 	snop  }
0x90: {  	s2 =	sld [smem:$0x3FC9];
	(tm) =	ssettm $0x1  }
0x91: {  	s18 =	sld [smem:$0x3FFB];
	_ =	sdelay $0x3  }
0x92: {  	_ =	strace s18  }
0x93: {  	s3 =	sld [smem:$0x3FFC];
	_ =	sdelay $0x3  }
0x94: {  	_ =	strace s3  }
0x95: {  	s3 =	sld [smem:$0x3FFD];
	_ =	sdelay $0x3  }
0x96: {  	_ =	strace s3  }
0x97: {  	_ =	strace $0x8FFFFFFF  }
0x98: {  	s19 =	sld [smem:$0x3FDB];
	_ =	sdelay $0x1  }
0x99: {  	s4 =	simm.s32 $_scs_section_size  }
0x9a: {  	s5 =	simm.s32 $_size__tile_overlayer_lowered;
	s6 =	simm.s32 $_tile_overlayer_lowered  }
0x9b: {  	s22 =	simm.s32 $0x1BFF;
	s21 =	sshll.u32 s6, $0x1;
	s3 =	sadd.s32 s4, s19  }
0x9c: {  	s7 =	simm.s32 $0x0;
	s20 =	sshll.u32 s5, $0x1;
	s5 =	sadd.s32 s21, s3  }
0x9d: {  	[timem:s7], [sflag:s22] =	dma.local [hbm:s5], s20  }
0x9e: {  	_ =	swait.ge [sflag:s22], s20  }
0x9f: {  	s4 =	ssub.s32 $0x0, s20;
	[sflag:s22] =	ssyncset.done $0x0  }
0xa0: {  	[sflag:s22] =	ssyncadd.s32 s4;
	_ =	sdelay $0x1  }
0xa1: {  	s23 =	simm.s32 $0x1B8B  }
0xa2: {  	_ =	swait.ge [sflag:s23], $0x1  }
0xa3: {  	[sflag:s23] =	ssyncset.done $0x0  }
0xa4: {  	s25 =	simm.s32 $0x1B8E;
	s24 =	sld [smem:$0x3FFE];
	[sflag:s23] =	ssyncadd.s32 $0xFFFFFFFF  }
0xa5: {  	s26 =	simm.s32 $execute0_lowered;
	[smem:$0x3FD2] =	sst s25  }
0xa6: {  	s5 =	sshll.u32 s26, $0x1;
	_ =	strace $0x80000046;
	[dreg:$0x1] =	wrdreg $0xFFFFFFFF  }
0xa7: {  	s28 =	simm.s32 $_size_execute0_lowered;
	s3 =	sadd.s32 s3, s5;
	[dreg:$0x0] =	wrdreg $0x0  }
0xa8: {  	s5 =	sshll.u32 s28, $0x1;
	[dreg:$0x2] =	wrdreg s3  }
0xa9: {  	[dreg:$0x3] =	wrdreg s5  }
0xaa: {  	[dreg:$0x4] =	wrdreg $0xC0  }
0xab: {  	_ =	task [dreg:s7], $0x5FFFF  }
0xac: {  	[dreg:$0x1] =	wrdreg $0xFFFFFFFF  }
0xad: {  	[dreg:$0x0] =	wrdreg $0x60  }
0xae: {  	[dreg:$0x2] =	wrdreg s2  }
0xaf: {  	[dreg:$0x3] =	wrdreg s24  }
0xb0: {  	[dreg:$0x4] =	wrdreg $0x130000  }
0xb1: {  	[dreg:$0x5] =	wrdreg $0x9  }
0xb2: {  	_ =	task.clear_ibuf [dreg:s7], $0x6FFFF;
	_ =	strace $0x90000046  }
0xb3: {  	s29 =	simm.s32 $0x9;
	_ =	strace $0x80000048  }
0xb4: {  	_ =	swait.ge [sflag:s29], $0x1  }
0xb5: {  	[sflag:s29] =	ssyncadd.s32 $0xFFFFFFFF  }
0xb6: {  	_ =	strace $0x90000048  }
0xb7: {  	_ =	sfence  }
0xb8: {  	s30 =	sld [smem:$0x0];
	_ =	sdelay $0x2  }
0xb9: {  	s31 =	sshll.u32 s1, $0xD;
	s1 =	sshrl.u32 s1, $0x2  }
0xba: {  	s3 =	sand.u32 $0x4000, s31;
	s1 =	sadd.s32 s1, s30  }
0xbb: {  	s0 =	sor.u32 s3, s0;
	s1 =	sshll.u32 s1, $0x11  }
0xbc: {  	s0 =	sor.u32 s1, s0  }
0xbd: {  	s0 =	sadd.s32 $0x8F2B, s0  }
0xbe: {  	[sflag:s0] =	ssyncadd.remote.s32 $0x1  }
0xbf: {  	_ =	sfence.sel $0xFFFF  }
0xc0: {  	[dreg:$0x0] =	wrdreg $0xFFFFFFFF;
	(pc) =	sbr.abs _section_cstart, $3  }
0xc1: {  	[dreg:$0x1] =	wrdreg $0xFFFFFFFF  }
0xc2: {  	_ =	task.clear_ibuf [dreg:s7], $0x2FFFF;
	_ =	strace $0x9FFFFFFF  }
0xc3: {  	(tm) =	ssettm $0x7FFFFFFF  }
tec
execute0_lowered:
.L_overlay_start_1:
0x0: {  	(tag) =	ssettag $0x1  }
0x1: {  	s1 =	rddreg [dreg:$0x0]  }
0x2: {  	s4 =	rddreg [dreg:$0x1]  }
0x3: {  	s2 =	rddreg [dreg:$0x2]  }
0x4: {  	s5 =	srdreg.scid;
	s0 =	rddreg [dreg:$0x3];
	s3 =	simm.s32 $0x0  }
0x5: {  	s9 =	simm.s32 $0x400;
	s10 =	simm.s32 $0x1800;
	s11 =	simm.s32 $0x1  }
0x6: {  	s13 =	simm.s32 $0xC000;
	s12 =	simm.s32 $0x8000;
	s14 =	simm.s32 $0x10800  }
0x7: {  	s15 =	simm.s32 $0x11000;
	s16 =	simm.s32 $0x11800;
	s31 =	simm.s32 $0x12000  }
0x8: {  	s17 =	simm.s32 $0x0;
	s6 =	sand.u32 $0x1, s5;
	[smem:$0x7FF] =	sst s3  }
0x9: {  	s5 =	sadd.s32 $0x400, s4;
	_ =	strace $0x80000047;
	[dreg:$0x4] =	wrdreg s13  }
0xa: {  	s4 =	stileid.u32;
	s7 =	ssub.s32 $0x2, s6;
	[dreg:$0x5] =	wrdreg s14  }
0xb: {  	s6 =	sshll.u32 s6, $0x1;
	s13 =	simm.s32 $0x2;
	[dreg:$0x6] =	wrdreg s15  }
0xc: {  	s14 =	simm.s32 $0x10000;
	[dreg:$0x7] =	wrdreg s16;
	s8 =	sshrl.u32 s7, $0x1  }
0xd: {  	v2 =	vlaneseq.u32;
	s15 =	simm.s32 $0x3;
	[dreg:$0x8] =	wrdreg s31;
	s7 =	ssub.s32 s7, s8  }
0xe: {  	v0 =	vimm.f32 $-Inf;
	v1 =	vimm.f32 $+Inf;
	v2 =	vmul.u32 $0x80, v2;
	s16 =	simm.s32 $0x12800;
	s8 =	sshll.u32 s4, $0x4;
	s7 =	smax.u32 s7, $0x1  }
.LBB2_1:
.Ltmp0:
0xf: {  	(pc) =	sbr.rel .LBB2_2-.Ltmp0, $2  }
0x10: {  	_ =	sdelay $0x2  }
0x11: {  	s18 =	simm.s32 $0x0  }
.LBB2_13:
0x12: {  	s19 =	sshll.u32 s19, $0xB;
	s18 =	sadd.s32 $0x1, s18  }
0x13: {  	s19 =	sand.u32 $0x3FFFF800, s19;
	p0 =	sne.s32 s18, $0x3  }
.Ltmp1:
0x14: {  	s19 =	sadd.s32 s19, s2;
	(pc) =	sbr.rel @!p0 .LBB2_14-.Ltmp1, $4  }
0x15: {  	[spmem:s19] =	stream.linear.scatter [tilespmem:s14], [sflag:$0x3], $0x800, $0x38;
	[tilespmem:$0x14800] =	vst v63  }
0x16: {  	_ =	swait.ge [sflag:s15], $0x800  }
0x17: {  	[sflag:s15] =	ssyncset.done $0x0  }
0x18: {  	[sflag:s15] =	ssyncadd.s32 $0xFFFFF800  }
.LBB2_2:
0x19: {  	[tilespmem:$0x10000] =	vst v0  }
0x1a: {  	[tilespmem:$0x10400] =	vst v1  }
0x1b: {  	[tilespmem:$0x10080] =	vst v0  }
0x1c: {  	[tilespmem:$0x10480] =	vst v1  }
0x1d: {  	[tilespmem:$0x10100] =	vst v0  }
0x1e: {  	[tilespmem:$0x10500] =	vst v1  }
0x1f: {  	[tilespmem:$0x10180] =	vst v0  }
0x20: {  	[tilespmem:$0x10580] =	vst v1  }
0x21: {  	[tilespmem:$0x10200] =	vst v0  }
0x22: {  	[tilespmem:$0x10600] =	vst v1  }
0x23: {  	[tilespmem:$0x10280] =	vst v0  }
0x24: {  	[tilespmem:$0x10680] =	vst v1  }
0x25: {  	[tilespmem:$0x10300] =	vst v0  }
0x26: {  	[tilespmem:$0x10700] =	vst v1  }
0x27: {  	[tilespmem:$0x10380] =	vst v0  }
0x28: {  	[tilespmem:$0x10780] =	vst v1  }
0x29: {  	[tilespmem:$0x10010] =	vst v0  }
0x2a: {  	[tilespmem:$0x10410] =	vst v1  }
0x2b: {  	[tilespmem:$0x10090] =	vst v0  }
0x2c: {  	[tilespmem:$0x10490] =	vst v1  }
0x2d: {  	[tilespmem:$0x10110] =	vst v0  }
0x2e: {  	[tilespmem:$0x10510] =	vst v1  }
0x2f: {  	[tilespmem:$0x10190] =	vst v0  }
0x30: {  	[tilespmem:$0x10590] =	vst v1  }
0x31: {  	[tilespmem:$0x10210] =	vst v0  }
0x32: {  	[tilespmem:$0x10610] =	vst v1  }
0x33: {  	[tilespmem:$0x10290] =	vst v0  }
0x34: {  	[tilespmem:$0x10690] =	vst v1  }
0x35: {  	[tilespmem:$0x10310] =	vst v0  }
0x36: {  	[tilespmem:$0x10710] =	vst v1  }
0x37: {  	[tilespmem:$0x10390] =	vst v0  }
0x38: {  	[tilespmem:$0x10790] =	vst v1  }
0x39: {  	[tilespmem:$0x10020] =	vst v0  }
0x3a: {  	[tilespmem:$0x10420] =	vst v1  }
0x3b: {  	[tilespmem:$0x100A0] =	vst v0  }
0x3c: {  	[tilespmem:$0x104A0] =	vst v1  }
0x3d: {  	[tilespmem:$0x10120] =	vst v0  }
0x3e: {  	[tilespmem:$0x10520] =	vst v1  }
0x3f: {  	[tilespmem:$0x101A0] =	vst v0  }
0x40: {  	[tilespmem:$0x105A0] =	vst v1  }
0x41: {  	[tilespmem:$0x10220] =	vst v0  }
0x42: {  	[tilespmem:$0x10620] =	vst v1  }
0x43: {  	[tilespmem:$0x102A0] =	vst v0  }
0x44: {  	[tilespmem:$0x106A0] =	vst v1  }
0x45: {  	[tilespmem:$0x10320] =	vst v0  }
0x46: {  	[tilespmem:$0x10720] =	vst v1  }
0x47: {  	[tilespmem:$0x103A0] =	vst v0  }
0x48: {  	[tilespmem:$0x107A0] =	vst v1  }
0x49: {  	[tilespmem:$0x10030] =	vst v0  }
0x4a: {  	[tilespmem:$0x10430] =	vst v1  }
0x4b: {  	[tilespmem:$0x100B0] =	vst v0  }
0x4c: {  	[tilespmem:$0x104B0] =	vst v1  }
0x4d: {  	[tilespmem:$0x10130] =	vst v0  }
0x4e: {  	[tilespmem:$0x10530] =	vst v1  }
0x4f: {  	[tilespmem:$0x101B0] =	vst v0  }
0x50: {  	[tilespmem:$0x105B0] =	vst v1  }
0x51: {  	[tilespmem:$0x10230] =	vst v0  }
0x52: {  	[tilespmem:$0x10630] =	vst v1  }
0x53: {  	[tilespmem:$0x102B0] =	vst v0  }
0x54: {  	[tilespmem:$0x106B0] =	vst v1  }
0x55: {  	[tilespmem:$0x10330] =	vst v0  }
0x56: {  	[tilespmem:$0x10730] =	vst v1  }
0x57: {  	[tilespmem:$0x103B0] =	vst v0  }
0x58: {  	[tilespmem:$0x107B0] =	vst v1  }
0x59: {  	[tilespmem:$0x10040] =	vst v0  }
0x5a: {  	[tilespmem:$0x10440] =	vst v1  }
0x5b: {  	[tilespmem:$0x100C0] =	vst v0  }
0x5c: {  	[tilespmem:$0x104C0] =	vst v1  }
0x5d: {  	[tilespmem:$0x10140] =	vst v0  }
0x5e: {  	[tilespmem:$0x10540] =	vst v1  }
0x5f: {  	[tilespmem:$0x101C0] =	vst v0  }
0x60: {  	[tilespmem:$0x105C0] =	vst v1  }
0x61: {  	[tilespmem:$0x10240] =	vst v0  }
0x62: {  	[tilespmem:$0x10640] =	vst v1  }
0x63: {  	[tilespmem:$0x102C0] =	vst v0  }
0x64: {  	[tilespmem:$0x106C0] =	vst v1  }
0x65: {  	[tilespmem:$0x10340] =	vst v0  }
0x66: {  	[tilespmem:$0x10740] =	vst v1  }
0x67: {  	[tilespmem:$0x103C0] =	vst v0  }
0x68: {  	[tilespmem:$0x107C0] =	vst v1  }
0x69: {  	[tilespmem:$0x10050] =	vst v0  }
0x6a: {  	[tilespmem:$0x10450] =	vst v1  }
0x6b: {  	[tilespmem:$0x100D0] =	vst v0  }
0x6c: {  	[tilespmem:$0x104D0] =	vst v1  }
0x6d: {  	[tilespmem:$0x10150] =	vst v0  }
0x6e: {  	[tilespmem:$0x10550] =	vst v1  }
0x6f: {  	[tilespmem:$0x101D0] =	vst v0  }
0x70: {  	[tilespmem:$0x105D0] =	vst v1  }
0x71: {  	[tilespmem:$0x10250] =	vst v0  }
0x72: {  	[tilespmem:$0x10650] =	vst v1  }
0x73: {  	[tilespmem:$0x102D0] =	vst v0  }
0x74: {  	[tilespmem:$0x106D0] =	vst v1  }
0x75: {  	[tilespmem:$0x10350] =	vst v0  }
0x76: {  	[tilespmem:$0x10750] =	vst v1  }
0x77: {  	[tilespmem:$0x103D0] =	vst v0  }
0x78: {  	[tilespmem:$0x107D0] =	vst v1  }
0x79: {  	[tilespmem:$0x10060] =	vst v0  }
0x7a: {  	[tilespmem:$0x10460] =	vst v1  }
0x7b: {  	[tilespmem:$0x100E0] =	vst v0  }
0x7c: {  	[tilespmem:$0x104E0] =	vst v1  }
0x7d: {  	[tilespmem:$0x10160] =	vst v0  }
0x7e: {  	[tilespmem:$0x10560] =	vst v1  }
0x7f: {  	[tilespmem:$0x101E0] =	vst v0  }
0x80: {  	[tilespmem:$0x105E0] =	vst v1  }
0x81: {  	[tilespmem:$0x10260] =	vst v0  }
0x82: {  	[tilespmem:$0x10660] =	vst v1  }
0x83: {  	[tilespmem:$0x102E0] =	vst v0  }
0x84: {  	[tilespmem:$0x106E0] =	vst v1  }
0x85: {  	[tilespmem:$0x10360] =	vst v0  }
0x86: {  	[tilespmem:$0x10760] =	vst v1  }
0x87: {  	[tilespmem:$0x103E0] =	vst v0  }
0x88: {  	[tilespmem:$0x107E0] =	vst v1;
	s19 =	sshll.u32 s18, $0x4  }
0x89: {  	[tilespmem:$0x10070] =	vst v0;
	s19 =	sor.u32 s4, s19  }
0x8a: {  	[tilespmem:$0x10470] =	vst v1;
	s20 =	smulhi.u32 $0x2AAAAAAB, s19  }
0x8b: {  	[tilespmem:$0x100F0] =	vst v0  }
0x8c: {  	[tilespmem:$0x104F0] =	vst v1;
	s20 =	sshrl.u32 s20, $0x2  }
0x8d: {  	[tilespmem:$0x10170] =	vst v0;
	s21 =	smul.u32 $0x18, s20  }
0x8e: {  	[tilespmem:$0x10570] =	vst v1  }
0x8f: {  	[tilespmem:$0x101F0] =	vst v0;
	s21 =	ssub.s32 s19, s21  }
0x90: {  	[tilespmem:$0x105F0] =	vst v1;
	s22 =	sshll.u32 s21, $0xB  }
0x91: {  	[tilespmem:$0x10270] =	vst v0;
	s23 =	sadd.s32 s6, s20;
	s20 =	sand.u32 $0x1800, s22  }
0x92: {  	[tilespmem:$0x10670] =	vst v1;
	s28 =	smul.u32 $0x600000, s23;
	s29 =	sshrl.u32 s20, $0x3  }
0x93: {  	[tilespmem:$0x102F0] =	vst v0;
	s23 =	smul.u32 $0x1800, s29  }
0x94: {  	[tilespmem:$0x106F0] =	vst v1;
	s21 =	sshll.u32 s21, $0x8  }
0x95: {  	[tilespmem:$0x10370] =	vst v0;
	s24 =	sand.u32 $0x1C00, s21;
	s30 =	sadd.s32 s28, s23  }
0x96: {  	[tilespmem:$0x10770] =	vst v1;
	s21 =	sor.u32 s24, s30  }
0x97: {  	[tilespmem:$0x103F0] =	vst v0;
	s21 =	sshrl.u32 s21, $0x3  }
0x98: {  	[tilespmem:$0x107F0] =	vst v1;
	s31 =	sadd.s32 s1, s21;
	s21 =	simm.s32 $0x0  }
0x99: {  	[tilespmem:s21], [sflag:$0x1] =	stream.strided.gather [hbm4b:s31+s9], $0x8000, s10, s9, $0x38;
	[tilespmem:$0x14800] =	vst v63  }
0x9a: {  	_ =	swait.ge [sflag:s11], $0x8000  }
0x9b: {  	s22 =	sor.u32 s24, s28;
	[sflag:s11] =	ssyncset.done $0x0  }
0x9c: {  	s23 =	sor.u32 $0x200, s20;
	s24 =	sor.u32 $0x30000, s22;
	[sflag:s11] =	ssyncadd.s32 $0xFFFF8000  }
.LBB2_3:
0x9d: {  	s25 =	sshll.u32 s21, $0x9  }
0x9e: {  	s26 =	sor.u32 s25, s20  }
0x9f: {  	s26 =	sshrl.u32 s26, $0x3  }
0xa0: {  	s26 =	smul.u32 $0x1800, s26;
	_ =	sdelay $0x1  }
0xa1: {  	s26 =	sadd.s32 s24, s26  }
0xa2: {  	s26 =	sshrl.u32 s26, $0x3  }
0xa3: {  	s26 =	sadd.s32 s1, s26  }
0xa4: {  	[tilespmem:s12], [sflag:$0x2] =	stream.strided.gather [hbm4b:s26+s9], $0x8000, s10, s9, $0x38;
	[tilespmem:$0x14800] =	vst v63  }
0xa5: {  	s28 =	simm.s32 $0x0;
	s26 =	simm.s32 $0x200  }
.LBB2_4:
0xa6: {  	s29 =	sshll.u32 s28, $0x4  }
0xa7: {  	v3 =	vmov s26;
	v17 =	vld [tilespmem:s29+$0x10000]  }
0xa8: {  	v14 =	vld [tilespmem:s29+$0x10080]  }
0xa9: {  	v15 =	vld [tilespmem:s29+$0x10100]  }
0xaa: {  	v13 =	vld [tilespmem:s29+$0x10180]  }
0xab: {  	s30 =	simm.s32 $0x0;
	v16 =	vld [tilespmem:s29+$0x10200]  }
0xac: {  	v5 =	vld.idx.msk [tilespmem:v3+s30+$0xFFFFFE00 ss:$0x1], $0xffff  }
0xad: {  	v6 =	vld.idx.msk [tilespmem:v3+s30+$0xFFFFFE80 ss:$0x1], $0xffff  }
0xae: {  	v8 =	vld.idx.msk [tilespmem:v3+s30+$0xFFFFFF00 ss:$0x1], $0xffff  }
0xaf: {  	v9 =	vld.idx.msk [tilespmem:v3+s30+$0xFFFFFF80 ss:$0x1], $0xffff  }
0xb0: {  	v10 =	vld.idx.msk [tilespmem:v3+s30+$0x0 ss:$0x1], $0xffff  }
0xb1: {  	v11 =	vld.idx.msk [tilespmem:v3+s30+$0x80 ss:$0x1], $0xffff  }
0xb2: {  	v12 =	vld.idx.msk [tilespmem:v3+s30+$0x100 ss:$0x1], $0xffff  }
0xb3: {  	v19 =	vld.idx.msk [tilespmem:v3+s30+$0x180 ss:$0x1], $0xffff  }
0xb4: {  	v18 =	vld [tilespmem:s29+$0x10280]  }
0xb5: {  	v4 =	vld [tilespmem:s29+$0x10300]  }
0xb6: {  	v20 =	vld [tilespmem:s29+$0x10380];
	v21 =	vmin.f32 v5, v6;
	v6 =	vmax.f32 v5, v6  }
0xb7: {  	v7 =	vld [tilespmem:s29+$0x10400];
	v22 =	vmin.f32 v8, v9;
	v23 =	vmax.f32 v8, v9;
	v24 =	vmin.f32 v10, v11  }
0xb8: {  	v8 =	vld [tilespmem:s29+$0x10480];
	v10 =	vmax.f32 v10, v11;
	v11 =	vmin.f32 v12, v19;
	v12 =	vmax.f32 v12, v19  }
0xb9: {  	v5 =	vld [tilespmem:s29+$0x10500];
	v25 =	vmin.f32 v21, v22;
	v26 =	vmax.f32 v6, v23;
	v27 =	vmin.f32 v24, v11  }
0xba: {  	v9 =	vld [tilespmem:s29+$0x10580];
	v28 =	vmax.f32 v21, v22;
	v29 =	vmin.f32 v6, v23;
	v30 =	vmax.f32 v10, v12  }
0xbb: {  	v6 =	vld [tilespmem:s29+$0x10600];
	v24 =	vmax.f32 v24, v11;
	v12 =	vmin.f32 v10, v12;
	v19 =	vmin.f32 v25, v27  }
0xbc: {  	v10 =	vld [tilespmem:s29+$0x10680];
	v23 =	vmin.f32 v29, v28;
	v22 =	vmax.f32 v25, v27;
	v21 =	vmax.f32 v26, v30  }
0xbd: {  	v11 =	vld [tilespmem:s29+$0x10700];
	v25 =	vmax.f32 v29, v28;
	v27 =	vmin.f32 v12, v24;
	v28 =	vmax.f32 v12, v24  }
0xbe: {  	s30 =	simm.s32 $0x1000;
	v12 =	vld [tilespmem:s29+$0x10780];
	v26 =	vmin.f32 v26, v30;
	v24 =	vmin.f32 v23, v27;
	v29 =	vmin.f32 v25, v28  }
.LBB2_5:
0xbf: {  	p0 =	sne.s32 s30, $0x1F000;
	v23 =	vmax.f32 v23, v27;
	v25 =	vmax.f32 v25, v28;
	v27 =	vmin.f32 v29, v22  }
0xc0: {  	v22 =	vmax.f32 v29, v22;
	v28 =	vmin.f32 v26, v23;
	v23 =	vmax.f32 v26, v23  }
0xc1: {  	v26 =	vmin.f32 v24, v27;
	v24 =	vmax.f32 v24, v27;
	v27 =	vmin.f32 v28, v22  }
0xc2: {  	v22 =	vmax.f32 v28, v22;
	v28 =	vmin.f32 v23, v25;
	v23 =	vmax.f32 v23, v25  }
0xc3: {  	v17 =	vmax.f32 v17, v19;
	v20 =	vmax.f32 v20, v21;
	v14 =	vmax.f32 v14, v26  }
0xc4: {  	v15 =	vmax.f32 v15, v24;
	v13 =	vmax.f32 v13, v27;
	v16 =	vmax.f32 v16, v22  }
0xc5: {  	v18 =	vmax.f32 v18, v28;
	v4 =	vmax.f32 v4, v23;
	v25 =	vmin.f32 v17, v16  }
0xc6: {  	v29 =	vmin.f32 v14, v18;
	v30 =	vmin.f32 v15, v4;
	v31 =	vmin.f32 v13, v20  }
0xc7: {  	v16 =	vmax.f32 v17, v16;
	v32 =	vmin.f32 v25, v30;
	v33 =	vmin.f32 v29, v31  }
0xc8: {  	v14 =	vmax.f32 v14, v18;
	v15 =	vmax.f32 v15, v4;
	v4 =	vmax.f32 v32, v33  }
0xc9: {  	v7 =	vmin.f32 v7, v21;
	v8 =	vmin.f32 v8, v23;
	v17 =	vmin.f32 v12, v19  }
0xca: {  	v5 =	vmin.f32 v5, v28;
	v9 =	vmin.f32 v9, v22;
	v6 =	vmin.f32 v6, v27  }
0xcb: {  	v10 =	vmin.f32 v10, v24;
	v11 =	vmin.f32 v11, v26;
	v18 =	vmax.f32 v7, v6  }
0xcc: {  	s31 =	sshra.s32 s30, $0x2;
	v19 =	vmax.f32 v8, v10;
	v21 =	vmax.f32 v5, v11;
	v22 =	vmax.f32 v9, v17  }
0xcd: {  	v6 =	vmin.f32 v7, v6;
	v24 =	vmax.f32 v18, v21;
	v26 =	vmax.f32 v19, v22;
	v23 =	vld.idx.msk [tilespmem:v3+s31+$0xFFFFFE00 ss:$0x1], $0xffff  }
0xce: {  	v7 =	vmin.f32 v8, v10;
	v5 =	vmin.f32 v5, v11;
	v12 =	vmax.f32 v24, v26;
	v27 =	vld.idx.msk [tilespmem:v3+s31+$0xFFFFFE80 ss:$0x1], $0xffff  }
0xcf: {  	v8 =	vmin.f32 v9, v17;
	v9 =	vmin.f32 v6, v5;
	v6 =	vmax.f32 v6, v5;
	v28 =	vld.idx.msk [tilespmem:v3+s31+$0xFFFFFF00 ss:$0x1], $0xffff  }
0xd0: {  	v11 =	vmin.f32 v18, v21;
	v5 =	vmin.f32 v7, v8;
	v10 =	vmax.f32 v7, v8;
	v34 =	vld.idx.msk [tilespmem:v3+s31+$0xFFFFFF80 ss:$0x1], $0xffff  }
0xd1: {  	v17 =	vmin.f32 v19, v22;
	v7 =	vmin.f32 v9, v5;
	v8 =	vmax.f32 v9, v5;
	v21 =	vld.idx.msk [tilespmem:v3+s31+$0x0 ss:$0x1], $0xffff  }
0xd2: {  	v5 =	vmin.f32 v6, v10;
	v9 =	vmax.f32 v6, v10;
	v6 =	vmin.f32 v11, v17;
	v19 =	vld.idx.msk [tilespmem:v3+s31+$0x80 ss:$0x1], $0xffff  }
0xd3: {  	v13 =	vmax.f32 v13, v20;
	v10 =	vmax.f32 v11, v17;
	v11 =	vmin.f32 v24, v26;
	v22 =	vld.idx.msk [tilespmem:v3+s31+$0x100 ss:$0x1], $0xffff  }
0xd4: {  	v18 =	vmin.f32 v16, v15;
	v15 =	vmax.f32 v16, v15;
	v16 =	vmin.f32 v14, v13;
	v24 =	vld.idx.msk [tilespmem:v3+s31+$0x180 ss:$0x1], $0xffff  }
0xd5: {  	v13 =	vmax.f32 v14, v13;
	v20 =	vmax.f32 v25, v30;
	v25 =	vmax.f32 v29, v31  }
0xd6: {  	v14 =	vmin.f32 v15, v13;
	v17 =	vmax.f32 v15, v13;
	v13 =	vmin.f32 v18, v16  }
0xd7: {  	v15 =	vmax.f32 v18, v16;
	v18 =	vmin.f32 v20, v25;
	v16 =	vmax.f32 v20, v25  }
0xd8: {  	v20 =	vmin.f32 v32, v33;
	v25 =	vmin.f32 v23, v27;
	v23 =	vmax.f32 v23, v27  }
0xd9: {  	v26 =	vmin.f32 v28, v34;
	v27 =	vmax.f32 v28, v34;
	v28 =	vmin.f32 v21, v19  }
0xda: {  	v19 =	vmax.f32 v21, v19;
	v21 =	vmin.f32 v22, v24;
	v22 =	vmax.f32 v22, v24  }
0xdb: {  	v30 =	vmax.f32 v23, v27;
	v24 =	vmin.f32 v25, v26;
	v29 =	vmin.f32 v28, v21  }
.Ltmp2:
0xdc: {  	v25 =	vmax.f32 v25, v26;
	v26 =	vmin.f32 v23, v27;
	v31 =	vmax.f32 v19, v22;
	(pc) =	sbr.rel @p0 .LBB2_5-.Ltmp2, $4  }
0xdd: {  	v28 =	vmax.f32 v28, v21;
	v32 =	vmin.f32 v19, v22;
	v19 =	vmin.f32 v24, v29  }
0xde: {  	v23 =	vmin.f32 v26, v25;
	v22 =	vmax.f32 v24, v29;
	v21 =	vmax.f32 v30, v31  }
0xdf: {  	v25 =	vmax.f32 v26, v25;
	v27 =	vmin.f32 v32, v28;
	v28 =	vmax.f32 v32, v28  }
0xe0: {  	s30 =	sadd.s32 $0x1000, s30;
	v26 =	vmin.f32 v30, v31;
	v24 =	vmin.f32 v23, v27;
	v29 =	vmin.f32 v25, v28  }
0xe1: {  	v3 =	vmax.f32 v23, v27  }
0xe2: {  	v58 =	vmax.f32 v25, v28;
	v59 =	vmin.f32 v29, v22;
	v60 =	vmax.f32 v29, v22  }
0xe3: {  	v17 =	vmax.f32 v17, v19;
	v20 =	vmax.f32 v20, v21;
	v7 =	vmin.f32 v7, v21  }
0xe4: {  	v40 =	vmin.f32 v12, v19;
	v27 =	vmin.f32 v26, v3;
	v3 =	vmax.f32 v26, v3  }
0xe5: {  	v61 =	vmin.f32 v24, v59;
	v62 =	vmax.f32 v24, v59;
	v63 =	vmin.f32 v27, v60  }
0xe6: {  	v22 =	vmax.f32 v27, v60;
	v33 =	vmin.f32 v3, v58;
	v3 =	vmax.f32 v3, v58  }
0xe7: {  	v14 =	vmax.f32 v14, v61;
	v15 =	vmax.f32 v15, v62;
	v10 =	vmin.f32 v10, v62  }
0xe8: {  	v13 =	vmax.f32 v13, v63;
	v16 =	vmax.f32 v16, v22;
	v18 =	vmax.f32 v18, v33  }
0xe9: {  	v4 =	vmax.f32 v4, v3;
	v34 =	vmin.f32 v17, v16;
	v35 =	vmin.f32 v14, v18  }
0xea: {  	v36 =	vmin.f32 v15, v4;
	v30 =	vmin.f32 v13, v20;
	v16 =	vmax.f32 v17, v16  }
0xeb: {  	v14 =	vmax.f32 v14, v18;
	v4 =	vmax.f32 v15, v4;
	v13 =	vmax.f32 v13, v20  }
0xec: {  	v47 =	vmin.f32 v11, v61;
	v39 =	vmax.f32 v16, v4;
	v20 =	vmax.f32 v14, v13  }
0xed: {  	v3 =	vmin.f32 v8, v3;
	v5 =	vmin.f32 v5, v33;
	v41 =	vmax.f32 v39, v20  }
0xee: {  	v4 =	vmin.f32 v16, v4;
	v13 =	vmin.f32 v14, v13;
	v42 =	vmin.f32 v39, v20;
	[tilespmem:s29+$0x10000] =	vst v41  }
0xef: {  	v9 =	vmin.f32 v9, v22;
	v6 =	vmin.f32 v6, v63;
	v43 =	vmax.f32 v4, v13;
	[tilespmem:s29+$0x10080] =	vst v42  }
0xf0: {  	v44 =	vmax.f32 v34, v36;
	v45 =	vmax.f32 v35, v30;
	v4 =	vmin.f32 v4, v13;
	[tilespmem:s29+$0x10100] =	vst v43  }
0xf1: {  	v48 =	vmin.f32 v7, v6;
	v50 =	vmin.f32 v3, v10;
	v46 =	vmax.f32 v44, v45;
	[tilespmem:s29+$0x10180] =	vst v4  }
0xf2: {  	v37 =	vmin.f32 v34, v36;
	v31 =	vmin.f32 v35, v30;
	v49 =	vmin.f32 v44, v45;
	[tilespmem:s29+$0x10200] =	vst v46  }
0xf3: {  	v51 =	vmin.f32 v5, v47;
	v52 =	vmin.f32 v9, v40;
	v38 =	vmax.f32 v37, v31;
	[tilespmem:s29+$0x10280] =	vst v49  }
0xf4: {  	v53 =	vmin.f32 v48, v51;
	v54 =	vmin.f32 v50, v52;
	v17 =	vmin.f32 v37, v31;
	[tilespmem:s29+$0x10300] =	vst v38  }
0xf5: {  	v6 =	vmax.f32 v7, v6;
	v3 =	vmax.f32 v3, v10;
	v55 =	vmin.f32 v53, v54;
	[tilespmem:s29+$0x10380] =	vst v17  }
0xf6: {  	v56 =	vmax.f32 v48, v51;
	v57 =	vmax.f32 v50, v52;
	v58 =	vmax.f32 v53, v54;
	[tilespmem:s29+$0x10400] =	vst v55  }
0xf7: {  	s28 =	sadd.s32 $0x1, s28;
	v59 =	vmax.f32 v9, v40;
	v60 =	vmin.f32 v56, v57;
	v4 =	vmax.f32 v5, v47;
	[tilespmem:s29+$0x10480] =	vst v58  }
0xf8: {  	p0 =	sne.s32 s28, $0x8;
	v9 =	vmin.f32 v3, v59;
	v10 =	vmax.f32 v56, v57;
	[tilespmem:s29+$0x10500] =	vst v60;
	v61 =	vmin.f32 v6, v4  }
.Ltmp3:
0xf9: {  	[tilespmem:s29+$0x10580] =	vst v10;
	v62 =	vmin.f32 v61, v9;
	(pc) =	sbr.rel @p0 .LBB2_4-.Ltmp3, $4  }
0xfa: {  	v3 =	vmax.f32 v3, v59;
	v4 =	vmax.f32 v6, v4;
	v63 =	vmax.f32 v61, v9;
	[tilespmem:s29+$0x10600] =	vst v62  }
0xfb: {  	v6 =	vmin.f32 v4, v3;
	[tilespmem:s29+$0x10680] =	vst v63  }
0xfc: {  	v3 =	vmax.f32 v4, v3;
	[tilespmem:s29+$0x10700] =	vst v6  }
0xfd: {  	s26 =	sadd.s32 $0x10, s26;
	[tilespmem:s29+$0x10780] =	vst v3  }
0xfe: {  	p0 =	seq.s32 s21, $0x3  }
0xff: {  	s25 =	sadd.s32 @!p0 s25, s23  }
0x100: {  	s25 =	sshrl.u32 @!p0 s25, $0x3  }
0x101: {  	s25 =	smul.u32 @!p0 $0x1800, s25  }
0x102: {  	_ =	swait.ge [sflag:s13], $0x8000  }
0x103: {  	[sflag:s13] =	ssyncset.done $0x0;
	s25 =	sadd.s32 @!p0 s22, s25  }
0x104: {  	s26 =	simm.s32 @!p0 $0x400;
	s28 =	simm.s32 @!p0 $0x1800;
	s25 =	sshrl.u32 @!p0 s25, $0x3  }
0x105: {  	s29 =	simm.s32 @!p0 $0x0;
	[sflag:s13] =	ssyncadd.s32 $0xFFFF8000;
	s25 =	sadd.s32 @!p0 s1, s25  }
0x106: {  	[tilespmem:s29], [sflag:$0x1] =	stream.strided.gather @!p0 [hbm4b:s25+s26], $0x8000, s28, s26, $0x38;
	[tilespmem:$0x14800] =	vst v63  }
0x107: {  	s25 =	simm.s32 $0x0;
	s26 =	simm.s32 $0x8200  }
.LBB2_8:
0x108: {  	s28 =	sshll.u32 s25, $0x4  }
0x109: {  	v3 =	vmov s26;
	v17 =	vld [tilespmem:s28+$0x10000]  }
0x10a: {  	v14 =	vld [tilespmem:s28+$0x10080]  }
0x10b: {  	v15 =	vld [tilespmem:s28+$0x10100]  }
0x10c: {  	v13 =	vld [tilespmem:s28+$0x10180]  }
0x10d: {  	s29 =	simm.s32 $0x0;
	v16 =	vld [tilespmem:s28+$0x10200]  }
0x10e: {  	v5 =	vld.idx.msk [tilespmem:v3+s29+$0xFFFFFE00 ss:$0x1], $0xffff  }
0x10f: {  	v6 =	vld.idx.msk [tilespmem:v3+s29+$0xFFFFFE80 ss:$0x1], $0xffff  }
0x110: {  	v8 =	vld.idx.msk [tilespmem:v3+s29+$0xFFFFFF00 ss:$0x1], $0xffff  }
0x111: {  	v9 =	vld.idx.msk [tilespmem:v3+s29+$0xFFFFFF80 ss:$0x1], $0xffff  }
0x112: {  	v10 =	vld.idx.msk [tilespmem:v3+s29+$0x0 ss:$0x1], $0xffff  }
0x113: {  	v11 =	vld.idx.msk [tilespmem:v3+s29+$0x80 ss:$0x1], $0xffff  }
0x114: {  	v12 =	vld.idx.msk [tilespmem:v3+s29+$0x100 ss:$0x1], $0xffff  }
0x115: {  	v19 =	vld.idx.msk [tilespmem:v3+s29+$0x180 ss:$0x1], $0xffff  }
0x116: {  	v18 =	vld [tilespmem:s28+$0x10280]  }
0x117: {  	v4 =	vld [tilespmem:s28+$0x10300]  }
0x118: {  	v20 =	vld [tilespmem:s28+$0x10380];
	v21 =	vmin.f32 v5, v6;
	v6 =	vmax.f32 v5, v6  }
0x119: {  	v7 =	vld [tilespmem:s28+$0x10400];
	v22 =	vmin.f32 v8, v9;
	v23 =	vmax.f32 v8, v9;
	v24 =	vmin.f32 v10, v11  }
0x11a: {  	v8 =	vld [tilespmem:s28+$0x10480];
	v10 =	vmax.f32 v10, v11;
	v11 =	vmin.f32 v12, v19;
	v12 =	vmax.f32 v12, v19  }
0x11b: {  	v5 =	vld [tilespmem:s28+$0x10500];
	v25 =	vmin.f32 v21, v22;
	v26 =	vmax.f32 v6, v23;
	v27 =	vmin.f32 v24, v11  }
0x11c: {  	v9 =	vld [tilespmem:s28+$0x10580];
	v28 =	vmax.f32 v21, v22;
	v29 =	vmin.f32 v6, v23;
	v30 =	vmax.f32 v10, v12  }
0x11d: {  	v6 =	vld [tilespmem:s28+$0x10600];
	v24 =	vmax.f32 v24, v11;
	v12 =	vmin.f32 v10, v12;
	v19 =	vmin.f32 v25, v27  }
0x11e: {  	v10 =	vld [tilespmem:s28+$0x10680];
	v23 =	vmin.f32 v29, v28;
	v22 =	vmax.f32 v25, v27;
	v21 =	vmax.f32 v26, v30  }
0x11f: {  	v11 =	vld [tilespmem:s28+$0x10700];
	v25 =	vmax.f32 v29, v28;
	v27 =	vmin.f32 v12, v24;
	v28 =	vmax.f32 v12, v24  }
0x120: {  	s29 =	simm.s32 $0x1000;
	v12 =	vld [tilespmem:s28+$0x10780];
	v26 =	vmin.f32 v26, v30;
	v24 =	vmin.f32 v23, v27;
	v29 =	vmin.f32 v25, v28  }
.LBB2_9:
0x121: {  	p1 =	sne.s32 s29, $0x1F000;
	v23 =	vmax.f32 v23, v27;
	v25 =	vmax.f32 v25, v28;
	v27 =	vmin.f32 v29, v22  }
0x122: {  	v22 =	vmax.f32 v29, v22;
	v28 =	vmin.f32 v26, v23;
	v23 =	vmax.f32 v26, v23  }
0x123: {  	v26 =	vmin.f32 v24, v27;
	v24 =	vmax.f32 v24, v27;
	v27 =	vmin.f32 v28, v22  }
0x124: {  	v22 =	vmax.f32 v28, v22;
	v28 =	vmin.f32 v23, v25;
	v23 =	vmax.f32 v23, v25  }
0x125: {  	v17 =	vmax.f32 v17, v19;
	v20 =	vmax.f32 v20, v21;
	v14 =	vmax.f32 v14, v26  }
0x126: {  	v15 =	vmax.f32 v15, v24;
	v13 =	vmax.f32 v13, v27;
	v16 =	vmax.f32 v16, v22  }
0x127: {  	v18 =	vmax.f32 v18, v28;
	v4 =	vmax.f32 v4, v23;
	v25 =	vmin.f32 v17, v16  }
0x128: {  	v29 =	vmin.f32 v14, v18;
	v30 =	vmin.f32 v15, v4;
	v31 =	vmin.f32 v13, v20  }
0x129: {  	v16 =	vmax.f32 v17, v16;
	v32 =	vmin.f32 v25, v30;
	v33 =	vmin.f32 v29, v31  }
0x12a: {  	v14 =	vmax.f32 v14, v18;
	v15 =	vmax.f32 v15, v4;
	v4 =	vmax.f32 v32, v33  }
0x12b: {  	v7 =	vmin.f32 v7, v21;
	v8 =	vmin.f32 v8, v23;
	v17 =	vmin.f32 v12, v19  }
0x12c: {  	v5 =	vmin.f32 v5, v28;
	v9 =	vmin.f32 v9, v22;
	v6 =	vmin.f32 v6, v27  }
0x12d: {  	v10 =	vmin.f32 v10, v24;
	v11 =	vmin.f32 v11, v26;
	v18 =	vmax.f32 v7, v6  }
0x12e: {  	s30 =	sshra.s32 s29, $0x2;
	v19 =	vmax.f32 v8, v10;
	v21 =	vmax.f32 v5, v11;
	v22 =	vmax.f32 v9, v17  }
0x12f: {  	v6 =	vmin.f32 v7, v6;
	v24 =	vmax.f32 v18, v21;
	v26 =	vmax.f32 v19, v22;
	v23 =	vld.idx.msk [tilespmem:v3+s30+$0xFFFFFE00 ss:$0x1], $0xffff  }
0x130: {  	v7 =	vmin.f32 v8, v10;
	v5 =	vmin.f32 v5, v11;
	v12 =	vmax.f32 v24, v26;
	v27 =	vld.idx.msk [tilespmem:v3+s30+$0xFFFFFE80 ss:$0x1], $0xffff  }
0x131: {  	v8 =	vmin.f32 v9, v17;
	v9 =	vmin.f32 v6, v5;
	v6 =	vmax.f32 v6, v5;
	v28 =	vld.idx.msk [tilespmem:v3+s30+$0xFFFFFF00 ss:$0x1], $0xffff  }
0x132: {  	v11 =	vmin.f32 v18, v21;
	v5 =	vmin.f32 v7, v8;
	v10 =	vmax.f32 v7, v8;
	v34 =	vld.idx.msk [tilespmem:v3+s30+$0xFFFFFF80 ss:$0x1], $0xffff  }
0x133: {  	v17 =	vmin.f32 v19, v22;
	v7 =	vmin.f32 v9, v5;
	v8 =	vmax.f32 v9, v5;
	v21 =	vld.idx.msk [tilespmem:v3+s30+$0x0 ss:$0x1], $0xffff  }
0x134: {  	v5 =	vmin.f32 v6, v10;
	v9 =	vmax.f32 v6, v10;
	v6 =	vmin.f32 v11, v17;
	v19 =	vld.idx.msk [tilespmem:v3+s30+$0x80 ss:$0x1], $0xffff  }
0x135: {  	v13 =	vmax.f32 v13, v20;
	v10 =	vmax.f32 v11, v17;
	v11 =	vmin.f32 v24, v26;
	v22 =	vld.idx.msk [tilespmem:v3+s30+$0x100 ss:$0x1], $0xffff  }
0x136: {  	v18 =	vmin.f32 v16, v15;
	v15 =	vmax.f32 v16, v15;
	v16 =	vmin.f32 v14, v13;
	v24 =	vld.idx.msk [tilespmem:v3+s30+$0x180 ss:$0x1], $0xffff  }
0x137: {  	v13 =	vmax.f32 v14, v13;
	v20 =	vmax.f32 v25, v30;
	v25 =	vmax.f32 v29, v31  }
0x138: {  	v14 =	vmin.f32 v15, v13;
	v17 =	vmax.f32 v15, v13;
	v13 =	vmin.f32 v18, v16  }
0x139: {  	v15 =	vmax.f32 v18, v16;
	v18 =	vmin.f32 v20, v25;
	v16 =	vmax.f32 v20, v25  }
0x13a: {  	v20 =	vmin.f32 v32, v33;
	v25 =	vmin.f32 v23, v27;
	v23 =	vmax.f32 v23, v27  }
0x13b: {  	v26 =	vmin.f32 v28, v34;
	v27 =	vmax.f32 v28, v34;
	v28 =	vmin.f32 v21, v19  }
0x13c: {  	v19 =	vmax.f32 v21, v19;
	v21 =	vmin.f32 v22, v24;
	v22 =	vmax.f32 v22, v24  }
0x13d: {  	v30 =	vmax.f32 v23, v27;
	v24 =	vmin.f32 v25, v26;
	v29 =	vmin.f32 v28, v21  }
.Ltmp4:
0x13e: {  	v25 =	vmax.f32 v25, v26;
	v26 =	vmin.f32 v23, v27;
	v31 =	vmax.f32 v19, v22;
	(pc) =	sbr.rel @p1 .LBB2_9-.Ltmp4, $4  }
0x13f: {  	v28 =	vmax.f32 v28, v21;
	v32 =	vmin.f32 v19, v22;
	v19 =	vmin.f32 v24, v29  }
0x140: {  	v23 =	vmin.f32 v26, v25;
	v22 =	vmax.f32 v24, v29;
	v21 =	vmax.f32 v30, v31  }
0x141: {  	v25 =	vmax.f32 v26, v25;
	v27 =	vmin.f32 v32, v28;
	v28 =	vmax.f32 v32, v28  }
0x142: {  	s29 =	sadd.s32 $0x1000, s29;
	v26 =	vmin.f32 v30, v31;
	v24 =	vmin.f32 v23, v27;
	v29 =	vmin.f32 v25, v28  }
0x143: {  	v3 =	vmax.f32 v23, v27  }
0x144: {  	v58 =	vmax.f32 v25, v28;
	v59 =	vmin.f32 v29, v22;
	v60 =	vmax.f32 v29, v22  }
0x145: {  	v17 =	vmax.f32 v17, v19;
	v20 =	vmax.f32 v20, v21;
	v7 =	vmin.f32 v7, v21  }
0x146: {  	v40 =	vmin.f32 v12, v19;
	v27 =	vmin.f32 v26, v3;
	v3 =	vmax.f32 v26, v3  }
0x147: {  	v61 =	vmin.f32 v24, v59;
	v62 =	vmax.f32 v24, v59;
	v63 =	vmin.f32 v27, v60  }
0x148: {  	v22 =	vmax.f32 v27, v60;
	v33 =	vmin.f32 v3, v58;
	v3 =	vmax.f32 v3, v58  }
0x149: {  	v14 =	vmax.f32 v14, v61;
	v15 =	vmax.f32 v15, v62;
	v10 =	vmin.f32 v10, v62  }
0x14a: {  	v13 =	vmax.f32 v13, v63;
	v16 =	vmax.f32 v16, v22;
	v18 =	vmax.f32 v18, v33  }
0x14b: {  	v4 =	vmax.f32 v4, v3;
	v34 =	vmin.f32 v17, v16;
	v35 =	vmin.f32 v14, v18  }
0x14c: {  	v36 =	vmin.f32 v15, v4;
	v30 =	vmin.f32 v13, v20;
	v16 =	vmax.f32 v17, v16  }
0x14d: {  	v14 =	vmax.f32 v14, v18;
	v4 =	vmax.f32 v15, v4;
	v13 =	vmax.f32 v13, v20  }
0x14e: {  	v47 =	vmin.f32 v11, v61;
	v39 =	vmax.f32 v16, v4;
	v20 =	vmax.f32 v14, v13  }
0x14f: {  	v3 =	vmin.f32 v8, v3;
	v5 =	vmin.f32 v5, v33;
	v41 =	vmax.f32 v39, v20  }
0x150: {  	v4 =	vmin.f32 v16, v4;
	v13 =	vmin.f32 v14, v13;
	v42 =	vmin.f32 v39, v20;
	[tilespmem:s28+$0x10000] =	vst v41  }
0x151: {  	v9 =	vmin.f32 v9, v22;
	v6 =	vmin.f32 v6, v63;
	v43 =	vmax.f32 v4, v13;
	[tilespmem:s28+$0x10080] =	vst v42  }
0x152: {  	v44 =	vmax.f32 v34, v36;
	v45 =	vmax.f32 v35, v30;
	v4 =	vmin.f32 v4, v13;
	[tilespmem:s28+$0x10100] =	vst v43  }
0x153: {  	v48 =	vmin.f32 v7, v6;
	v50 =	vmin.f32 v3, v10;
	v46 =	vmax.f32 v44, v45;
	[tilespmem:s28+$0x10180] =	vst v4  }
0x154: {  	v37 =	vmin.f32 v34, v36;
	v31 =	vmin.f32 v35, v30;
	v49 =	vmin.f32 v44, v45;
	[tilespmem:s28+$0x10200] =	vst v46  }
0x155: {  	v51 =	vmin.f32 v5, v47;
	v52 =	vmin.f32 v9, v40;
	v38 =	vmax.f32 v37, v31;
	[tilespmem:s28+$0x10280] =	vst v49  }
0x156: {  	v53 =	vmin.f32 v48, v51;
	v54 =	vmin.f32 v50, v52;
	v17 =	vmin.f32 v37, v31;
	[tilespmem:s28+$0x10300] =	vst v38  }
0x157: {  	v6 =	vmax.f32 v7, v6;
	v3 =	vmax.f32 v3, v10;
	v55 =	vmin.f32 v53, v54;
	[tilespmem:s28+$0x10380] =	vst v17  }
0x158: {  	v56 =	vmax.f32 v48, v51;
	v57 =	vmax.f32 v50, v52;
	v58 =	vmax.f32 v53, v54;
	[tilespmem:s28+$0x10400] =	vst v55  }
0x159: {  	s25 =	sadd.s32 $0x1, s25;
	v59 =	vmax.f32 v9, v40;
	v60 =	vmin.f32 v56, v57;
	v4 =	vmax.f32 v5, v47;
	[tilespmem:s28+$0x10480] =	vst v58  }
0x15a: {  	p1 =	sne.s32 s25, $0x8;
	v9 =	vmin.f32 v3, v59;
	v10 =	vmax.f32 v56, v57;
	[tilespmem:s28+$0x10500] =	vst v60;
	v61 =	vmin.f32 v6, v4  }
.Ltmp5:
0x15b: {  	[tilespmem:s28+$0x10580] =	vst v10;
	v62 =	vmin.f32 v61, v9;
	(pc) =	sbr.rel @p1 .LBB2_8-.Ltmp5, $4  }
0x15c: {  	v3 =	vmax.f32 v3, v59;
	v4 =	vmax.f32 v6, v4;
	v63 =	vmax.f32 v61, v9;
	[tilespmem:s28+$0x10600] =	vst v62  }
0x15d: {  	v6 =	vmin.f32 v4, v3;
	[tilespmem:s28+$0x10680] =	vst v63  }
0x15e: {  	v3 =	vmax.f32 v4, v3;
	[tilespmem:s28+$0x10700] =	vst v6  }
0x15f: {  	s26 =	sadd.s32 $0x10, s26;
	[tilespmem:s28+$0x10780] =	vst v3  }
.Ltmp6:
0x160: {  	(pc) =	sbr.rel @p0 .LBB2_13-.Ltmp6, $1  }
0x161: {  	_ =	sdelay $0x3  }
.Ltmp7:
0x162: {  	(pc) =	sbr.rel .LBB2_3-.Ltmp7, $4  }
0x163: {  	_ = 	snop  }
0x164: {  	_ =	swait.ge [sflag:s11], $0x8000  }
0x165: {  	[sflag:s11] =	ssyncset.done $0x0  }
0x166: {  	s21 =	sadd.s32 $0x1, s21;
	[sflag:s11] =	ssyncadd.s32 $0xFFFF8000  }
.LBB2_14:
0x167: {  	[bflag:$0x0] =	sbarrier.arrive $0xFFFF  }
0x168: {  	s18 =	simm.s32 $0x0;
	s19 =	stileid.u32;
	s20 =	smov.u32 s8  }
.LBB2_15:
0x169: {  	s21 =	smulhi.u32 $0xAAAAAAAB, s19;
	_ =	sdelay $0x1  }
0x16a: {  	s21 =	sshrl.u32 s21, $0x5  }
0x16b: {  	s21 =	smul.u32 $0x30, s21;
	_ =	sdelay $0x1  }
0x16c: {  	s22 =	rddreg [dreg:$0x4];
	p0 =	sgt.u32 s18, $0x2;
	s21 =	ssub.s32 s19, s21  }
0x16d: {  	s22 =	simm.s32 @!p0 $0x0;
	s21 =	sshrl.u32 s21, $0x3  }
0x16e: {  	s22 =	sadd.s32 s22, s2;
	s24 =	sshll.u32 s21, $0xD  }
0x16f: {  	s23 =	rddreg [dreg:$0x5];
	s22 =	sadd.s32 s24, s22  }
0x170: {  	[tilespmem:s23], [sflag:$0x3] =	stream.linear.gather [spmem:s22], $0x800, $0x38;
	[tilespmem:$0x14800] =	vst v63  }
0x171: {  	_ =	swait.ge [sflag:s15], $0x800  }
0x172: {  	[sflag:s15] =	ssyncset.done $0x0  }
0x173: {  	s24 =	sadd.s32 $0x800, s22;
	s26 =	rddreg [dreg:$0x6];
	[sflag:s15] =	ssyncadd.s32 $0xFFFFF800  }
0x174: {  	[tilespmem:s26], [sflag:$0x3] =	stream.linear.gather [spmem:s24], $0x800, $0x38;
	[tilespmem:$0x14800] =	vst v63  }
0x175: {  	_ =	swait.ge [sflag:s15], $0x800  }
0x176: {  	[sflag:s15] =	ssyncset.done $0x0  }
0x177: {  	s29 =	sadd.s32 $0x1000, s22;
	s28 =	rddreg [dreg:$0x7];
	[sflag:s15] =	ssyncadd.s32 $0xFFFFF800  }
0x178: {  	[tilespmem:s28], [sflag:$0x3] =	stream.linear.gather [spmem:s29], $0x800, $0x38;
	[tilespmem:$0x14800] =	vst v63  }
0x179: {  	_ =	swait.ge [sflag:s15], $0x800  }
0x17a: {  	[sflag:s15] =	ssyncset.done $0x0  }
0x17b: {  	s22 =	sadd.s32 $0x1800, s22;
	s30 =	rddreg [dreg:$0x8];
	[sflag:s15] =	ssyncadd.s32 $0xFFFFF800  }
0x17c: {  	[tilespmem:s30], [sflag:$0x3] =	stream.linear.gather [spmem:s22], $0x800, $0x38;
	[tilespmem:$0x14800] =	vst v63  }
0x17d: {  	_ =	swait.ge [sflag:s15], $0x800  }
0x17e: {  	[sflag:s15] =	ssyncset.done $0x0  }
0x17f: {  	s31 =	sand.u32 $0x70, s20;
	[sflag:s15] =	ssyncadd.s32 $0xFFFFF800  }
0x180: {  	v3 =	vld [tilespmem:s31+$0x10800]  }
0x181: {  	v4 =	vld [tilespmem:s31+$0x10880]  }
0x182: {  	v5 =	vld [tilespmem:s31+$0x10900]  }
0x183: {  	v6 =	vld [tilespmem:s31+$0x10980]  }
0x184: {  	v7 =	vld [tilespmem:s31+$0x10A00]  }
0x185: {  	v8 =	vld [tilespmem:s31+$0x10A80]  }
0x186: {  	v9 =	vld [tilespmem:s31+$0x10B00]  }
0x187: {  	v10 =	vld [tilespmem:s31+$0x10B80]  }
0x188: {  	v11 =	vld [tilespmem:s31+$0x10C00]  }
0x189: {  	v12 =	vld [tilespmem:s31+$0x10C80]  }
0x18a: {  	v13 =	vld [tilespmem:s31+$0x10D00]  }
0x18b: {  	v15 =	vld [tilespmem:s31+$0x10E00]  }
0x18c: {  	v16 =	vld [tilespmem:s31+$0x10E80]  }
0x18d: {  	v17 =	vld [tilespmem:s31+$0x11080]  }
0x18e: {  	v18 =	vld [tilespmem:s31+$0x11100]  }
0x18f: {  	v19 =	vld [tilespmem:s31+$0x11200]  }
0x190: {  	v20 =	vld [tilespmem:s31+$0x11280]  }
0x191: {  	v21 =	vld [tilespmem:s31+$0x11380]  }
0x192: {  	v22 =	vld [tilespmem:s31+$0x11300]  }
0x193: {  	v23 =	vld [tilespmem:s31+$0x11180]  }
0x194: {  	v24 =	vld [tilespmem:s31+$0x11000]  }
0x195: {  	v25 =	vld [tilespmem:s31+$0x10F00]  }
0x196: {  	v26 =	vld [tilespmem:s31+$0x10F80]  }
0x197: {  	v33 =	vld [tilespmem:s31+$0x11480]  }
0x198: {  	v34 =	vld [tilespmem:s31+$0x11580]  }
0x199: {  	v39 =	vld [tilespmem:s31+$0x11700]  }
0x19a: {  	v44 =	vld [tilespmem:s31+$0x11680]  }
0x19b: {  	v46 =	vld [tilespmem:s31+$0x11500]  }
0x19c: {  	v32 =	vld [tilespmem:s31+$0x11400];
	v3 =	vmax.f32 v3, v21  }
0x19d: {  	v14 =	vld [tilespmem:s31+$0x10D80];
	v4 =	vmax.f32 v4, v22;
	v5 =	vmax.f32 v5, v20;
	v6 =	vmax.f32 v6, v19  }
0x19e: {  	v36 =	vld [tilespmem:s31+$0x11600];
	v7 =	vmax.f32 v7, v23;
	v8 =	vmax.f32 v8, v18;
	v9 =	vmax.f32 v9, v17  }
0x19f: {  	v41 =	vld [tilespmem:s31+$0x11780];
	v10 =	vmax.f32 v10, v24;
	v51 =	vmin.f32 v12, v39;
	v52 =	vmin.f32 v13, v44  }
0x1a0: {  	v53 =	vmin.f32 v15, v34;
	v55 =	vmin.f32 v16, v46;
	v56 =	vmin.f32 v25, v33  }
0x1a1: {  	v57 =	vmin.f32 v26, v32;
	v35 =	vmin.f32 v3, v7;
	v3 =	vmax.f32 v3, v7  }
0x1a2: {  	v37 =	vmin.f32 v4, v8;
	v4 =	vmax.f32 v4, v8;
	v38 =	vmin.f32 v5, v9  }
0x1a3: {  	v5 =	vmax.f32 v5, v9;
	v40 =	vmin.f32 v6, v10;
	v6 =	vmax.f32 v6, v10  }
0x1a4: {  	v10 =	vmin.f32 v11, v41;
	v7 =	vmin.f32 v14, v36;
	v60 =	vmin.f32 v51, v55  }
0x1a5: {  	v11 =	vmax.f32 v51, v55;
	v62 =	vmin.f32 v52, v56;
	v12 =	vmax.f32 v52, v56  }
0x1a6: {  	v42 =	vmin.f32 v3, v5;
	v3 =	vmax.f32 v3, v5;
	v43 =	vmin.f32 v4, v6  }
0x1a7: {  	v54 =	vld [tilespmem:s31+$0x11800];
	v4 =	vmax.f32 v4, v6;
	v45 =	vmin.f32 v35, v38;
	v8 =	vmax.f32 v35, v38  }
0x1a8: {  	v58 =	vld [tilespmem:s31+$0x11900];
	v27 =	vmin.f32 v37, v40;
	v9 =	vmax.f32 v37, v40;
	v59 =	vmin.f32 v10, v53  }
0x1a9: {  	v61 =	vld [tilespmem:s31+$0x11980];
	v10 =	vmax.f32 v10, v53;
	v29 =	vmin.f32 v7, v57;
	v7 =	vmax.f32 v7, v57  }
0x1aa: {  	v63 =	vld [tilespmem:s31+$0x11A80];
	v47 =	vmin.f32 v3, v4;
	v3 =	vmax.f32 v3, v4;
	v48 =	vmin.f32 v42, v43  }
0x1ab: {  	v31 =	vld [tilespmem:s31+$0x11B00];
	v5 =	vmax.f32 v42, v43;
	v49 =	vmin.f32 v8, v9;
	v8 =	vmax.f32 v8, v9  }
0x1ac: {  	v33 =	vld [tilespmem:s31+$0x11B80];
	v50 =	vmin.f32 v45, v27;
	v6 =	vmax.f32 v45, v27;
	v30 =	vmin.f32 v59, v62  }
0x1ad: {  	v44 =	vld [tilespmem:s31+$0x11D00];
	v15 =	vmax.f32 v59, v62;
	v32 =	vmin.f32 v60, v29;
	v13 =	vmax.f32 v60, v29  }
0x1ae: {  	v46 =	vld [tilespmem:s31+$0x11E00];
	v34 =	vmin.f32 v10, v12;
	v10 =	vmax.f32 v10, v12;
	v35 =	vmin.f32 v11, v7  }
0x1af: {  	v36 =	vld [tilespmem:s31+$0x11A00];
	v7 =	vmax.f32 v11, v7;
	v37 =	vmin.f32 v30, v32;
	v17 =	vmax.f32 v30, v32  }
0x1b0: {  	v51 =	vld [tilespmem:s31+$0x11F80];
	v39 =	vmin.f32 v15, v13;
	v13 =	vmax.f32 v15, v13;
	v40 =	vmin.f32 v34, v35  }
0x1b1: {  	v56 =	vld [tilespmem:s31+$0x11D80];
	v12 =	vmax.f32 v34, v35;
	v41 =	vmin.f32 v10, v7;
	v7 =	vmax.f32 v10, v7  }
0x1b2: {  	v38 =	vld [tilespmem:s31+$0x11880];
	v42 =	vmax.f32 v47, v31;
	v5 =	vmax.f32 v5, v63;
	v8 =	vmax.f32 v8, v61  }
0x1b3: {  	v18 =	vmax.f32 v49, v58;
	v9 =	vmax.f32 v50, v54;
	v31 =	vor.u32 $0x2, v2  }
0x1b4: {  	v3 =	vmax.f32 v3, v33;
	v47 =	vmin.f32 v42, v18;
	v10 =	vmax.f32 v42, v18  }
0x1b5: {  	v13 =	vmin.f32 v13, v46;
	v12 =	vmin.f32 v12, v44;
	v4 =	vmax.f32 v48, v36  }
0x1b6: {  	v43 =	vld [tilespmem:s31+$0x11C80];
	v45 =	vmin.f32 v3, v8;
	v3 =	vmax.f32 v3, v8;
	v11 =	vmin.f32 v37, v51  }
0x1b7: {  	v53 =	vld [tilespmem:s31+$0x11F00];
	v15 =	vmin.f32 v40, v56;
	v6 =	vmax.f32 v6, v38;
	v50 =	vmin.f32 v4, v9  }
0x1b8: {  	v58 =	vld [tilespmem:s31+$0x11C00];
	v4 =	vmax.f32 v4, v9;
	v35 =	vmin.f32 v11, v15;
	v11 =	vmax.f32 v11, v15  }
0x1b9: {  	v34 =	vld [tilespmem:s31+$0x12100];
	v49 =	vmin.f32 v5, v6;
	v5 =	vmax.f32 v5, v6;
	v54 =	vmin.f32 v10, v4  }
0x1ba: {  	v33 =	vld [tilespmem:s31+$0x12080];
	v4 =	vmax.f32 v10, v4;
	v57 =	vmin.f32 v47, v50;
	v6 =	vmax.f32 v47, v50  }
0x1bb: {  	v48 =	vld [tilespmem:s31+$0x11E80];
	v16 =	vmin.f32 v41, v43;
	v52 =	vmin.f32 v3, v5;
	v3 =	vmax.f32 v3, v5  }
0x1bc: {  	v40 =	vld [tilespmem:s31+$0x12300];
	v55 =	vmin.f32 v45, v49;
	v14 =	vmax.f32 v45, v49;
	v5 =	vmin.f32 v17, v53  }
0x1bd: {  	v36 =	vld [tilespmem:s31+$0x12180];
	v7 =	vmin.f32 v7, v58;
	v59 =	vmin.f32 v3, v4;
	v3 =	vmax.f32 v3, v4  }
0x1be: {  	v63 =	vld [tilespmem:s31+$0x12000];
	v60 =	vmin.f32 v52, v54;
	v9 =	vmax.f32 v52, v54;
	v61 =	vmin.f32 v14, v6  }
0x1bf: {  	v6 =	vmax.f32 v14, v6;
	v62 =	vmin.f32 v55, v57;
	v10 =	vmax.f32 v55, v57  }
0x1c0: {  	v38 =	vld [tilespmem:s31+$0x12200];
	v20 =	vmin.f32 v5, v12;
	v5 =	vmax.f32 v5, v12;
	v32 =	vmin.f32 v39, v48  }
0x1c1: {  	v39 =	vmin.f32 v13, v7;
	v7 =	vmax.f32 v13, v7;
	v13 =	vmax.f32 v59, v40  }
0x1c2: {  	v43 =	vld [tilespmem:s31+$0x12380];
	v6 =	vmax.f32 v6, v36;
	v54 =	vmax.f32 v61, v34;
	v10 =	vmax.f32 v10, v33  }
0x1c3: {  	v28 =	vld [tilespmem:s31+$0x12400];
	v14 =	vmax.f32 v62, v63;
	v37 =	vmin.f32 v32, v16;
	v16 =	vmax.f32 v32, v16  }
0x1c4: {  	v30 =	vld [tilespmem:s31+$0x12580];
	v42 =	vmin.f32 v20, v39;
	v17 =	vmax.f32 v20, v39;
	v46 =	vmin.f32 v5, v7  }
0x1c5: {  	v45 =	vld [tilespmem:s31+$0x12280];
	v5 =	vmax.f32 v5, v7;
	v4 =	vmax.f32 v60, v38;
	v38 =	vor.u32 $0x1, v2  }
0x1c6: {  	v51 =	vld [tilespmem:s31+$0x12600];
	v41 =	vmin.f32 v35, v37;
	v8 =	vmax.f32 v35, v37;
	v44 =	vmin.f32 v11, v16  }
0x1c7: {  	v53 =	vld [tilespmem:s31+$0x12780];
	v11 =	vmax.f32 v11, v16;
	v3 =	vmax.f32 v3, v43;
	v35 =	vor.u32 $0x8, v2  }
0x1c8: {  	v52 =	vld [tilespmem:s31+$0x12700];
	v47 =	vmin.f32 v41, v42;
	v12 =	vmax.f32 v41, v42;
	v48 =	vmin.f32 v8, v17  }
0x1c9: {  	v55 =	vld [tilespmem:s31+$0x12680];
	v8 =	vmax.f32 v8, v17;
	v29 =	vmin.f32 v44, v46;
	v20 =	vmax.f32 v44, v46  }
0x1ca: {  	v57 =	vld [tilespmem:s31+$0x12500];
	v50 =	vmin.f32 v11, v5;
	v5 =	vmax.f32 v11, v5;
	v9 =	vmax.f32 v9, v45  }
0x1cb: {  	v49 =	vld [tilespmem:s31+$0x12480];
	v56 =	vmin.f32 v3, v6;
	v3 =	vmax.f32 v3, v6;
	v6 =	vmin.f32 v13, v54  }
0x1cc: {  	v13 =	vmax.f32 v13, v54;
	v41 =	vor.u32 $0x9, v2;
	v58 =	vmin.f32 v9, v10  }
0x1cd: {  	v9 =	vmax.f32 v9, v10;
	v10 =	vmin.f32 v4, v14;
	v4 =	vmax.f32 v4, v14  }
0x1ce: {  	v7 =	vmin.f32 v47, v53;
	v12 =	vmin.f32 v12, v52;
	v62 =	vmin.f32 v48, v55  }
0x1cf: {  	v8 =	vmin.f32 v8, v51;
	v63 =	vmin.f32 v29, v30;
	v33 =	vmin.f32 v20, v57  }
0x1d0: {  	v17 =	vmin.f32 v50, v49;
	v5 =	vmin.f32 v5, v28;
	v59 =	vmin.f32 v3, v9  }
0x1d1: {  	v3 =	vmax.f32 v3, v9;
	v60 =	vmin.f32 v13, v4;
	v34 =	vmin.f32 v7, v63  }
0x1d2: {  	v21 =	vmin.f32 v12, v33;
	v36 =	vmin.f32 v62, v17;
	v37 =	vmin.f32 v8, v5  }
0x1d3: {  	v4 =	vmax.f32 v13, v4;
	v39 =	vmin.f32 v34, v36;
	v40 =	vmin.f32 v21, v37  }
0x1d4: {  	v61 =	vmax.f32 v56, v58;
	v7 =	vmax.f32 v7, v63;
	v43 =	vmin.f32 v39, v40  }
0x1d5: {  	v45 =	vor.u32 $0xA, v2;
	v42 =	vmin.f32 v3, v4;
	v3 =	vmax.f32 v3, v4;
	[tilespmem:v2+s16+$0x0] =	vst.idx.msk $0xffff, v43  }
0x1d6: {  	v12 =	vmax.f32 v12, v33;
	v46 =	vmax.f32 v39, v40;
	[tilespmem:v35+s16+$0x0] =	vst.idx.msk $0xffff, v3;
	v3 =	vor.u32 $0x3, v2  }
0x1d7: {  	v47 =	vor.u32 $0xB, v2;
	v20 =	vmax.f32 v34, v36;
	v21 =	vmax.f32 v21, v37;
	[tilespmem:v38+s16+$0x0] =	vst.idx.msk $0xffff, v46  }
0x1d8: {  	v49 =	vor.u32 $0x4, v2;
	v15 =	vmax.f32 v62, v17;
	v48 =	vmin.f32 v20, v21;
	[tilespmem:v41+s16+$0x0] =	vst.idx.msk $0xffff, v42  }
0x1d9: {  	v50 =	vor.u32 $0xC, v2;
	v5 =	vmax.f32 v8, v5;
	v9 =	vmax.f32 v59, v60;
	[tilespmem:v31+s16+$0x0] =	vst.idx.msk $0xffff, v48  }
0x1da: {  	v52 =	vor.u32 $0x5, v2;
	v44 =	vmin.f32 v59, v60;
	v51 =	vmax.f32 v20, v21;
	[tilespmem:v45+s16+$0x0] =	vst.idx.msk $0xffff, v9  }
0x1db: {  	v17 =	vmin.f32 v7, v15;
	v18 =	vmin.f32 v12, v5;
	[tilespmem:v3+s16+$0x0] =	vst.idx.msk $0xffff, v51;
	v3 =	vor.u32 $0xD, v2  }
0x1dc: {  	s23 =	simm.s32 $0x1;
	v55 =	vor.u32 $0x6, v2;
	v53 =	vmax.f32 v6, v10;
	v54 =	vmin.f32 v17, v18;
	[tilespmem:v47+s16+$0x0] =	vst.idx.msk $0xffff, v44  }
0x1dd: {  	s23 =	simm.s32 @!p0 $0x0;
	v56 =	vmin.f32 v56, v58;
	v58 =	vor.u32 $0xE, v2;
	v57 =	vmax.f32 v61, v53;
	[tilespmem:v49+s16+$0x0] =	vst.idx.msk $0xffff, v54  }
0x1de: {  	s23 =	sor.u32 s23, s6;
	v8 =	vmin.f32 v61, v53;
	v60 =	vor.u32 $0x7, v2;
	v59 =	vmax.f32 v17, v18;
	[tilespmem:v50+s16+$0x0] =	vst.idx.msk $0xffff, v57  }
0x1df: {  	s23 =	smul.u32 $0x18000, s23;
	v7 =	vmax.f32 v7, v15;
	v5 =	vmax.f32 v12, v5;
	v61 =	vor.u32 $0xF, v2;
	[tilespmem:v52+s16+$0x0] =	vst.idx.msk $0xffff, v59  }
0x1e0: {  	s21 =	sshll.u32 s21, $0xE;
	v6 =	vmin.f32 v6, v10;
	v62 =	vmin.f32 v7, v5;
	[tilespmem:v3+s16+$0x0] =	vst.idx.msk $0xffff, v8  }
0x1e1: {  	s21 =	sadd.s32 s23, s21;
	s22 =	sshll.u32 s31, $0x7;
	v3 =	vmax.f32 v56, v6;
	[tilespmem:v55+s16+$0x0] =	vst.idx.msk $0xffff, v62  }
0x1e2: {  	s21 =	sor.u32 s22, s21;
	v63 =	vmax.f32 v7, v5;
	[tilespmem:v58+s16+$0x0] =	vst.idx.msk $0xffff, v3  }
0x1e3: {  	p0 =	sne.s32 s18, $0x5;
	s21 =	sshrl.u32 s21, $0x3;
	v3 =	vmin.f32 v56, v6;
	[tilespmem:v60+s16+$0x0] =	vst.idx.msk $0xffff, v63  }
.Ltmp8:
0x1e4: {  	s21 =	sadd.s32 s5, s21;
	[tilespmem:v61+s16+$0x0] =	vst.idx.msk $0xffff, v3;
	(pc) =	sbr.rel @p0 .LBB2_15-.Ltmp8, $4  }
0x1e5: {  	[hbm4b:s21+s3] =	stream.linear.scatter [tilespmem:s16], [sflag:$0x3], $0x800, $0x38;
	[tilespmem:$0x14800] =	vst v63  }
0x1e6: {  	_ =	swait.ge [sflag:s15], $0x800  }
0x1e7: {  	s20 =	sadd.s32 $0x100, s20;
	[sflag:s15] =	ssyncset.done $0x0  }
0x1e8: {  	s19 =	sadd.s32 $0x10, s19;
	s18 =	sadd.s32 $0x1, s18;
	[sflag:s15] =	ssyncadd.s32 $0xFFFFF800  }
0x1e9: {  	s17 =	sadd.s32 $0x1, s17  }
0x1ea: {  	p0 =	sne.s32 s17, s7  }
.Ltmp9:
0x1eb: {  	_ = 	snop;
	(pc) =	sbr.rel @p0 .LBB2_1-.Ltmp9, $1  }
0x1ec: {  	_ =	sdelay $0x3  }
0x1ed: {  	_ =	sfence.sel $0x180000  }
0x1ee: {  	[bflag:$0x0] =	sbarrier.arrive $0xFFFF  }
0x1ef: {  	p0 =	sne.s32 s4, $0x0;
	_ =	strace $0x90000047  }
0x1f0: {  	s0 =	sadd.s32 @!p0 $0x100000, s0;
	[bflag:$0x2] =	sbarrier.arrive $0xFFFF  }
0x1f1: {  	[sflag:s0] =	ssyncadd.tile.s32 @!p0 $0x1;
	_ =	shalt  }
.Lfunc_end2:
_tile_overlayer_lowered:
.L_overlay_start_2:
0x1f2: {  	(tag) =	ssettag $0x2  }
0x1f3: {  	s0 =	rddreg [dreg:$0x0];
	s2 =	stileid.u32  }
0x1f4: {  	s1 =	rddreg [dreg:$0x1];
	p0 =	sne.s32 s2, $0x0  }
0x1f5: {  	s3 =	rddreg [dreg:$0x2];
	[bflag:$0x3] =	sbarrier.arrive $0xFFFF;
	s2 =	simm.s32 @!p0 $0x1C03  }
0x1f6: {  	[timem:s3], [sflag:s2] =	dma.local @!p0 [hbm:s0], s1  }
0x1f7: {  	s0 =	simm.s32 @!p0 $0x3  }
0x1f8: {  	_ =	swait.ge @!p0 [sflag:s0], s1  }
0x1f9: {  	s1 =	ssub.s32 @!p0 $0x0, s1;
	[sflag:s0] =	ssyncset.done @!p0 $0x0  }
0x1fa: {  	[sflag:s0] =	ssyncadd.s32 @!p0 s1  }
0x1fb: {  	[bflag:$0x3] =	sbarrier.arrive $0xFFFF  }
0x1fc: {  	_ =	shalt  }

</sc_bundles>
